<compile_context>
chip_gen: v7x
topology: tpu7x:2x2x1
jax: 0.10.2.dev20260603
libtpu: 0.0.44.dev20260713+nightly
codegen_flags: <defaults>
</compile_context>

<pallas_src>
import functools

import jax
import jax.numpy as jnp
from jax import lax
from jax.experimental import pallas as pl
from jax.experimental.pallas import tpu as pltpu
from jax.experimental.pallas import tpu_sc as plsc

_N = 10000
_E = 320000
_DIN = 128
_CW = 16

_NC = 2
_NS = 16
_NW = _NC * _NS
_PER_TILE = _E // _NW
_CH = 125
_NCH = _PER_TILE // _CH
_NB = 8
_ROWS_PER_TILE = _N // _NS

_LEAK = 0.01


def _lrelu(v):
    return jnp.where(v > 0, v, _LEAK * v)


def _h_body(x_ref, win_ref, bin_ref, h_ref):
    h = jnp.dot(x_ref[...], win_ref[...], preferred_element_type=jnp.float32)
    h_ref[...] = _lrelu(h + bin_ref[...])


def _compute_h(x, W_in, b_in):
    bn = 1000
    return pl.pallas_call(
        _h_body,
        grid=(_N // bn,),
        in_specs=[
            pl.BlockSpec((bn, _DIN), lambda i: (i, 0)),
            pl.BlockSpec((_DIN, _CW), lambda i: (0, 0)),
            pl.BlockSpec((1, _CW), lambda i: (0, 0)),
        ],
        out_specs=pl.BlockSpec((bn, _CW), lambda i: (i, 0)),
        out_shape=jax.ShapeDtypeStruct((_N, _CW), jnp.float32),
    )(x, W_in, b_in.reshape(1, _CW))


_EAROWS = _E // 8 // _NW


def _gather_body(h_hbm, src_hbm, ea_hbm, out_hbm, eap_hbm,
                 idx_v, rows_v, ea_v, gsems, ssem):
    c = lax.axis_index("c")
    s = lax.axis_index("s")
    wid = s * _NC + c
    base = wid * _PER_TILE
    pltpu.sync_copy(src_hbm.at[wid], idx_v)
    for k in range(4):
        pltpu.sync_copy(ea_hbm.at[k, pl.ds(wid * _EAROWS, _EAROWS)], ea_v)
        pltpu.sync_copy(ea_v, eap_hbm.at[pl.ds(wid * _EAROWS, _EAROWS),
                                         pl.ds(8 * k, 8)])

    def outer(rr, carry):
        c0 = rr * _NB
        gd = [pltpu.async_copy(h_hbm.at[idx_v.at[c0 + j]], rows_v.at[j], gsems.at[j])
              for j in range(_NB)]
        sd = []
        for j in range(_NB):
            gd[j].wait()
            sd.append(pltpu.async_copy(
                rows_v.at[j], out_hbm.at[pl.ds(base + (c0 + j) * _CH, _CH)], ssem))
        for d in sd:
            d.wait()
        return carry

    lax.fori_loop(0, _NCH // _NB, outer, 0)


def _gather_rows(h, src2, ea32):
    mesh = plsc.VectorSubcoreMesh(core_axis_name="c", subcore_axis_name="s")
    return pl.kernel(
        _gather_body,
        out_type=(jax.ShapeDtypeStruct((_E, _CW), jnp.float32),
                  jax.ShapeDtypeStruct((_E // 8, 128), jnp.float32)),
        mesh=mesh,
        scratch_types=[
            pltpu.VMEM((_NCH, _CH), jnp.int32),
            pltpu.VMEM((_NB, _CH, _CW), jnp.float32),
            pltpu.VMEM((_EAROWS, 8), jnp.float32),
            pltpu.SemaphoreType.DMA((_NB,)),
            pltpu.SemaphoreType.DMA,
        ],
        compiler_params=pltpu.CompilerParams(use_tc_tiling_on_sc=False),
    )(h, src2, ea32)


def _msg_body(eap_ref, xp_ref, we_ref, be_ref, rep_ref, s_ref, msgp_ref):
    eapt = jnp.transpose(eap_ref[:, :32]).reshape(4, 8, -1)
    for b in range(8):
        ea_bt = eapt[:, b, :]
        z = lax.dot_general(ea_bt, we_ref[...], (((0,), (0,)), ((), ())),
                            preferred_element_type=jnp.float32)
        x_b = xp_ref[:, _CW * b:_CW * b + _CW]
        w = _lrelu(z + be_ref[...])
        xb = jnp.dot(x_b, rep_ref[...], preferred_element_type=jnp.float32)
        msgp_ref[:, _CW * b:_CW * b + _CW] = jnp.dot(
            w * xb, s_ref[...], preferred_element_type=jnp.float32)


def _compute_msg(eap, xp, W_edge, b_edge):
    blk = 1000
    ep8 = _E // 8
    rep = jnp.repeat(jnp.eye(_CW, dtype=jnp.float32), _CW, axis=1)
    smat = jnp.tile(jnp.eye(_CW, dtype=jnp.float32), (_CW, 1))
    return pl.pallas_call(
        _msg_body,
        grid=(ep8 // blk,),
        in_specs=[
            pl.BlockSpec((blk, 128), lambda i: (i, 0)),
            pl.BlockSpec((blk, 128), lambda i: (i, 0)),
            pl.BlockSpec((4, _CW * _CW), lambda i: (0, 0)),
            pl.BlockSpec((1, _CW * _CW), lambda i: (0, 0)),
            pl.BlockSpec((_CW, _CW * _CW), lambda i: (0, 0)),
            pl.BlockSpec((_CW * _CW, _CW), lambda i: (0, 0)),
        ],
        out_specs=pl.BlockSpec((blk, 128), lambda i: (i, 0)),
        out_shape=jax.ShapeDtypeStruct((ep8, 128), jnp.float32),
    )(eap, xp, W_edge, b_edge.reshape(1, _CW * _CW), rep, smat)


def _scatter_body(msg_hbm, dst_hbm, zer_hbm, out_hbm,
                  idx_v, msg_v, aggr_sh, lsems, asem):
    c = lax.axis_index("c")
    s = lax.axis_index("s")
    wid = s * _NC + c
    base = wid * _PER_TILE
    pltpu.sync_copy(dst_hbm.at[wid], idx_v)
    row0 = s * _ROWS_PER_TILE
    pltpu.sync_copy(zer_hbm.at[pl.ds(row0, _ROWS_PER_TILE)],
                    aggr_sh.at[pl.ds(row0, _ROWS_PER_TILE)])
    plsc.subcore_barrier()

    def outer(rr, carry):
        c0 = rr * _NB
        ld = [pltpu.async_copy(msg_hbm.at[pl.ds(base + (c0 + j) * _CH, _CH)],
                               msg_v.at[j], lsems.at[j]) for j in range(_NB)]
        ad = []
        for j in range(_NB):
            ld[j].wait()
            ad.append(pltpu.async_copy(msg_v.at[j], aggr_sh.at[idx_v.at[c0 + j]],
                                       asem, add=True))
        for d in ad:
            d.wait()
        return carry

    lax.fori_loop(0, _NCH // _NB, outer, 0)
    plsc.subcore_barrier()
    pltpu.sync_copy(aggr_sh.at[pl.ds(row0, _ROWS_PER_TILE)],
                    out_hbm.at[c, pl.ds(row0, _ROWS_PER_TILE)])


def _scatter_add(msg, dst2, zeros_n):
    mesh = plsc.VectorSubcoreMesh(core_axis_name="c", subcore_axis_name="s")
    return pl.kernel(
        _scatter_body,
        out_type=jax.ShapeDtypeStruct((_NC, _N, _CW), jnp.float32),
        mesh=mesh,
        scratch_types=[
            pltpu.VMEM((_NCH, _CH), jnp.int32),
            pltpu.VMEM((_NB, _CH, _CW), jnp.float32),
            pltpu.VMEM_SHARED((_N, _CW), jnp.float32),
            pltpu.SemaphoreType.DMA((_NB,)),
            pltpu.SemaphoreType.DMA,
        ],
        compiler_params=pltpu.CompilerParams(use_tc_tiling_on_sc=False),
    )(msg, dst2, zeros_n)


def _out_body(aggr_ref, h_ref, root_ref, bias_ref, wout_ref, bout_ref, o_ref):
    a = aggr_ref[0] + aggr_ref[1]
    a = a + jnp.dot(h_ref[...], root_ref[...], preferred_element_type=jnp.float32)
    a = _lrelu(a + bias_ref[...])
    o_ref[...] = jnp.dot(a, wout_ref[...], preferred_element_type=jnp.float32) + bout_ref[...]


def _compute_out(aggr2, h, root, bias, W_out, b_out):
    bn = 2000
    return pl.pallas_call(
        _out_body,
        grid=(_N // bn,),
        in_specs=[
            pl.BlockSpec((_NC, bn, _CW), lambda i: (0, i, 0)),
            pl.BlockSpec((bn, _CW), lambda i: (i, 0)),
            pl.BlockSpec((_CW, _CW), lambda i: (0, 0)),
            pl.BlockSpec((1, _CW), lambda i: (0, 0)),
            pl.BlockSpec((_CW, 1), lambda i: (0, 0)),
            pl.BlockSpec((1, 1), lambda i: (0, 0)),
        ],
        out_specs=pl.BlockSpec((bn, 1), lambda i: (i, 0)),
        out_shape=jax.ShapeDtypeStruct((_N, 1), jnp.float32),
    )(aggr2, h, root, bias.reshape(1, _CW), W_out, b_out.reshape(1, 1))


def kernel(x, edge_index, edge_attr, W_in, b_in, W_edge, b_edge, root, bias, W_out, b_out):
    src2 = edge_index[0].reshape(_NW, _NCH, _CH)
    dst2 = edge_index[1].reshape(_NW, _NCH, _CH)
    h = _compute_h(x, W_in, b_in)
    x_j, eap = _gather_rows(h, src2, edge_attr.T.reshape(4, _E // 8, 8))
    msgp = _compute_msg(eap, x_j.reshape(_E // 8, 128), W_edge, b_edge)
    zeros_n = jnp.zeros((_N, _CW), dtype=jnp.float32)
    aggr2 = _scatter_add(msgp.reshape(_E, _CW), dst2, zeros_n)
    return _compute_out(aggr2, h, root, bias, W_out, b_out)

# --- scband reference (transcript-rebuilt; emitter-appended) ---
"""Pipeline reference for scband-nnconv-net-36524401885778 (READ-ONLY COPY).

The authoritative reference and input builder live on the scoring server;
editing this copy changes nothing except your own understanding.
"""

import jax, jax.numpy as jnp
import numpy as np

N = 10000
E = 320000
D_IN = 128
D_EDGE = 4
CW = 16


def setup_inputs(seed: int = 0) -> dict:
    key = jax.random.key(seed)
    ks = jax.random.split(key, 12)
    x = jax.random.normal(ks[0], (N, D_IN), dtype=jnp.float32)
    edge_index = jax.random.randint(ks[1], (2, E), 0, N, dtype=jnp.int32)
    edge_attr = jax.random.normal(ks[2], (E, D_EDGE), dtype=jnp.float32)
    # learned parameters (eval-mode; dropout treated as identity)
    W_in = jax.random.normal(ks[3], (D_IN, CW), dtype=jnp.float32) / np.sqrt(D_IN)
    b_in = jnp.zeros((CW,), dtype=jnp.float32)
    W_edge = jax.random.normal(ks[4], (D_EDGE, CW * CW), dtype=jnp.float32) / np.sqrt(D_EDGE)
    b_edge = jnp.zeros((CW * CW,), dtype=jnp.float32)
    root = jax.random.normal(ks[5], (CW, CW), dtype=jnp.float32) / np.sqrt(CW)
    bias = jnp.zeros((CW,), dtype=jnp.float32)
    W_out = jax.random.normal(ks[6], (CW, 1), dtype=jnp.float32) / np.sqrt(CW)
    b_out = jnp.zeros((1,), dtype=jnp.float32)
    return {"x": x, "edge_index": edge_index, "edge_attr": edge_attr,
            "W_in": W_in, "b_in": b_in, "W_edge": W_edge, "b_edge": b_edge,
            "root": root, "bias": bias, "W_out": W_out, "b_out": b_out}


def reference(x, edge_index, edge_attr, W_in, b_in, W_edge, b_edge, root, bias, W_out, b_out):
    # lin_in + leaky_relu (dropout is identity in eval / deterministic reference)
    h = jax.nn.leaky_relu(x @ W_in + b_in, negative_slope=0.01)
    # edge_nn: Linear -> LeakyReLU, producing per-edge [CW, CW] weight matrices
    w = jax.nn.leaky_relu(edge_attr @ W_edge + b_edge, negative_slope=0.01)
    w = w.reshape(-1, CW, CW)
    src = edge_index[0]
    dst = edge_index[1]
    # NNConv message: x_j @ W_e  (gather per edge)
    x_j = h[src]                                   # [E, CW] gather
    msg = jnp.einsum('ei,eio->eo', x_j, w)          # [E, CW]
    # aggr='add' scatter into destination nodes
    aggr = jnp.zeros((x.shape[0], CW), dtype=h.dtype).at[dst].add(msg)
    # root weight + bias
    h = aggr + h @ root + bias
    h = jax.nn.leaky_relu(h, negative_slope=0.01)
    # lin_out
    return h @ W_out + b_out

if __name__ == "__main__":
    import jax
    _d = setup_inputs()
    print(jax.jit(kernel)(*tuple(_d.values())))

</pallas_src>

<mosaic_0001>
#map = affine_map<(d0, d1) -> (0, 0)>
#map1 = affine_map<(d0, d1) -> (0, 0, 0)>
module attributes {stable_mosaic.version = 14 : i64} {
  func.func @_gather_body(%arg0: i32, %arg1: i32, %arg2: memref<10000x16xf32, #tpu.memory_space<hbm>>, %arg3: memref<32x80x125xi32, #tpu.memory_space<hbm>>, %arg4: memref<4x40000x8xf32, #tpu.memory_space<hbm>>, %arg5: memref<320000x16xf32, #tpu.memory_space<hbm>>, %arg6: memref<40000x128xf32, #tpu.memory_space<hbm>>, %arg7: memref<80x125xi32, #tpu.memory_space<vmem>>, %arg8: memref<8x125x16xf32, #tpu.memory_space<vmem>>, %arg9: memref<1250x8xf32, #tpu.memory_space<vmem>>, %arg10: memref<8x!tpu.dma_semaphore, #tpu.memory_space<semaphore_mem>>, %arg11: memref<!tpu.dma_semaphore, #tpu.memory_space<semaphore_mem>>) attributes {dimension_semantics = [#tpu.dimension_semantics<core_parallel>, #tpu.dimension_semantics<subcore_parallel>], iteration_bounds = array<i64: 2, 16>, scalar_prefetch = 0 : i64, scratch_operands = 5 : i64, tpu.core_type = #tpu.core_type<sc_vector_subcore>, window_params = [{transform_indices = #map}, {transform_indices = #map1}, {transform_indices = #map1}, {transform_indices = #map}, {transform_indices = #map}]} {
    %mul3A = arith.constant 2 : i32
    %mul3A_0 = arith.muli %arg1, %mul3A : i32
    %add3A = arith.addi %mul3A_0, %arg0 : i32
    %mul3A_1 = arith.constant 10000 : i32
    %mul3A_2 = arith.muli %add3A, %mul3A_1 : i32
    "tpu.region"() ({
      %run_scoped3A_27 = tpu.sem_alloc : memref<!tpu.dma_semaphore, #tpu.memory_space<semaphore_mem>>
      %dma_start3A = arith.constant 0 : i32
      %dma_start3A_28 = arith.constant 0 : i32
      %dma_start3A_29 = tpu.memref_slice %arg3[%add3A, %dma_start3A, %dma_start3A_28] : memref<32x80x125xi32, #tpu.memory_space<hbm>> -> memref<1x80x125xi32, #tpu.memory_space<hbm>>
      %dma_start3A_30 = tpu.memref_squeeze %dma_start3A_29 : memref<1x80x125xi32, #tpu.memory_space<hbm>> -> memref<80x125xi32, #tpu.memory_space<hbm>>
      %dma_start3A_31 = arith.constant 0 : i32
      %dma_start3A_32 = arith.constant 0 : i32
      %dma_start3A_33 = tpu.memref_slice %arg3[%add3A, %dma_start3A_31, %dma_start3A_32] : memref<32x80x125xi32, #tpu.memory_space<hbm>> -> memref<1x80x125xi32, #tpu.memory_space<hbm>>
      %dma_start3A_34 = tpu.memref_squeeze %dma_start3A_33 : memref<1x80x125xi32, #tpu.memory_space<hbm>> -> memref<80x125xi32, #tpu.memory_space<hbm>>
      tpu.enqueue_dma source(%dma_start3A_34 : memref<80x125xi32, #tpu.memory_space<hbm>>) target(%arg7 : memref<80x125xi32, #tpu.memory_space<vmem>>) target_semaphore(%run_scoped3A_27 : memref<!tpu.dma_semaphore, #tpu.memory_space<semaphore_mem>>)
      %dma_wait3A = arith.constant 0 : i32
      %dma_wait3A_35 = arith.constant 0 : i32
      %dma_wait3A_36 = tpu.memref_slice %arg3[%add3A, %dma_wait3A, %dma_wait3A_35] : memref<32x80x125xi32, #tpu.memory_space<hbm>> -> memref<1x80x125xi32, #tpu.memory_space<hbm>>
      %dma_wait3A_37 = tpu.memref_squeeze %dma_wait3A_36 : memref<1x80x125xi32, #tpu.memory_space<hbm>> -> memref<80x125xi32, #tpu.memory_space<hbm>>
      %dma_wait3A_38 = arith.constant 0 : i32
      %dma_wait3A_39 = arith.constant 0 : i32
      %dma_wait3A_40 = tpu.memref_slice %arg3[%add3A, %dma_wait3A_38, %dma_wait3A_39] : memref<32x80x125xi32, #tpu.memory_space<hbm>> -> memref<1x80x125xi32, #tpu.memory_space<hbm>>
      %dma_wait3A_41 = tpu.memref_squeeze %dma_wait3A_40 : memref<1x80x125xi32, #tpu.memory_space<hbm>> -> memref<80x125xi32, #tpu.memory_space<hbm>>
      tpu.wait_dma2 semaphore(%run_scoped3A_27 : memref<!tpu.dma_semaphore, #tpu.memory_space<semaphore_mem>>) src(%dma_wait3A_41 : memref<80x125xi32, #tpu.memory_space<hbm>>) dst(%arg7 : memref<80x125xi32, #tpu.memory_space<vmem>>)
      tpu.yield
    }) : () -> ()
    %mul3A_3 = arith.constant 1250 : i32
    %mul3A_4 = arith.muli %add3A, %mul3A_3 : i32
    %run_scoped3A = arith.constant 0 : i32
    "tpu.region"() ({
      %run_scoped3A_27 = tpu.sem_alloc : memref<!tpu.dma_semaphore, #tpu.memory_space<semaphore_mem>>
      %dma_start3A = arith.constant 0 : i32
      %dma_start3A_28 = tpu.memref_slice %arg4[%run_scoped3A, %mul3A_4, %dma_start3A] : memref<4x40000x8xf32, #tpu.memory_space<hbm>> -> memref<1x1250x8xf32, #tpu.memory_space<hbm>>
      %dma_start3A_29 = tpu.memref_squeeze %dma_start3A_28 : memref<1x1250x8xf32, #tpu.memory_space<hbm>> -> memref<1250x8xf32, #tpu.memory_space<hbm>>
      %dma_start3A_30 = arith.constant 0 : i32
      %dma_start3A_31 = tpu.memref_slice %arg4[%run_scoped3A, %mul3A_4, %dma_start3A_30] : memref<4x40000x8xf32, #tpu.memory_space<hbm>> -> memref<1x1250x8xf32, #tpu.memory_space<hbm>>
      %dma_start3A_32 = tpu.memref_squeeze %dma_start3A_31 : memref<1x1250x8xf32, #tpu.memory_space<hbm>> -> memref<1250x8xf32, #tpu.memory_space<hbm>>
      tpu.enqueue_dma source(%dma_start3A_32 : memref<1250x8xf32, #tpu.memory_space<hbm>>) target(%arg9 : memref<1250x8xf32, #tpu.memory_space<vmem>>) target_semaphore(%run_scoped3A_27 : memref<!tpu.dma_semaphore, #tpu.memory_space<semaphore_mem>>)
      %dma_wait3A = arith.constant 0 : i32
      %dma_wait3A_33 = tpu.memref_slice %arg4[%run_scoped3A, %mul3A_4, %dma_wait3A] : memref<4x40000x8xf32, #tpu.memory_space<hbm>> -> memref<1x1250x8xf32, #tpu.memory_space<hbm>>
      %dma_wait3A_34 = tpu.memref_squeeze %dma_wait3A_33 : memref<1x1250x8xf32, #tpu.memory_space<hbm>> -> memref<1250x8xf32, #tpu.memory_space<hbm>>
      %dma_wait3A_35 = arith.constant 0 : i32
      %dma_wait3A_36 = tpu.memref_slice %arg4[%run_scoped3A, %mul3A_4, %dma_wait3A_35] : memref<4x40000x8xf32, #tpu.memory_space<hbm>> -> memref<1x1250x8xf32, #tpu.memory_space<hbm>>
      %dma_wait3A_37 = tpu.memref_squeeze %dma_wait3A_36 : memref<1x1250x8xf32, #tpu.memory_space<hbm>> -> memref<1250x8xf32, #tpu.memory_space<hbm>>
      tpu.wait_dma2 semaphore(%run_scoped3A_27 : memref<!tpu.dma_semaphore, #tpu.memory_space<semaphore_mem>>) src(%dma_wait3A_37 : memref<1250x8xf32, #tpu.memory_space<hbm>>) dst(%arg9 : memref<1250x8xf32, #tpu.memory_space<vmem>>)
      tpu.yield
    }) : () -> ()
    %mul3A_5 = arith.constant 1250 : i32
    %mul3A_6 = arith.muli %add3A, %mul3A_5 : i32
    "tpu.region"() ({
      %run_scoped3A_27 = tpu.sem_alloc : memref<!tpu.dma_semaphore, #tpu.memory_space<semaphore_mem>>
      %dma_start3A = arith.constant 0 : i32
      %dma_start3A_28 = tpu.memref_slice %arg6[%mul3A_6, %dma_start3A] : memref<40000x128xf32, #tpu.memory_space<hbm>> -> memref<1250x8xf32, #tpu.memory_space<hbm>>
      %dma_start3A_29 = arith.constant 0 : i32
      %dma_start3A_30 = tpu.memref_slice %arg6[%mul3A_6, %dma_start3A_29] : memref<40000x128xf32, #tpu.memory_space<hbm>> -> memref<1250x8xf32, #tpu.memory_space<hbm>>
      tpu.enqueue_dma source(%arg9 : memref<1250x8xf32, #tpu.memory_space<vmem>>) target(%dma_start3A_30 : memref<1250x8xf32, #tpu.memory_space<hbm>>) target_semaphore(%run_scoped3A_27 : memref<!tpu.dma_semaphore, #tpu.memory_space<semaphore_mem>>)
      %dma_wait3A = arith.constant 0 : i32
      %dma_wait3A_31 = tpu.memref_slice %arg6[%mul3A_6, %dma_wait3A] : memref<40000x128xf32, #tpu.memory_space<hbm>> -> memref<1250x8xf32, #tpu.memory_space<hbm>>
      %dma_wait3A_32 = arith.constant 0 : i32
      %dma_wait3A_33 = tpu.memref_slice %arg6[%mul3A_6, %dma_wait3A_32] : memref<40000x128xf32, #tpu.memory_space<hbm>> -> memref<1250x8xf32, #tpu.memory_space<hbm>>
      tpu.wait_dma2 semaphore(%run_scoped3A_27 : memref<!tpu.dma_semaphore, #tpu.memory_space<semaphore_mem>>) src(%arg9 : memref<1250x8xf32, #tpu.memory_space<vmem>>) dst(%dma_wait3A_33 : memref<1250x8xf32, #tpu.memory_space<hbm>>)
      tpu.yield
    }) : () -> ()
    %mul3A_7 = arith.constant 1250 : i32
    %mul3A_8 = arith.muli %add3A, %mul3A_7 : i32
    %run_scoped3A_9 = arith.constant 1 : i32
    "tpu.region"() ({
      %run_scoped3A_27 = tpu.sem_alloc : memref<!tpu.dma_semaphore, #tpu.memory_space<semaphore_mem>>
      %dma_start3A = arith.constant 0 : i32
      %dma_start3A_28 = tpu.memref_slice %arg4[%run_scoped3A_9, %mul3A_8, %dma_start3A] : memref<4x40000x8xf32, #tpu.memory_space<hbm>> -> memref<1x1250x8xf32, #tpu.memory_space<hbm>>
      %dma_start3A_29 = tpu.memref_squeeze %dma_start3A_28 : memref<1x1250x8xf32, #tpu.memory_space<hbm>> -> memref<1250x8xf32, #tpu.memory_space<hbm>>
      %dma_start3A_30 = arith.constant 0 : i32
      %dma_start3A_31 = tpu.memref_slice %arg4[%run_scoped3A_9, %mul3A_8, %dma_start3A_30] : memref<4x40000x8xf32, #tpu.memory_space<hbm>> -> memref<1x1250x8xf32, #tpu.memory_space<hbm>>
      %dma_start3A_32 = tpu.memref_squeeze %dma_start3A_31 : memref<1x1250x8xf32, #tpu.memory_space<hbm>> -> memref<1250x8xf32, #tpu.memory_space<hbm>>
      tpu.enqueue_dma source(%dma_start3A_32 : memref<1250x8xf32, #tpu.memory_space<hbm>>) target(%arg9 : memref<1250x8xf32, #tpu.memory_space<vmem>>) target_semaphore(%run_scoped3A_27 : memref<!tpu.dma_semaphore, #tpu.memory_space<semaphore_mem>>)
      %dma_wait3A = arith.constant 0 : i32
      %dma_wait3A_33 = tpu.memref_slice %arg4[%run_scoped3A_9, %mul3A_8, %dma_wait3A] : memref<4x40000x8xf32, #tpu.memory_space<hbm>> -> memref<1x1250x8xf32, #tpu.memory_space<hbm>>
      %dma_wait3A_34 = tpu.memref_squeeze %dma_wait3A_33 : memref<1x1250x8xf32, #tpu.memory_space<hbm>> -> memref<1250x8xf32, #tpu.memory_space<hbm>>
      %dma_wait3A_35 = arith.constant 0 : i32
      %dma_wait3A_36 = tpu.memref_slice %arg4[%run_scoped3A_9, %mul3A_8, %dma_wait3A_35] : memref<4x40000x8xf32, #tpu.memory_space<hbm>> -> memref<1x1250x8xf32, #tpu.memory_space<hbm>>
      %dma_wait3A_37 = tpu.memref_squeeze %dma_wait3A_36 : memref<1x1250x8xf32, #tpu.memory_space<hbm>> -> memref<1250x8xf32, #tpu.memory_space<hbm>>
      tpu.wait_dma2 semaphore(%run_scoped3A_27 : memref<!tpu.dma_semaphore, #tpu.memory_space<semaphore_mem>>) src(%dma_wait3A_37 : memref<1250x8xf32, #tpu.memory_space<hbm>>) dst(%arg9 : memref<1250x8xf32, #tpu.memory_space<vmem>>)
      tpu.yield
    }) : () -> ()
    %mul3A_10 = arith.constant 1250 : i32
    %mul3A_11 = arith.muli %add3A, %mul3A_10 : i32
    "tpu.region"() ({
      %run_scoped3A_27 = tpu.sem_alloc : memref<!tpu.dma_semaphore, #tpu.memory_space<semaphore_mem>>
      %dma_start3A = arith.constant 8 : i32
      %dma_start3A_28 = tpu.memref_slice %arg6[%mul3A_11, %dma_start3A] : memref<40000x128xf32, #tpu.memory_space<hbm>> -> memref<1250x8xf32, #tpu.memory_space<hbm>>
      %dma_start3A_29 = arith.constant 8 : i32
      %dma_start3A_30 = tpu.memref_slice %arg6[%mul3A_11, %dma_start3A_29] : memref<40000x128xf32, #tpu.memory_space<hbm>> -> memref<1250x8xf32, #tpu.memory_space<hbm>>
      tpu.enqueue_dma source(%arg9 : memref<1250x8xf32, #tpu.memory_space<vmem>>) target(%dma_start3A_30 : memref<1250x8xf32, #tpu.memory_space<hbm>>) target_semaphore(%run_scoped3A_27 : memref<!tpu.dma_semaphore, #tpu.memory_space<semaphore_mem>>)
      %dma_wait3A = arith.constant 8 : i32
      %dma_wait3A_31 = tpu.memref_slice %arg6[%mul3A_11, %dma_wait3A] : memref<40000x128xf32, #tpu.memory_space<hbm>> -> memref<1250x8xf32, #tpu.memory_space<hbm>>
      %dma_wait3A_32 = arith.constant 8 : i32
      %dma_wait3A_33 = tpu.memref_slice %arg6[%mul3A_11, %dma_wait3A_32] : memref<40000x128xf32, #tpu.memory_space<hbm>> -> memref<1250x8xf32, #tpu.memory_space<hbm>>
      tpu.wait_dma2 semaphore(%run_scoped3A_27 : memref<!tpu.dma_semaphore, #tpu.memory_space<semaphore_mem>>) src(%arg9 : memref<1250x8xf32, #tpu.memory_space<vmem>>) dst(%dma_wait3A_33 : memref<1250x8xf32, #tpu.memory_space<hbm>>)
      tpu.yield
    }) : () -> ()
    %mul3A_12 = arith.constant 1250 : i32
    %mul3A_13 = arith.muli %add3A, %mul3A_12 : i32
    %run_scoped3A_14 = arith.constant 2 : i32
    "tpu.region"() ({
      %run_scoped3A_27 = tpu.sem_alloc : memref<!tpu.dma_semaphore, #tpu.memory_space<semaphore_mem>>
      %dma_start3A = arith.constant 0 : i32
      %dma_start3A_28 = tpu.memref_slice %arg4[%run_scoped3A_14, %mul3A_13, %dma_start3A] : memref<4x40000x8xf32, #tpu.memory_space<hbm>> -> memref<1x1250x8xf32, #tpu.memory_space<hbm>>
      %dma_start3A_29 = tpu.memref_squeeze %dma_start3A_28 : memref<1x1250x8xf32, #tpu.memory_space<hbm>> -> memref<1250x8xf32, #tpu.memory_space<hbm>>
      %dma_start3A_30 = arith.constant 0 : i32
      %dma_start3A_31 = tpu.memref_slice %arg4[%run_scoped3A_14, %mul3A_13, %dma_start3A_30] : memref<4x40000x8xf32, #tpu.memory_space<hbm>> -> memref<1x1250x8xf32, #tpu.memory_space<hbm>>
      %dma_start3A_32 = tpu.memref_squeeze %dma_start3A_31 : memref<1x1250x8xf32, #tpu.memory_space<hbm>> -> memref<1250x8xf32, #tpu.memory_space<hbm>>
      tpu.enqueue_dma source(%dma_start3A_32 : memref<1250x8xf32, #tpu.memory_space<hbm>>) target(%arg9 : memref<1250x8xf32, #tpu.memory_space<vmem>>) target_semaphore(%run_scoped3A_27 : memref<!tpu.dma_semaphore, #tpu.memory_space<semaphore_mem>>)
      %dma_wait3A = arith.constant 0 : i32
      %dma_wait3A_33 = tpu.memref_slice %arg4[%run_scoped3A_14, %mul3A_13, %dma_wait3A] : memref<4x40000x8xf32, #tpu.memory_space<hbm>> -> memref<1x1250x8xf32, #tpu.memory_space<hbm>>
      %dma_wait3A_34 = tpu.memref_squeeze %dma_wait3A_33 : memref<1x1250x8xf32, #tpu.memory_space<hbm>> -> memref<1250x8xf32, #tpu.memory_space<hbm>>
      %dma_wait3A_35 = arith.constant 0 : i32
      %dma_wait3A_36 = tpu.memref_slice %arg4[%run_scoped3A_14, %mul3A_13, %dma_wait3A_35] : memref<4x40000x8xf32, #tpu.memory_space<hbm>> -> memref<1x1250x8xf32, #tpu.memory_space<hbm>>
      %dma_wait3A_37 = tpu.memref_squeeze %dma_wait3A_36 : memref<1x1250x8xf32, #tpu.memory_space<hbm>> -> memref<1250x8xf32, #tpu.memory_space<hbm>>
      tpu.wait_dma2 semaphore(%run_scoped3A_27 : memref<!tpu.dma_semaphore, #tpu.memory_space<semaphore_mem>>) src(%dma_wait3A_37 : memref<1250x8xf32, #tpu.memory_space<hbm>>) dst(%arg9 : memref<1250x8xf32, #tpu.memory_space<vmem>>)
      tpu.yield
    }) : () -> ()
    %mul3A_15 = arith.constant 1250 : i32
    %mul3A_16 = arith.muli %add3A, %mul3A_15 : i32
    "tpu.region"() ({
      %run_scoped3A_27 = tpu.sem_alloc : memref<!tpu.dma_semaphore, #tpu.memory_space<semaphore_mem>>
      %dma_start3A = arith.constant 16 : i32
      %dma_start3A_28 = tpu.memref_slice %arg6[%mul3A_16, %dma_start3A] : memref<40000x128xf32, #tpu.memory_space<hbm>> -> memref<1250x8xf32, #tpu.memory_space<hbm>>
      %dma_start3A_29 = arith.constant 16 : i32
      %dma_start3A_30 = tpu.memref_slice %arg6[%mul3A_16, %dma_start3A_29] : memref<40000x128xf32, #tpu.memory_space<hbm>> -> memref<1250x8xf32, #tpu.memory_space<hbm>>
      tpu.enqueue_dma source(%arg9 : memref<1250x8xf32, #tpu.memory_space<vmem>>) target(%dma_start3A_30 : memref<1250x8xf32, #tpu.memory_space<hbm>>) target_semaphore(%run_scoped3A_27 : memref<!tpu.dma_semaphore, #tpu.memory_space<semaphore_mem>>)
      %dma_wait3A = arith.constant 16 : i32
      %dma_wait3A_31 = tpu.memref_slice %arg6[%mul3A_16, %dma_wait3A] : memref<40000x128xf32, #tpu.memory_space<hbm>> -> memref<1250x8xf32, #tpu.memory_space<hbm>>
      %dma_wait3A_32 = arith.constant 16 : i32
      %dma_wait3A_33 = tpu.memref_slice %arg6[%mul3A_16, %dma_wait3A_32] : memref<40000x128xf32, #tpu.memory_space<hbm>> -> memref<1250x8xf32, #tpu.memory_space<hbm>>
      tpu.wait_dma2 semaphore(%run_scoped3A_27 : memref<!tpu.dma_semaphore, #tpu.memory_space<semaphore_mem>>) src(%arg9 : memref<1250x8xf32, #tpu.memory_space<vmem>>) dst(%dma_wait3A_33 : memref<1250x8xf32, #tpu.memory_space<hbm>>)
      tpu.yield
    }) : () -> ()
    %mul3A_17 = arith.constant 1250 : i32
    %mul3A_18 = arith.muli %add3A, %mul3A_17 : i32
    %run_scoped3A_19 = arith.constant 3 : i32
    "tpu.region"() ({
      %run_scoped3A_27 = tpu.sem_alloc : memref<!tpu.dma_semaphore, #tpu.memory_space<semaphore_mem>>
      %dma_start3A = arith.constant 0 : i32
      %dma_start3A_28 = tpu.memref_slice %arg4[%run_scoped3A_19, %mul3A_18, %dma_start3A] : memref<4x40000x8xf32, #tpu.memory_space<hbm>> -> memref<1x1250x8xf32, #tpu.memory_space<hbm>>
      %dma_start3A_29 = tpu.memref_squeeze %dma_start3A_28 : memref<1x1250x8xf32, #tpu.memory_space<hbm>> -> memref<1250x8xf32, #tpu.memory_space<hbm>>
      %dma_start3A_30 = arith.constant 0 : i32
      %dma_start3A_31 = tpu.memref_slice %arg4[%run_scoped3A_19, %mul3A_18, %dma_start3A_30] : memref<4x40000x8xf32, #tpu.memory_space<hbm>> -> memref<1x1250x8xf32, #tpu.memory_space<hbm>>
      %dma_start3A_32 = tpu.memref_squeeze %dma_start3A_31 : memref<1x1250x8xf32, #tpu.memory_space<hbm>> -> memref<1250x8xf32, #tpu.memory_space<hbm>>
      tpu.enqueue_dma source(%dma_start3A_32 : memref<1250x8xf32, #tpu.memory_space<hbm>>) target(%arg9 : memref<1250x8xf32, #tpu.memory_space<vmem>>) target_semaphore(%run_scoped3A_27 : memref<!tpu.dma_semaphore, #tpu.memory_space<semaphore_mem>>)
      %dma_wait3A = arith.constant 0 : i32
      %dma_wait3A_33 = tpu.memref_slice %arg4[%run_scoped3A_19, %mul3A_18, %dma_wait3A] : memref<4x40000x8xf32, #tpu.memory_space<hbm>> -> memref<1x1250x8xf32, #tpu.memory_space<hbm>>
      %dma_wait3A_34 = tpu.memref_squeeze %dma_wait3A_33 : memref<1x1250x8xf32, #tpu.memory_space<hbm>> -> memref<1250x8xf32, #tpu.memory_space<hbm>>
      %dma_wait3A_35 = arith.constant 0 : i32
      %dma_wait3A_36 = tpu.memref_slice %arg4[%run_scoped3A_19, %mul3A_18, %dma_wait3A_35] : memref<4x40000x8xf32, #tpu.memory_space<hbm>> -> memref<1x1250x8xf32, #tpu.memory_space<hbm>>
      %dma_wait3A_37 = tpu.memref_squeeze %dma_wait3A_36 : memref<1x1250x8xf32, #tpu.memory_space<hbm>> -> memref<1250x8xf32, #tpu.memory_space<hbm>>
      tpu.wait_dma2 semaphore(%run_scoped3A_27 : memref<!tpu.dma_semaphore, #tpu.memory_space<semaphore_mem>>) src(%dma_wait3A_37 : memref<1250x8xf32, #tpu.memory_space<hbm>>) dst(%arg9 : memref<1250x8xf32, #tpu.memory_space<vmem>>)
      tpu.yield
    }) : () -> ()
    %mul3A_20 = arith.constant 1250 : i32
    %mul3A_21 = arith.muli %add3A, %mul3A_20 : i32
    "tpu.region"() ({
      %run_scoped3A_27 = tpu.sem_alloc : memref<!tpu.dma_semaphore, #tpu.memory_space<semaphore_mem>>
      %dma_start3A = arith.constant 24 : i32
      %dma_start3A_28 = tpu.memref_slice %arg6[%mul3A_21, %dma_start3A] : memref<40000x128xf32, #tpu.memory_space<hbm>> -> memref<1250x8xf32, #tpu.memory_space<hbm>>
      %dma_start3A_29 = arith.constant 24 : i32
      %dma_start3A_30 = tpu.memref_slice %arg6[%mul3A_21, %dma_start3A_29] : memref<40000x128xf32, #tpu.memory_space<hbm>> -> memref<1250x8xf32, #tpu.memory_space<hbm>>
      tpu.enqueue_dma source(%arg9 : memref<1250x8xf32, #tpu.memory_space<vmem>>) target(%dma_start3A_30 : memref<1250x8xf32, #tpu.memory_space<hbm>>) target_semaphore(%run_scoped3A_27 : memref<!tpu.dma_semaphore, #tpu.memory_space<semaphore_mem>>)
      %dma_wait3A = arith.constant 24 : i32
      %dma_wait3A_31 = tpu.memref_slice %arg6[%mul3A_21, %dma_wait3A] : memref<40000x128xf32, #tpu.memory_space<hbm>> -> memref<1250x8xf32, #tpu.memory_space<hbm>>
      %dma_wait3A_32 = arith.constant 24 : i32
      %dma_wait3A_33 = tpu.memref_slice %arg6[%mul3A_21, %dma_wait3A_32] : memref<40000x128xf32, #tpu.memory_space<hbm>> -> memref<1250x8xf32, #tpu.memory_space<hbm>>
      tpu.wait_dma2 semaphore(%run_scoped3A_27 : memref<!tpu.dma_semaphore, #tpu.memory_space<semaphore_mem>>) src(%arg9 : memref<1250x8xf32, #tpu.memory_space<vmem>>) dst(%dma_wait3A_33 : memref<1250x8xf32, #tpu.memory_space<hbm>>)
      tpu.yield
    }) : () -> ()
    %scan3A = arith.constant 0 : i32
    %scan3A_22 = arith.constant 0 : i32
    %scan3A_23 = arith.constant 10 : i32
    %scan3A_24 = arith.addi %scan3A_22, %scan3A_23 : i32
    %scan3A_25 = arith.constant 1 : i32
    scf.for %scan3A_27 = %scan3A_22 to %scan3A_24 step %scan3A_25  : i32 {
      %mul3A_28 = arith.constant 8 : i32
      %mul3A_29 = arith.muli %scan3A_27, %mul3A_28 : i32
      %add3A_30 = arith.constant 0 : i32
      %add3A_31 = arith.addi %mul3A_29, %add3A_30 : i32
      %dma_start3A = arith.constant 0 : i32
      %dma_start3A_32 = arith.constant 0 : i32
      %dma_start3A_33 = arith.constant 0 : i32
      %dma_start3A_34 = arith.constant 0 : i32
      %dma_start3A_35 = tpu.memref_slice %arg8[%dma_start3A, %dma_start3A_33, %dma_start3A_34] : memref<8x125x16xf32, #tpu.memory_space<vmem>> -> memref<1x125x16xf32, #tpu.memory_space<vmem>>
      %dma_start3A_36 = tpu.memref_squeeze %dma_start3A_35 : memref<1x125x16xf32, #tpu.memory_space<vmem>> -> memref<125x16xf32, #tpu.memory_space<vmem>>
      %dma_start3A_37 = arith.constant 0 : i32
      %dma_start3A_38 = tpu.memref_slice %arg7[%add3A_31, %dma_start3A_37] : memref<80x125xi32, #tpu.memory_space<vmem>> -> memref<1x125xi32, #tpu.memory_space<vmem>>
      %dma_start3A_39 = tpu.memref_squeeze %dma_start3A_38 : memref<1x125xi32, #tpu.memory_space<vmem>> -> memref<125xi32, #tpu.memory_space<vmem>>
      %dma_start3A_40 = arith.constant 0 : i32
      %dma_start3A_41 = arith.constant 0 : i32
      %dma_start3A_42 = tpu.memref_slice %arg2[%dma_start3A_40, %dma_start3A_41] : memref<10000x16xf32, #tpu.memory_space<hbm>> -> memref<10000x16xf32, #tpu.memory_space<hbm>>
      %dma_start3A_43 = tpu.memref_slice %arg10[%dma_start3A_32] : memref<8x!tpu.dma_semaphore, #tpu.memory_space<semaphore_mem>> -> memref<1x!tpu.dma_semaphore, #tpu.memory_space<semaphore_mem>>
      %dma_start3A_44 = tpu.memref_squeeze %dma_start3A_43 : memref<1x!tpu.dma_semaphore, #tpu.memory_space<semaphore_mem>> -> memref<!tpu.dma_semaphore, #tpu.memory_space<semaphore_mem>>
      tpu.enqueue_indirect_dma source(%dma_start3A_42 : memref<10000x16xf32, #tpu.memory_space<hbm>>) target(%dma_start3A_36 : memref<125x16xf32, #tpu.memory_space<vmem>>) offsets(%dma_start3A_39 : memref<125xi32, #tpu.memory_space<vmem>>) semaphore(%dma_start3A_44 : memref<!tpu.dma_semaphore, #tpu.memory_space<semaphore_mem>>)
      %add3A_45 = arith.constant 1 : i32
      %add3A_46 = arith.addi %mul3A_29, %add3A_45 : i32
      %dma_start3A_47 = arith.constant 1 : i32
      %dma_start3A_48 = arith.constant 1 : i32
      %dma_start3A_49 = arith.constant 0 : i32
      %dma_start3A_50 = arith.constant 0 : i32
      %dma_start3A_51 = tpu.memref_slice %arg8[%dma_start3A_47, %dma_start3A_49, %dma_start3A_50] : memref<8x125x16xf32, #tpu.memory_space<vmem>> -> memref<1x125x16xf32, #tpu.memory_space<vmem>>
      %dma_start3A_52 = tpu.memref_squeeze %dma_start3A_51 : memref<1x125x16xf32, #tpu.memory_space<vmem>> -> memref<125x16xf32, #tpu.memory_space<vmem>>
      %dma_start3A_53 = arith.constant 0 : i32
      %dma_start3A_54 = tpu.memref_slice %arg7[%add3A_46, %dma_start3A_53] : memref<80x125xi32, #tpu.memory_space<vmem>> -> memref<1x125xi32, #tpu.memory_space<vmem>>
      %dma_start3A_55 = tpu.memref_squeeze %dma_start3A_54 : memref<1x125xi32, #tpu.memory_space<vmem>> -> memref<125xi32, #tpu.memory_space<vmem>>
      %dma_start3A_56 = arith.constant 0 : i32
      %dma_start3A_57 = arith.constant 0 : i32
      %dma_start3A_58 = tpu.memref_slice %arg2[%dma_start3A_56, %dma_start3A_57] : memref<10000x16xf32, #tpu.memory_space<hbm>> -> memref<10000x16xf32, #tpu.memory_space<hbm>>
      %dma_start3A_59 = tpu.memref_slice %arg10[%dma_start3A_48] : memref<8x!tpu.dma_semaphore, #tpu.memory_space<semaphore_mem>> -> memref<1x!tpu.dma_semaphore, #tpu.memory_space<semaphore_mem>>
      %dma_start3A_60 = tpu.memref_squeeze %dma_start3A_59 : memref<1x!tpu.dma_semaphore, #tpu.memory_space<semaphore_mem>> -> memref<!tpu.dma_semaphore, #tpu.memory_space<semaphore_mem>>
      tpu.enqueue_indirect_dma source(%dma_start3A_58 : memref<10000x16xf32, #tpu.memory_space<hbm>>) target(%dma_start3A_52 : memref<125x16xf32, #tpu.memory_space<vmem>>) offsets(%dma_start3A_55 : memref<125xi32, #tpu.memory_space<vmem>>) semaphore(%dma_start3A_60 : memref<!tpu.dma_semaphore, #tpu.memory_space<semaphore_mem>>)
      %add3A_61 = arith.constant 2 : i32
      %add3A_62 = arith.addi %mul3A_29, %add3A_61 : i32
      %dma_start3A_63 = arith.constant 2 : i32
      %dma_start3A_64 = arith.constant 2 : i32
      %dma_start3A_65 = arith.constant 0 : i32
      %dma_start3A_66 = arith.constant 0 : i32
      %dma_start3A_67 = tpu.memref_slice %arg8[%dma_start3A_63, %dma_start3A_65, %dma_start3A_66] : memref<8x125x16xf32, #tpu.memory_space<vmem>> -> memref<1x125x16xf32, #tpu.memory_space<vmem>>
      %dma_start3A_68 = tpu.memref_squeeze %dma_start3A_67 : memref<1x125x16xf32, #tpu.memory_space<vmem>> -> memref<125x16xf32, #tpu.memory_space<vmem>>
      %dma_start3A_69 = arith.constant 0 : i32
      %dma_start3A_70 = tpu.memref_slice %arg7[%add3A_62, %dma_start3A_69] : memref<80x125xi32, #tpu.memory_space<vmem>> -> memref<1x125xi32, #tpu.memory_space<vmem>>
      %dma_start3A_71 = tpu.memref_squeeze %dma_start3A_70 : memref<1x125xi32, #tpu.memory_space<vmem>> -> memref<125xi32, #tpu.memory_space<vmem>>
      %dma_start3A_72 = arith.constant 0 : i32
      %dma_start3A_73 = arith.constant 0 : i32
      %dma_start3A_74 = tpu.memref_slice %arg2[%dma_start3A_72, %dma_start3A_73] : memref<10000x16xf32, #tpu.memory_space<hbm>> -> memref<10000x16xf32, #tpu.memory_space<hbm>>
      %dma_start3A_75 = tpu.memref_slice %arg10[%dma_start3A_64] : memref<8x!tpu.dma_semaphore, #tpu.memory_space<semaphore_mem>> -> memref<1x!tpu.dma_semaphore, #tpu.memory_space<semaphore_mem>>
      %dma_start3A_76 = tpu.memref_squeeze %dma_start3A_75 : memref<1x!tpu.dma_semaphore, #tpu.memory_space<semaphore_mem>> -> memref<!tpu.dma_semaphore, #tpu.memory_space<semaphore_mem>>
      tpu.enqueue_indirect_dma source(%dma_start3A_74 : memref<10000x16xf32, #tpu.memory_space<hbm>>) target(%dma_start3A_68 : memref<125x16xf32, #tpu.memory_space<vmem>>) offsets(%dma_start3A_71 : memref<125xi32, #tpu.memory_space<vmem>>) semaphore(%dma_start3A_76 : memref<!tpu.dma_semaphore, #tpu.memory_space<semaphore_mem>>)
      %add3A_77 = arith.constant 3 : i32
      %add3A_78 = arith.addi %mul3A_29, %add3A_77 : i32
      %dma_start3A_79 = arith.constant 3 : i32
      %dma_start3A_80 = arith.constant 3 : i32
      %dma_start3A_81 = arith.constant 0 : i32
      %dma_start3A_82 = arith.constant 0 : i32
      %dma_start3A_83 = tpu.memref_slice %arg8[%dma_start3A_79, %dma_start3A_81, %dma_start3A_82] : memref<8x125x16xf32, #tpu.memory_space<vmem>> -> memref<1x125x16xf32, #tpu.memory_space<vmem>>
      %dma_start3A_84 = tpu.memref_squeeze %dma_start3A_83 : memref<1x125x16xf32, #tpu.memory_space<vmem>> -> memref<125x16xf32, #tpu.memory_space<vmem>>
      %dma_start3A_85 = arith.constant 0 : i32
      %dma_start3A_86 = tpu.memref_slice %arg7[%add3A_78, %dma_start3A_85] : memref<80x125xi32, #tpu.memory_space<vmem>> -> memref<1x125xi32, #tpu.memory_space<vmem>>
      %dma_start3A_87 = tpu.memref_squeeze %dma_start3A_86 : memref<1x125xi32, #tpu.memory_space<vmem>> -> memref<125xi32, #tpu.memory_space<vmem>>
      %dma_start3A_88 = arith.constant 0 : i32
      %dma_start3A_89 = arith.constant 0 : i32
      %dma_start3A_90 = tpu.memref_slice %arg2[%dma_start3A_88, %dma_start3A_89] : memref<10000x16xf32, #tpu.memory_space<hbm>> -> memref<10000x16xf32, #tpu.memory_space<hbm>>
      %dma_start3A_91 = tpu.memref_slice %arg10[%dma_start3A_80] : memref<8x!tpu.dma_semaphore, #tpu.memory_space<semaphore_mem>> -> memref<1x!tpu.dma_semaphore, #tpu.memory_space<semaphore_mem>>
      %dma_start3A_92 = tpu.memref_squeeze %dma_start3A_91 : memref<1x!tpu.dma_semaphore, #tpu.memory_space<semaphore_mem>> -> memref<!tpu.dma_semaphore, #tpu.memory_space<semaphore_mem>>
      tpu.enqueue_indirect_dma source(%dma_start3A_90 : memref<10000x16xf32, #tpu.memory_space<hbm>>) target(%dma_start3A_84 : memref<125x16xf32, #tpu.memory_space<vmem>>) offsets(%dma_start3A_87 : memref<125xi32, #tpu.memory_space<vmem>>) semaphore(%dma_start3A_92 : memref<!tpu.dma_semaphore, #tpu.memory_space<semaphore_mem>>)
      %add3A_93 = arith.constant 4 : i32
      %add3A_94 = arith.addi %mul3A_29, %add3A_93 : i32
      %dma_start3A_95 = arith.constant 4 : i32
      %dma_start3A_96 = arith.constant 4 : i32
      %dma_start3A_97 = arith.constant 0 : i32
      %dma_start3A_98 = arith.constant 0 : i32
      %dma_start3A_99 = tpu.memref_slice %arg8[%dma_start3A_95, %dma_start3A_97, %dma_start3A_98] : memref<8x125x16xf32, #tpu.memory_space<vmem>> -> memref<1x125x16xf32, #tpu.memory_space<vmem>>
      %dma_start3A_100 = tpu.memref_squeeze %dma_start3A_99 : memref<1x125x16xf32, #tpu.memory_space<vmem>> -> memref<125x16xf32, #tpu.memory_space<vmem>>
      %dma_start3A_101 = arith.constant 0 : i32
      %dma_start3A_102 = tpu.memref_slice %arg7[%add3A_94, %dma_start3A_101] : memref<80x125xi32, #tpu.memory_space<vmem>> -> memref<1x125xi32, #tpu.memory_space<vmem>>
      %dma_start3A_103 = tpu.memref_squeeze %dma_start3A_102 : memref<1x125xi32, #tpu.memory_space<vmem>> -> memref<125xi32, #tpu.memory_space<vmem>>
      %dma_start3A_104 = arith.constant 0 : i32
      %dma_start3A_105 = arith.constant 0 : i32
      %dma_start3A_106 = tpu.memref_slice %arg2[%dma_start3A_104, %dma_start3A_105] : memref<10000x16xf32, #tpu.memory_space<hbm>> -> memref<10000x16xf32, #tpu.memory_space<hbm>>
      %dma_start3A_107 = tpu.memref_slice %arg10[%dma_start3A_96] : memref<8x!tpu.dma_semaphore, #tpu.memory_space<semaphore_mem>> -> memref<1x!tpu.dma_semaphore, #tpu.memory_space<semaphore_mem>>
      %dma_start3A_108 = tpu.memref_squeeze %dma_start3A_107 : memref<1x!tpu.dma_semaphore, #tpu.memory_space<semaphore_mem>> -> memref<!tpu.dma_semaphore, #tpu.memory_space<semaphore_mem>>
      tpu.enqueue_indirect_dma source(%dma_start3A_106 : memref<10000x16xf32, #tpu.memory_space<hbm>>) target(%dma_start3A_100 : memref<125x16xf32, #tpu.memory_space<vmem>>) offsets(%dma_start3A_103 : memref<125xi32, #tpu.memory_space<vmem>>) semaphore(%dma_start3A_108 : memref<!tpu.dma_semaphore, #tpu.memory_space<semaphore_mem>>)
      %add3A_109 = arith.constant 5 : i32
      %add3A_110 = arith.addi %mul3A_29, %add3A_109 : i32
      %dma_start3A_111 = arith.constant 5 : i32
      %dma_start3A_112 = arith.constant 5 : i32
      %dma_start3A_113 = arith.constant 0 : i32
      %dma_start3A_114 = arith.constant 0 : i32
      %dma_start3A_115 = tpu.memref_slice %arg8[%dma_start3A_111, %dma_start3A_113, %dma_start3A_114] : memref<8x125x16xf32, #tpu.memory_space<vmem>> -> memref<1x125x16xf32, #tpu.memory_space<vmem>>
      %dma_start3A_116 = tpu.memref_squeeze %dma_start3A_115 : memref<1x125x16xf32, #tpu.memory_space<vmem>> -> memref<125x16xf32, #tpu.memory_space<vmem>>
      %dma_start3A_117 = arith.constant 0 : i32
      %dma_start3A_118 = tpu.memref_slice %arg7[%add3A_110, %dma_start3A_117] : memref<80x125xi32, #tpu.memory_space<vmem>> -> memref<1x125xi32, #tpu.memory_space<vmem>>
      %dma_start3A_119 = tpu.memref_squeeze %dma_start3A_118 : memref<1x125xi32, #tpu.memory_space<vmem>> -> memref<125xi32, #tpu.memory_space<vmem>>
      %dma_start3A_120 = arith.constant 0 : i32
      %dma_start3A_121 = arith.constant 0 : i32
      %dma_start3A_122 = tpu.memref_slice %arg2[%dma_start3A_120, %dma_start3A_121] : memref<10000x16xf32, #tpu.memory_space<hbm>> -> memref<10000x16xf32, #tpu.memory_space<hbm>>
      %dma_start3A_123 = tpu.memref_slice %arg10[%dma_start3A_112] : memref<8x!tpu.dma_semaphore, #tpu.memory_space<semaphore_mem>> -> memref<1x!tpu.dma_semaphore, #tpu.memory_space<semaphore_mem>>
      %dma_start3A_124 = tpu.memref_squeeze %dma_start3A_123 : memref<1x!tpu.dma_semaphore, #tpu.memory_space<semaphore_mem>> -> memref<!tpu.dma_semaphore, #tpu.memory_space<semaphore_mem>>
      tpu.enqueue_indirect_dma source(%dma_start3A_122 : memref<10000x16xf32, #tpu.memory_space<hbm>>) target(%dma_start3A_116 : memref<125x16xf32, #tpu.memory_space<vmem>>) offsets(%dma_start3A_119 : memref<125xi32, #tpu.memory_space<vmem>>) semaphore(%dma_start3A_124 : memref<!tpu.dma_semaphore, #tpu.memory_space<semaphore_mem>>)
      %add3A_125 = arith.constant 6 : i32
      %add3A_126 = arith.addi %mul3A_29, %add3A_125 : i32
      %dma_start3A_127 = arith.constant 6 : i32
      %dma_start3A_128 = arith.constant 6 : i32
      %dma_start3A_129 = arith.constant 0 : i32
      %dma_start3A_130 = arith.constant 0 : i32
      %dma_start3A_131 = tpu.memref_slice %arg8[%dma_start3A_127, %dma_start3A_129, %dma_start3A_130] : memref<8x125x16xf32, #tpu.memory_space<vmem>> -> memref<1x125x16xf32, #tpu.memory_space<vmem>>
      %dma_start3A_132 = tpu.memref_squeeze %dma_start3A_131 : memref<1x125x16xf32, #tpu.memory_space<vmem>> -> memref<125x16xf32, #tpu.memory_space<vmem>>
      %dma_start3A_133 = arith.constant 0 : i32
      %dma_start3A_134 = tpu.memref_slice %arg7[%add3A_126, %dma_start3A_133] : memref<80x125xi32, #tpu.memory_space<vmem>> -> memref<1x125xi32, #tpu.memory_space<vmem>>
      %dma_start3A_135 = tpu.memref_squeeze %dma_start3A_134 : memref<1x125xi32, #tpu.memory_space<vmem>> -> memref<125xi32, #tpu.memory_space<vmem>>
      %dma_start3A_136 = arith.constant 0 : i32
      %dma_start3A_137 = arith.constant 0 : i32
      %dma_start3A_138 = tpu.memref_slice %arg2[%dma_start3A_136, %dma_start3A_137] : memref<10000x16xf32, #tpu.memory_space<hbm>> -> memref<10000x16xf32, #tpu.memory_space<hbm>>
      %dma_start3A_139 = tpu.memref_slice %arg10[%dma_start3A_128] : memref<8x!tpu.dma_semaphore, #tpu.memory_space<semaphore_mem>> -> memref<1x!tpu.dma_semaphore, #tpu.memory_space<semaphore_mem>>
      %dma_start3A_140 = tpu.memref_squeeze %dma_start3A_139 : memref<1x!tpu.dma_semaphore, #tpu.memory_space<semaphore_mem>> -> memref<!tpu.dma_semaphore, #tpu.memory_space<semaphore_mem>>
      tpu.enqueue_indirect_dma source(%dma_start3A_138 : memref<10000x16xf32, #tpu.memory_space<hbm>>) target(%dma_start3A_132 : memref<125x16xf32, #tpu.memory_space<vmem>>) offsets(%dma_start3A_135 : memref<125xi32, #tpu.memory_space<vmem>>) semaphore(%dma_start3A_140 : memref<!tpu.dma_semaphore, #tpu.memory_space<semaphore_mem>>)
      %add3A_141 = arith.constant 7 : i32
      %add3A_142 = arith.addi %mul3A_29, %add3A_141 : i32
      %dma_start3A_143 = arith.constant 7 : i32
      %dma_start3A_144 = arith.constant 7 : i32
      %dma_start3A_145 = arith.constant 0 : i32
      %dma_start3A_146 = arith.constant 0 : i32
      %dma_start3A_147 = tpu.memref_slice %arg8[%dma_start3A_143, %dma_start3A_145, %dma_start3A_146] : memref<8x125x16xf32, #tpu.memory_space<vmem>> -> memref<1x125x16xf32, #tpu.memory_space<vmem>>
      %dma_start3A_148 = tpu.memref_squeeze %dma_start3A_147 : memref<1x125x16xf32, #tpu.memory_space<vmem>> -> memref<125x16xf32, #tpu.memory_space<vmem>>
      %dma_start3A_149 = arith.constant 0 : i32
      %dma_start3A_150 = tpu.memref_slice %arg7[%add3A_142, %dma_start3A_149] : memref<80x125xi32, #tpu.memory_space<vmem>> -> memref<1x125xi32, #tpu.memory_space<vmem>>
      %dma_start3A_151 = tpu.memref_squeeze %dma_start3A_150 : memref<1x125xi32, #tpu.memory_space<vmem>> -> memref<125xi32, #tpu.memory_space<vmem>>
      %dma_start3A_152 = arith.constant 0 : i32
      %dma_start3A_153 = arith.constant 0 : i32
      %dma_start3A_154 = tpu.memref_slice %arg2[%dma_start3A_152, %dma_start3A_153] : memref<10000x16xf32, #tpu.memory_space<hbm>> -> memref<10000x16xf32, #tpu.memory_space<hbm>>
      %dma_start3A_155 = tpu.memref_slice %arg10[%dma_start3A_144] : memref<8x!tpu.dma_semaphore, #tpu.memory_space<semaphore_mem>> -> memref<1x!tpu.dma_semaphore, #tpu.memory_space<semaphore_mem>>
      %dma_start3A_156 = tpu.memref_squeeze %dma_start3A_155 : memref<1x!tpu.dma_semaphore, #tpu.memory_space<semaphore_mem>> -> memref<!tpu.dma_semaphore, #tpu.memory_space<semaphore_mem>>
      tpu.enqueue_indirect_dma source(%dma_start3A_154 : memref<10000x16xf32, #tpu.memory_space<hbm>>) target(%dma_start3A_148 : memref<125x16xf32, #tpu.memory_space<vmem>>) offsets(%dma_start3A_151 : memref<125xi32, #tpu.memory_space<vmem>>) semaphore(%dma_start3A_156 : memref<!tpu.dma_semaphore, #tpu.memory_space<semaphore_mem>>)
      %dma_wait3A = arith.constant 0 : i32
      %dma_wait3A_157 = arith.constant 0 : i32
      %dma_wait3A_158 = arith.constant 0 : i32
      %dma_wait3A_159 = arith.constant 0 : i32
      %dma_wait3A_160 = tpu.memref_slice %arg8[%dma_wait3A, %dma_wait3A_158, %dma_wait3A_159] : memref<8x125x16xf32, #tpu.memory_space<vmem>> -> memref<1x125x16xf32, #tpu.memory_space<vmem>>
      %dma_wait3A_161 = tpu.memref_squeeze %dma_wait3A_160 : memref<1x125x16xf32, #tpu.memory_space<vmem>> -> memref<125x16xf32, #tpu.memory_space<vmem>>
      %dma_wait3A_162 = arith.constant 0 : i32
      %dma_wait3A_163 = tpu.memref_slice %arg7[%add3A_31, %dma_wait3A_162] : memref<80x125xi32, #tpu.memory_space<vmem>> -> memref<1x125xi32, #tpu.memory_space<vmem>>
      %dma_wait3A_164 = tpu.memref_squeeze %dma_wait3A_163 : memref<1x125xi32, #tpu.memory_space<vmem>> -> memref<125xi32, #tpu.memory_space<vmem>>
      %dma_wait3A_165 = arith.constant 0 : i32
      %dma_wait3A_166 = arith.constant 0 : i32
      %dma_wait3A_167 = tpu.memref_slice %arg2[%dma_wait3A_165, %dma_wait3A_166] : memref<10000x16xf32, #tpu.memory_space<hbm>> -> memref<10000x16xf32, #tpu.memory_space<hbm>>
      %dma_wait3A_168 = tpu.memref_slice %arg10[%dma_wait3A_157] : memref<8x!tpu.dma_semaphore, #tpu.memory_space<semaphore_mem>> -> memref<1x!tpu.dma_semaphore, #tpu.memory_space<semaphore_mem>>
      %dma_wait3A_169 = tpu.memref_squeeze %dma_wait3A_168 : memref<1x!tpu.dma_semaphore, #tpu.memory_space<semaphore_mem>> -> memref<!tpu.dma_semaphore, #tpu.memory_space<semaphore_mem>>
      tpu.wait_indirect_dma semaphore(%dma_wait3A_169 : memref<!tpu.dma_semaphore, #tpu.memory_space<semaphore_mem>>) src(%dma_wait3A_167 : memref<10000x16xf32, #tpu.memory_space<hbm>>) dst(%dma_wait3A_161 : memref<125x16xf32, #tpu.memory_space<vmem>>)
      %add3A_170 = arith.constant 0 : i32
      %add3A_171 = arith.addi %mul3A_29, %add3A_170 : i32
      %mul3A_172 = arith.constant 125 : i32
      %mul3A_173 = arith.muli %add3A_171, %mul3A_172 : i32
      %add3A_174 = arith.addi %mul3A_2, %mul3A_173 : i32
      %dma_start3A_175 = arith.constant 0 : i32
      %dma_start3A_176 = arith.constant 0 : i32
      %dma_start3A_177 = arith.constant 0 : i32
      %dma_start3A_178 = tpu.memref_slice %arg8[%dma_start3A_175, %dma_start3A_176, %dma_start3A_177] : memref<8x125x16xf32, #tpu.memory_space<vmem>> -> memref<1x125x16xf32, #tpu.memory_space<vmem>>
      %dma_start3A_179 = tpu.memref_squeeze %dma_start3A_178 : memref<1x125x16xf32, #tpu.memory_space<vmem>> -> memref<125x16xf32, #tpu.memory_space<vmem>>
      %dma_start3A_180 = arith.constant 0 : i32
      %dma_start3A_181 = tpu.memref_slice %arg5[%add3A_174, %dma_start3A_180] : memref<320000x16xf32, #tpu.memory_space<hbm>> -> memref<125x16xf32, #tpu.memory_space<hbm>>
      %dma_start3A_182 = arith.constant 0 : i32
      %dma_start3A_183 = tpu.memref_slice %arg5[%add3A_174, %dma_start3A_182] : memref<320000x16xf32, #tpu.memory_space<hbm>> -> memref<125x16xf32, #tpu.memory_space<hbm>>
      %dma_start3A_184 = arith.constant 0 : i32
      %dma_start3A_185 = arith.constant 0 : i32
      %dma_start3A_186 = tpu.memref_slice %arg8[%dma_start3A_175, %dma_start3A_184, %dma_start3A_185] : memref<8x125x16xf32, #tpu.memory_space<vmem>> -> memref<1x125x16xf32, #tpu.memory_space<vmem>>
      %dma_start3A_187 = tpu.memref_squeeze %dma_start3A_186 : memref<1x125x16xf32, #tpu.memory_space<vmem>> -> memref<125x16xf32, #tpu.memory_space<vmem>>
      tpu.enqueue_dma source(%dma_start3A_187 : memref<125x16xf32, #tpu.memory_space<vmem>>) target(%dma_start3A_183 : memref<125x16xf32, #tpu.memory_space<hbm>>) target_semaphore(%arg11 : memref<!tpu.dma_semaphore, #tpu.memory_space<semaphore_mem>>)
      %dma_wait3A_188 = arith.constant 1 : i32
      %dma_wait3A_189 = arith.constant 1 : i32
      %dma_wait3A_190 = arith.constant 0 : i32
      %dma_wait3A_191 = arith.constant 0 : i32
      %dma_wait3A_192 = tpu.memref_slice %arg8[%dma_wait3A_188, %dma_wait3A_190, %dma_wait3A_191] : memref<8x125x16xf32, #tpu.memory_space<vmem>> -> memref<1x125x16xf32, #tpu.memory_space<vmem>>
      %dma_wait3A_193 = tpu.memref_squeeze %dma_wait3A_192 : memref<1x125x16xf32, #tpu.memory_space<vmem>> -> memref<125x16xf32, #tpu.memory_space<vmem>>
      %dma_wait3A_194 = arith.constant 0 : i32
      %dma_wait3A_195 = tpu.memref_slice %arg7[%add3A_46, %dma_wait3A_194] : memref<80x125xi32, #tpu.memory_space<vmem>> -> memref<1x125xi32, #tpu.memory_space<vmem>>
      %dma_wait3A_196 = tpu.memref_squeeze %dma_wait3A_195 : memref<1x125xi32, #tpu.memory_space<vmem>> -> memref<125xi32, #tpu.memory_space<vmem>>
      %dma_wait3A_197 = arith.constant 0 : i32
      %dma_wait3A_198 = arith.constant 0 : i32
      %dma_wait3A_199 = tpu.memref_slice %arg2[%dma_wait3A_197, %dma_wait3A_198] : memref<10000x16xf32, #tpu.memory_space<hbm>> -> memref<10000x16xf32, #tpu.memory_space<hbm>>
      %dma_wait3A_200 = tpu.memref_slice %arg10[%dma_wait3A_189] : memref<8x!tpu.dma_semaphore, #tpu.memory_space<semaphore_mem>> -> memref<1x!tpu.dma_semaphore, #tpu.memory_space<semaphore_mem>>
      %dma_wait3A_201 = tpu.memref_squeeze %dma_wait3A_200 : memref<1x!tpu.dma_semaphore, #tpu.memory_space<semaphore_mem>> -> memref<!tpu.dma_semaphore, #tpu.memory_space<semaphore_mem>>
      tpu.wait_indirect_dma semaphore(%dma_wait3A_201 : memref<!tpu.dma_semaphore, #tpu.memory_space<semaphore_mem>>) src(%dma_wait3A_199 : memref<10000x16xf32, #tpu.memory_space<hbm>>) dst(%dma_wait3A_193 : memref<125x16xf32, #tpu.memory_space<vmem>>)
      %add3A_202 = arith.constant 1 : i32
      %add3A_203 = arith.addi %mul3A_29, %add3A_202 : i32
      %mul3A_204 = arith.constant 125 : i32
      %mul3A_205 = arith.muli %add3A_203, %mul3A_204 : i32
      %add3A_206 = arith.addi %mul3A_2, %mul3A_205 : i32
      %dma_start3A_207 = arith.constant 1 : i32
      %dma_start3A_208 = arith.constant 0 : i32
      %dma_start3A_209 = arith.constant 0 : i32
      %dma_start3A_210 = tpu.memref_slice %arg8[%dma_start3A_207, %dma_start3A_208, %dma_start3A_209] : memref<8x125x16xf32, #tpu.memory_space<vmem>> -> memref<1x125x16xf32, #tpu.memory_space<vmem>>
      %dma_start3A_211 = tpu.memref_squeeze %dma_start3A_210 : memref<1x125x16xf32, #tpu.memory_space<vmem>> -> memref<125x16xf32, #tpu.memory_space<vmem>>
      %dma_start3A_212 = arith.constant 0 : i32
      %dma_start3A_213 = tpu.memref_slice %arg5[%add3A_206, %dma_start3A_212] : memref<320000x16xf32, #tpu.memory_space<hbm>> -> memref<125x16xf32, #tpu.memory_space<hbm>>
      %dma_start3A_214 = arith.constant 0 : i32
      %dma_start3A_215 = tpu.memref_slice %arg5[%add3A_206, %dma_start3A_214] : memref<320000x16xf32, #tpu.memory_space<hbm>> -> memref<125x16xf32, #tpu.memory_space<hbm>>
      %dma_start3A_216 = arith.constant 0 : i32
      %dma_start3A_217 = arith.constant 0 : i32
      %dma_start3A_218 = tpu.memref_slice %arg8[%dma_start3A_207, %dma_start3A_216, %dma_start3A_217] : memref<8x125x16xf32, #tpu.memory_space<vmem>> -> memref<1x125x16xf32, #tpu.memory_space<vmem>>
      %dma_start3A_219 = tpu.memref_squeeze %dma_start3A_218 : memref<1x125x16xf32, #tpu.memory_space<vmem>> -> memref<125x16xf32, #tpu.memory_space<vmem>>
      tpu.enqueue_dma source(%dma_start3A_219 : memref<125x16xf32, #tpu.memory_space<vmem>>) target(%dma_start3A_215 : memref<125x16xf32, #tpu.memory_space<hbm>>) target_semaphore(%arg11 : memref<!tpu.dma_semaphore, #tpu.memory_space<semaphore_mem>>)
      %dma_wait3A_220 = arith.constant 2 : i32
      %dma_wait3A_221 = arith.constant 2 : i32
      %dma_wait3A_222 = arith.constant 0 : i32
      %dma_wait3A_223 = arith.constant 0 : i32
      %dma_wait3A_224 = tpu.memref_slice %arg8[%dma_wait3A_220, %dma_wait3A_222, %dma_wait3A_223] : memref<8x125x16xf32, #tpu.memory_space<vmem>> -> memref<1x125x16xf32, #tpu.memory_space<vmem>>
      %dma_wait3A_225 = tpu.memref_squeeze %dma_wait3A_224 : memref<1x125x16xf32, #tpu.memory_space<vmem>> -> memref<125x16xf32, #tpu.memory_space<vmem>>
      %dma_wait3A_226 = arith.constant 0 : i32
      %dma_wait3A_227 = tpu.memref_slice %arg7[%add3A_62, %dma_wait3A_226] : memref<80x125xi32, #tpu.memory_space<vmem>> -> memref<1x125xi32, #tpu.memory_space<vmem>>
      %dma_wait3A_228 = tpu.memref_squeeze %dma_wait3A_227 : memref<1x125xi32, #tpu.memory_space<vmem>> -> memref<125xi32, #tpu.memory_space<vmem>>
      %dma_wait3A_229 = arith.constant 0 : i32
      %dma_wait3A_230 = arith.constant 0 : i32
      %dma_wait3A_231 = tpu.memref_slice %arg2[%dma_wait3A_229, %dma_wait3A_230] : memref<10000x16xf32, #tpu.memory_space<hbm>> -> memref<10000x16xf32, #tpu.memory_space<hbm>>
      %dma_wait3A_232 = tpu.memref_slice %arg10[%dma_wait3A_221] : memref<8x!tpu.dma_semaphore, #tpu.memory_space<semaphore_mem>> -> memref<1x!tpu.dma_semaphore, #tpu.memory_space<semaphore_mem>>
      %dma_wait3A_233 = tpu.memref_squeeze %dma_wait3A_232 : memref<1x!tpu.dma_semaphore, #tpu.memory_space<semaphore_mem>> -> memref<!tpu.dma_semaphore, #tpu.memory_space<semaphore_mem>>
      tpu.wait_indirect_dma semaphore(%dma_wait3A_233 : memref<!tpu.dma_semaphore, #tpu.memory_space<semaphore_mem>>) src(%dma_wait3A_231 : memref<10000x16xf32, #tpu.memory_space<hbm>>) dst(%dma_wait3A_225 : memref<125x16xf32, #tpu.memory_space<vmem>>)
      %add3A_234 = arith.constant 2 : i32
      %add3A_235 = arith.addi %mul3A_29, %add3A_234 : i32
      %mul3A_236 = arith.constant 125 : i32
      %mul3A_237 = arith.muli %add3A_235, %mul3A_236 : i32
      %add3A_238 = arith.addi %mul3A_2, %mul3A_237 : i32
      %dma_start3A_239 = arith.constant 2 : i32
      %dma_start3A_240 = arith.constant 0 : i32
      %dma_start3A_241 = arith.constant 0 : i32
      %dma_start3A_242 = tpu.memref_slice %arg8[%dma_start3A_239, %dma_start3A_240, %dma_start3A_241] : memref<8x125x16xf32, #tpu.memory_space<vmem>> -> memref<1x125x16xf32, #tpu.memory_space<vmem>>
      %dma_start3A_243 = tpu.memref_squeeze %dma_start3A_242 : memref<1x125x16xf32, #tpu.memory_space<vmem>> -> memref<125x16xf32, #tpu.memory_space<vmem>>
      %dma_start3A_244 = arith.constant 0 : i32
      %dma_start3A_245 = tpu.memref_slice %arg5[%add3A_238, %dma_start3A_244] : memref<320000x16xf32, #tpu.memory_space<hbm>> -> memref<125x16xf32, #tpu.memory_space<hbm>>
      %dma_start3A_246 = arith.constant 0 : i32
      %dma_start3A_247 = tpu.memref_slice %arg5[%add3A_238, %dma_start3A_246] : memref<320000x16xf32, #tpu.memory_space<hbm>> -> memref<125x16xf32, #tpu.memory_space<hbm>>
      %dma_start3A_248 = arith.constant 0 : i32
      %dma_start3A_249 = arith.constant 0 : i32
      %dma_start3A_250 = tpu.memref_slice %arg8[%dma_start3A_239, %dma_start3A_248, %dma_start3A_249] : memref<8x125x16xf32, #tpu.memory_space<vmem>> -> memref<1x125x16xf32, #tpu.memory_space<vmem>>
      %dma_start3A_251 = tpu.memref_squeeze %dma_start3A_250 : memref<1x125x16xf32, #tpu.memory_space<vmem>> -> memref<125x16xf32, #tpu.memory_space<vmem>>
      tpu.enqueue_dma source(%dma_start3A_251 : memref<125x16xf32, #tpu.memory_space<vmem>>) target(%dma_start3A_247 : memref<125x16xf32, #tpu.memory_space<hbm>>) target_semaphore(%arg11 : memref<!tpu.dma_semaphore, #tpu.memory_space<semaphore_mem>>)
      %dma_wait3A_252 = arith.constant 3 : i32
      %dma_wait3A_253 = arith.constant 3 : i32
      %dma_wait3A_254 = arith.constant 0 : i32
      %dma_wait3A_255 = arith.constant 0 : i32
      %dma_wait3A_256 = tpu.memref_slice %arg8[%dma_wait3A_252, %dma_wait3A_254, %dma_wait3A_255] : memref<8x125x16xf32, #tpu.memory_space<vmem>> -> memref<1x125x16xf32, #tpu.memory_space<vmem>>
      %dma_wait3A_257 = tpu.memref_squeeze %dma_wait3A_256 : memref<1x125x16xf32, #tpu.memory_space<vmem>> -> memref<125x16xf32, #tpu.memory_space<vmem>>
      %dma_wait3A_258 = arith.constant 0 : i32
      %dma_wait3A_259 = tpu.memref_slice %arg7[%add3A_78, %dma_wait3A_258] : memref<80x125xi32, #tpu.memory_space<vmem>> -> memref<1x125xi32, #tpu.memory_space<vmem>>
      %dma_wait3A_260 = tpu.memref_squeeze %dma_wait3A_259 : memref<1x125xi32, #tpu.memory_space<vmem>> -> memref<125xi32, #tpu.memory_space<vmem>>
      %dma_wait3A_261 = arith.constant 0 : i32
      %dma_wait3A_262 = arith.constant 0 : i32
      %dma_wait3A_263 = tpu.memref_slice %arg2[%dma_wait3A_261, %dma_wait3A_262] : memref<10000x16xf32, #tpu.memory_space<hbm>> -> memref<10000x16xf32, #tpu.memory_space<hbm>>
      %dma_wait3A_264 = tpu.memref_slice %arg10[%dma_wait3A_253] : memref<8x!tpu.dma_semaphore, #tpu.memory_space<semaphore_mem>> -> memref<1x!tpu.dma_semaphore, #tpu.memory_space<semaphore_mem>>
      %dma_wait3A_265 = tpu.memref_squeeze %dma_wait3A_264 : memref<1x!tpu.dma_semaphore, #tpu.memory_space<semaphore_mem>> -> memref<!tpu.dma_semaphore, #tpu.memory_space<semaphore_mem>>
      tpu.wait_indirect_dma semaphore(%dma_wait3A_265 : memref<!tpu.dma_semaphore, #tpu.memory_space<semaphore_mem>>) src(%dma_wait3A_263 : memref<10000x16xf32, #tpu.memory_space<hbm>>) dst(%dma_wait3A_257 : memref<125x16xf32, #tpu.memory_space<vmem>>)
      %add3A_266 = arith.constant 3 : i32
      %add3A_267 = arith.addi %mul3A_29, %add3A_266 : i32
      %mul3A_268 = arith.constant 125 : i32
      %mul3A_269 = arith.muli %add3A_267, %mul3A_268 : i32
      %add3A_270 = arith.addi %mul3A_2, %mul3A_269 : i32
      %dma_start3A_271 = arith.constant 3 : i32
      %dma_start3A_272 = arith.constant 0 : i32
      %dma_start3A_273 = arith.constant 0 : i32
      %dma_start3A_274 = tpu.memref_slice %arg8[%dma_start3A_271, %dma_start3A_272, %dma_start3A_273] : memref<8x125x16xf32, #tpu.memory_space<vmem>> -> memref<1x125x16xf32, #tpu.memory_space<vmem>>
      %dma_start3A_275 = tpu.memref_squeeze %dma_start3A_274 : memref<1x125x16xf32, #tpu.memory_space<vmem>> -> memref<125x16xf32, #tpu.memory_space<vmem>>
      %dma_start3A_276 = arith.constant 0 : i32
      %dma_start3A_277 = tpu.memref_slice %arg5[%add3A_270, %dma_start3A_276] : memref<320000x16xf32, #tpu.memory_space<hbm>> -> memref<125x16xf32, #tpu.memory_space<hbm>>
      %dma_start3A_278 = arith.constant 0 : i32
      %dma_start3A_279 = tpu.memref_slice %arg5[%add3A_270, %dma_start3A_278] : memref<320000x16xf32, #tpu.memory_space<hbm>> -> memref<125x16xf32, #tpu.memory_space<hbm>>
      %dma_start3A_280 = arith.constant 0 : i32
      %dma_start3A_281 = arith.constant 0 : i32
      %dma_start3A_282 = tpu.memref_slice %arg8[%dma_start3A_271, %dma_start3A_280, %dma_start3A_281] : memref<8x125x16xf32, #tpu.memory_space<vmem>> -> memref<1x125x16xf32, #tpu.memory_space<vmem>>
      %dma_start3A_283 = tpu.memref_squeeze %dma_start3A_282 : memref<1x125x16xf32, #tpu.memory_space<vmem>> -> memref<125x16xf32, #tpu.memory_space<vmem>>
      tpu.enqueue_dma source(%dma_start3A_283 : memref<125x16xf32, #tpu.memory_space<vmem>>) target(%dma_start3A_279 : memref<125x16xf32, #tpu.memory_space<hbm>>) target_semaphore(%arg11 : memref<!tpu.dma_semaphore, #tpu.memory_space<semaphore_mem>>)
      %dma_wait3A_284 = arith.constant 4 : i32
      %dma_wait3A_285 = arith.constant 4 : i32
      %dma_wait3A_286 = arith.constant 0 : i32
      %dma_wait3A_287 = arith.constant 0 : i32
      %dma_wait3A_288 = tpu.memref_slice %arg8[%dma_wait3A_284, %dma_wait3A_286, %dma_wait3A_287] : memref<8x125x16xf32, #tpu.memory_space<vmem>> -> memref<1x125x16xf32, #tpu.memory_space<vmem>>
      %dma_wait3A_289 = tpu.memref_squeeze %dma_wait3A_288 : memref<1x125x16xf32, #tpu.memory_space<vmem>> -> memref<125x16xf32, #tpu.memory_space<vmem>>
      %dma_wait3A_290 = arith.constant 0 : i32
      %dma_wait3A_291 = tpu.memref_slice %arg7[%add3A_94, %dma_wait3A_290] : memref<80x125xi32, #tpu.memory_space<vmem>> -> memref<1x125xi32, #tpu.memory_space<vmem>>
      %dma_wait3A_292 = tpu.memref_squeeze %dma_wait3A_291 : memref<1x125xi32, #tpu.memory_space<vmem>> -> memref<125xi32, #tpu.memory_space<vmem>>
      %dma_wait3A_293 = arith.constant 0 : i32
      %dma_wait3A_294 = arith.constant 0 : i32
      %dma_wait3A_295 = tpu.memref_slice %arg2[%dma_wait3A_293, %dma_wait3A_294] : memref<10000x16xf32, #tpu.memory_space<hbm>> -> memref<10000x16xf32, #tpu.memory_space<hbm>>
      %dma_wait3A_296 = tpu.memref_slice %arg10[%dma_wait3A_285] : memref<8x!tpu.dma_semaphore, #tpu.memory_space<semaphore_mem>> -> memref<1x!tpu.dma_semaphore, #tpu.memory_space<semaphore_mem>>
      %dma_wait3A_297 = tpu.memref_squeeze %dma_wait3A_296 : memref<1x!tpu.dma_semaphore, #tpu.memory_space<semaphore_mem>> -> memref<!tpu.dma_semaphore, #tpu.memory_space<semaphore_mem>>
      tpu.wait_indirect_dma semaphore(%dma_wait3A_297 : memref<!tpu.dma_semaphore, #tpu.memory_space<semaphore_mem>>) src(%dma_wait3A_295 : memref<10000x16xf32, #tpu.memory_space<hbm>>) dst(%dma_wait3A_289 : memref<125x16xf32, #tpu.memory_space<vmem>>)
      %add3A_298 = arith.constant 4 : i32
      %add3A_299 = arith.addi %mul3A_29, %add3A_298 : i32
      %mul3A_300 = arith.constant 125 : i32
      %mul3A_301 = arith.muli %add3A_299, %mul3A_300 : i32
      %add3A_302 = arith.addi %mul3A_2, %mul3A_301 : i32
      %dma_start3A_303 = arith.constant 4 : i32
      %dma_start3A_304 = arith.constant 0 : i32
      %dma_start3A_305 = arith.constant 0 : i32
      %dma_start3A_306 = tpu.memref_slice %arg8[%dma_start3A_303, %dma_start3A_304, %dma_start3A_305] : memref<8x125x16xf32, #tpu.memory_space<vmem>> -> memref<1x125x16xf32, #tpu.memory_space<vmem>>
      %dma_start3A_307 = tpu.memref_squeeze %dma_start3A_306 : memref<1x125x16xf32, #tpu.memory_space<vmem>> -> memref<125x16xf32, #tpu.memory_space<vmem>>
      %dma_start3A_308 = arith.constant 0 : i32
      %dma_start3A_309 = tpu.memref_slice %arg5[%add3A_302, %dma_start3A_308] : memref<320000x16xf32, #tpu.memory_space<hbm>> -> memref<125x16xf32, #tpu.memory_space<hbm>>
      %dma_start3A_310 = arith.constant 0 : i32
      %dma_start3A_311 = tpu.memref_slice %arg5[%add3A_302, %dma_start3A_310] : memref<320000x16xf32, #tpu.memory_space<hbm>> -> memref<125x16xf32, #tpu.memory_space<hbm>>
      %dma_start3A_312 = arith.constant 0 : i32
      %dma_start3A_313 = arith.constant 0 : i32
      %dma_start3A_314 = tpu.memref_slice %arg8[%dma_start3A_303, %dma_start3A_312, %dma_start3A_313] : memref<8x125x16xf32, #tpu.memory_space<vmem>> -> memref<1x125x16xf32, #tpu.memory_space<vmem>>
      %dma_start3A_315 = tpu.memref_squeeze %dma_start3A_314 : memref<1x125x16xf32, #tpu.memory_space<vmem>> -> memref<125x16xf32, #tpu.memory_space<vmem>>
      tpu.enqueue_dma source(%dma_start3A_315 : memref<125x16xf32, #tpu.memory_space<vmem>>) target(%dma_start3A_311 : memref<125x16xf32, #tpu.memory_space<hbm>>) target_semaphore(%arg11 : memref<!tpu.dma_semaphore, #tpu.memory_space<semaphore_mem>>)
      %dma_wait3A_316 = arith.constant 5 : i32
      %dma_wait3A_317 = arith.constant 5 : i32
      %dma_wait3A_318 = arith.constant 0 : i32
      %dma_wait3A_319 = arith.constant 0 : i32
      %dma_wait3A_320 = tpu.memref_slice %arg8[%dma_wait3A_316, %dma_wait3A_318, %dma_wait3A_319] : memref<8x125x16xf32, #tpu.memory_space<vmem>> -> memref<1x125x16xf32, #tpu.memory_space<vmem>>
      %dma_wait3A_321 = tpu.memref_squeeze %dma_wait3A_320 : memref<1x125x16xf32, #tpu.memory_space<vmem>> -> memref<125x16xf32, #tpu.memory_space<vmem>>
      %dma_wait3A_322 = arith.constant 0 : i32
      %dma_wait3A_323 = tpu.memref_slice %arg7[%add3A_110, %dma_wait3A_322] : memref<80x125xi32, #tpu.memory_space<vmem>> -> memref<1x125xi32, #tpu.memory_space<vmem>>
      %dma_wait3A_324 = tpu.memref_squeeze %dma_wait3A_323 : memref<1x125xi32, #tpu.memory_space<vmem>> -> memref<125xi32, #tpu.memory_space<vmem>>
      %dma_wait3A_325 = arith.constant 0 : i32
      %dma_wait3A_326 = arith.constant 0 : i32
      %dma_wait3A_327 = tpu.memref_slice %arg2[%dma_wait3A_325, %dma_wait3A_326] : memref<10000x16xf32, #tpu.memory_space<hbm>> -> memref<10000x16xf32, #tpu.memory_space<hbm>>
      %dma_wait3A_328 = tpu.memref_slice %arg10[%dma_wait3A_317] : memref<8x!tpu.dma_semaphore, #tpu.memory_space<semaphore_mem>> -> memref<1x!tpu.dma_semaphore, #tpu.memory_space<semaphore_mem>>
      %dma_wait3A_329 = tpu.memref_squeeze %dma_wait3A_328 : memref<1x!tpu.dma_semaphore, #tpu.memory_space<semaphore_mem>> -> memref<!tpu.dma_semaphore, #tpu.memory_space<semaphore_mem>>
      tpu.wait_indirect_dma semaphore(%dma_wait3A_329 : memref<!tpu.dma_semaphore, #tpu.memory_space<semaphore_mem>>) src(%dma_wait3A_327 : memref<10000x16xf32, #tpu.memory_space<hbm>>) dst(%dma_wait3A_321 : memref<125x16xf32, #tpu.memory_space<vmem>>)
      %add3A_330 = arith.constant 5 : i32
      %add3A_331 = arith.addi %mul3A_29, %add3A_330 : i32
      %mul3A_332 = arith.constant 125 : i32
      %mul3A_333 = arith.muli %add3A_331, %mul3A_332 : i32
      %add3A_334 = arith.addi %mul3A_2, %mul3A_333 : i32
      %dma_start3A_335 = arith.constant 5 : i32
      %dma_start3A_336 = arith.constant 0 : i32
      %dma_start3A_337 = arith.constant 0 : i32
      %dma_start3A_338 = tpu.memref_slice %arg8[%dma_start3A_335, %dma_start3A_336, %dma_start3A_337] : memref<8x125x16xf32, #tpu.memory_space<vmem>> -> memref<1x125x16xf32, #tpu.memory_space<vmem>>
      %dma_start3A_339 = tpu.memref_squeeze %dma_start3A_338 : memref<1x125x16xf32, #tpu.memory_space<vmem>> -> memref<125x16xf32, #tpu.memory_space<vmem>>
      %dma_start3A_340 = arith.constant 0 : i32
      %dma_start3A_341 = tpu.memref_slice %arg5[%add3A_334, %dma_start3A_340] : memref<320000x16xf32, #tpu.memory_space<hbm>> -> memref<125x16xf32, #tpu.memory_space<hbm>>
      %dma_start3A_342 = arith.constant 0 : i32
      %dma_start3A_343 = tpu.memref_slice %arg5[%add3A_334, %dma_start3A_342] : memref<320000x16xf32, #tpu.memory_space<hbm>> -> memref<125x16xf32, #tpu.memory_space<hbm>>
      %dma_start3A_344 = arith.constant 0 : i32
      %dma_start3A_345 = arith.constant 0 : i32
      %dma_start3A_346 = tpu.memref_slice %arg8[%dma_start3A_335, %dma_start3A_344, %dma_start3A_345] : memref<8x125x16xf32, #tpu.memory_space<vmem>> -> memref<1x125x16xf32, #tpu.memory_space<vmem>>
      %dma_start3A_347 = tpu.memref_squeeze %dma_start3A_346 : memref<1x125x16xf32, #tpu.memory_space<vmem>> -> memref<125x16xf32, #tpu.memory_space<vmem>>
      tpu.enqueue_dma source(%dma_start3A_347 : memref<125x16xf32, #tpu.memory_space<vmem>>) target(%dma_start3A_343 : memref<125x16xf32, #tpu.memory_space<hbm>>) target_semaphore(%arg11 : memref<!tpu.dma_semaphore, #tpu.memory_space<semaphore_mem>>)
      %dma_wait3A_348 = arith.constant 6 : i32
      %dma_wait3A_349 = arith.constant 6 : i32
      %dma_wait3A_350 = arith.constant 0 : i32
      %dma_wait3A_351 = arith.constant 0 : i32
      %dma_wait3A_352 = tpu.memref_slice %arg8[%dma_wait3A_348, %dma_wait3A_350, %dma_wait3A_351] : memref<8x125x16xf32, #tpu.memory_space<vmem>> -> memref<1x125x16xf32, #tpu.memory_space<vmem>>
      %dma_wait3A_353 = tpu.memref_squeeze %dma_wait3A_352 : memref<1x125x16xf32, #tpu.memory_space<vmem>> -> memref<125x16xf32, #tpu.memory_space<vmem>>
      %dma_wait3A_354 = arith.constant 0 : i32
      %dma_wait3A_355 = tpu.memref_slice %arg7[%add3A_126, %dma_wait3A_354] : memref<80x125xi32, #tpu.memory_space<vmem>> -> memref<1x125xi32, #tpu.memory_space<vmem>>
      %dma_wait3A_356 = tpu.memref_squeeze %dma_wait3A_355 : memref<1x125xi32, #tpu.memory_space<vmem>> -> memref<125xi32, #tpu.memory_space<vmem>>
      %dma_wait3A_357 = arith.constant 0 : i32
      %dma_wait3A_358 = arith.constant 0 : i32
      %dma_wait3A_359 = tpu.memref_slice %arg2[%dma_wait3A_357, %dma_wait3A_358] : memref<10000x16xf32, #tpu.memory_space<hbm>> -> memref<10000x16xf32, #tpu.memory_space<hbm>>
      %dma_wait3A_360 = tpu.memref_slice %arg10[%dma_wait3A_349] : memref<8x!tpu.dma_semaphore, #tpu.memory_space<semaphore_mem>> -> memref<1x!tpu.dma_semaphore, #tpu.memory_space<semaphore_mem>>
      %dma_wait3A_361 = tpu.memref_squeeze %dma_wait3A_360 : memref<1x!tpu.dma_semaphore, #tpu.memory_space<semaphore_mem>> -> memref<!tpu.dma_semaphore, #tpu.memory_space<semaphore_mem>>
      tpu.wait_indirect_dma semaphore(%dma_wait3A_361 : memref<!tpu.dma_semaphore, #tpu.memory_space<semaphore_mem>>) src(%dma_wait3A_359 : memref<10000x16xf32, #tpu.memory_space<hbm>>) dst(%dma_wait3A_353 : memref<125x16xf32, #tpu.memory_space<vmem>>)
      %add3A_362 = arith.constant 6 : i32
      %add3A_363 = arith.addi %mul3A_29, %add3A_362 : i32
      %mul3A_364 = arith.constant 125 : i32
      %mul3A_365 = arith.muli %add3A_363, %mul3A_364 : i32
      %add3A_366 = arith.addi %mul3A_2, %mul3A_365 : i32
      %dma_start3A_367 = arith.constant 6 : i32
      %dma_start3A_368 = arith.constant 0 : i32
      %dma_start3A_369 = arith.constant 0 : i32
      %dma_start3A_370 = tpu.memref_slice %arg8[%dma_start3A_367, %dma_start3A_368, %dma_start3A_369] : memref<8x125x16xf32, #tpu.memory_space<vmem>> -> memref<1x125x16xf32, #tpu.memory_space<vmem>>
      %dma_start3A_371 = tpu.memref_squeeze %dma_start3A_370 : memref<1x125x16xf32, #tpu.memory_space<vmem>> -> memref<125x16xf32, #tpu.memory_space<vmem>>
      %dma_start3A_372 = arith.constant 0 : i32
      %dma_start3A_373 = tpu.memref_slice %arg5[%add3A_366, %dma_start3A_372] : memref<320000x16xf32, #tpu.memory_space<hbm>> -> memref<125x16xf32, #tpu.memory_space<hbm>>
      %dma_start3A_374 = arith.constant 0 : i32
      %dma_start3A_375 = tpu.memref_slice %arg5[%add3A_366, %dma_start3A_374] : memref<320000x16xf32, #tpu.memory_space<hbm>> -> memref<125x16xf32, #tpu.memory_space<hbm>>
      %dma_start3A_376 = arith.constant 0 : i32
      %dma_start3A_377 = arith.constant 0 : i32
      %dma_start3A_378 = tpu.memref_slice %arg8[%dma_start3A_367, %dma_start3A_376, %dma_start3A_377] : memref<8x125x16xf32, #tpu.memory_space<vmem>> -> memref<1x125x16xf32, #tpu.memory_space<vmem>>
      %dma_start3A_379 = tpu.memref_squeeze %dma_start3A_378 : memref<1x125x16xf32, #tpu.memory_space<vmem>> -> memref<125x16xf32, #tpu.memory_space<vmem>>
      tpu.enqueue_dma source(%dma_start3A_379 : memref<125x16xf32, #tpu.memory_space<vmem>>) target(%dma_start3A_375 : memref<125x16xf32, #tpu.memory_space<hbm>>) target_semaphore(%arg11 : memref<!tpu.dma_semaphore, #tpu.memory_space<semaphore_mem>>)
      %dma_wait3A_380 = arith.constant 7 : i32
      %dma_wait3A_381 = arith.constant 7 : i32
      %dma_wait3A_382 = arith.constant 0 : i32
      %dma_wait3A_383 = arith.constant 0 : i32
      %dma_wait3A_384 = tpu.memref_slice %arg8[%dma_wait3A_380, %dma_wait3A_382, %dma_wait3A_383] : memref<8x125x16xf32, #tpu.memory_space<vmem>> -> memref<1x125x16xf32, #tpu.memory_space<vmem>>
      %dma_wait3A_385 = tpu.memref_squeeze %dma_wait3A_384 : memref<1x125x16xf32, #tpu.memory_space<vmem>> -> memref<125x16xf32, #tpu.memory_space<vmem>>
      %dma_wait3A_386 = arith.constant 0 : i32
      %dma_wait3A_387 = tpu.memref_slice %arg7[%add3A_142, %dma_wait3A_386] : memref<80x125xi32, #tpu.memory_space<vmem>> -> memref<1x125xi32, #tpu.memory_space<vmem>>
      %dma_wait3A_388 = tpu.memref_squeeze %dma_wait3A_387 : memref<1x125xi32, #tpu.memory_space<vmem>> -> memref<125xi32, #tpu.memory_space<vmem>>
      %dma_wait3A_389 = arith.constant 0 : i32
      %dma_wait3A_390 = arith.constant 0 : i32
      %dma_wait3A_391 = tpu.memref_slice %arg2[%dma_wait3A_389, %dma_wait3A_390] : memref<10000x16xf32, #tpu.memory_space<hbm>> -> memref<10000x16xf32, #tpu.memory_space<hbm>>
      %dma_wait3A_392 = tpu.memref_slice %arg10[%dma_wait3A_381] : memref<8x!tpu.dma_semaphore, #tpu.memory_space<semaphore_mem>> -> memref<1x!tpu.dma_semaphore, #tpu.memory_space<semaphore_mem>>
      %dma_wait3A_393 = tpu.memref_squeeze %dma_wait3A_392 : memref<1x!tpu.dma_semaphore, #tpu.memory_space<semaphore_mem>> -> memref<!tpu.dma_semaphore, #tpu.memory_space<semaphore_mem>>
      tpu.wait_indirect_dma semaphore(%dma_wait3A_393 : memref<!tpu.dma_semaphore, #tpu.memory_space<semaphore_mem>>) src(%dma_wait3A_391 : memref<10000x16xf32, #tpu.memory_space<hbm>>) dst(%dma_wait3A_385 : memref<125x16xf32, #tpu.memory_space<vmem>>)
      %add3A_394 = arith.constant 7 : i32
      %add3A_395 = arith.addi %mul3A_29, %add3A_394 : i32
      %mul3A_396 = arith.constant 125 : i32
      %mul3A_397 = arith.muli %add3A_395, %mul3A_396 : i32
      %add3A_398 = arith.addi %mul3A_2, %mul3A_397 : i32
      %dma_start3A_399 = arith.constant 7 : i32
      %dma_start3A_400 = arith.constant 0 : i32
      %dma_start3A_401 = arith.constant 0 : i32
      %dma_start3A_402 = tpu.memref_slice %arg8[%dma_start3A_399, %dma_start3A_400, %dma_start3A_401] : memref<8x125x16xf32, #tpu.memory_space<vmem>> -> memref<1x125x16xf32, #tpu.memory_space<vmem>>
      %dma_start3A_403 = tpu.memref_squeeze %dma_start3A_402 : memref<1x125x16xf32, #tpu.memory_space<vmem>> -> memref<125x16xf32, #tpu.memory_space<vmem>>
      %dma_start3A_404 = arith.constant 0 : i32
      %dma_start3A_405 = tpu.memref_slice %arg5[%add3A_398, %dma_start3A_404] : memref<320000x16xf32, #tpu.memory_space<hbm>> -> memref<125x16xf32, #tpu.memory_space<hbm>>
      %dma_start3A_406 = arith.constant 0 : i32
      %dma_start3A_407 = tpu.memref_slice %arg5[%add3A_398, %dma_start3A_406] : memref<320000x16xf32, #tpu.memory_space<hbm>> -> memref<125x16xf32, #tpu.memory_space<hbm>>
      %dma_start3A_408 = arith.constant 0 : i32
      %dma_start3A_409 = arith.constant 0 : i32
      %dma_start3A_410 = tpu.memref_slice %arg8[%dma_start3A_399, %dma_start3A_408, %dma_start3A_409] : memref<8x125x16xf32, #tpu.memory_space<vmem>> -> memref<1x125x16xf32, #tpu.memory_space<vmem>>
      %dma_start3A_411 = tpu.memref_squeeze %dma_start3A_410 : memref<1x125x16xf32, #tpu.memory_space<vmem>> -> memref<125x16xf32, #tpu.memory_space<vmem>>
      tpu.enqueue_dma source(%dma_start3A_411 : memref<125x16xf32, #tpu.memory_space<vmem>>) target(%dma_start3A_407 : memref<125x16xf32, #tpu.memory_space<hbm>>) target_semaphore(%arg11 : memref<!tpu.dma_semaphore, #tpu.memory_space<semaphore_mem>>)
      %dma_wait3A_412 = arith.constant 0 : i32
      %dma_wait3A_413 = arith.constant 0 : i32
      %dma_wait3A_414 = arith.constant 0 : i32
      %dma_wait3A_415 = tpu.memref_slice %arg8[%dma_wait3A_412, %dma_wait3A_413, %dma_wait3A_414] : memref<8x125x16xf32, #tpu.memory_space<vmem>> -> memref<1x125x16xf32, #tpu.memory_space<vmem>>
      %dma_wait3A_416 = tpu.memref_squeeze %dma_wait3A_415 : memref<1x125x16xf32, #tpu.memory_space<vmem>> -> memref<125x16xf32, #tpu.memory_space<vmem>>
      %dma_wait3A_417 = arith.constant 0 : i32
      %dma_wait3A_418 = tpu.memref_slice %arg5[%add3A_174, %dma_wait3A_417] : memref<320000x16xf32, #tpu.memory_space<hbm>> -> memref<125x16xf32, #tpu.memory_space<hbm>>
      %dma_wait3A_419 = arith.constant 0 : i32
      %dma_wait3A_420 = tpu.memref_slice %arg5[%add3A_174, %dma_wait3A_419] : memref<320000x16xf32, #tpu.memory_space<hbm>> -> memref<125x16xf32, #tpu.memory_space<hbm>>
      %dma_wait3A_421 = arith.constant 0 : i32
      %dma_wait3A_422 = arith.constant 0 : i32
      %dma_wait3A_423 = tpu.memref_slice %arg8[%dma_wait3A_412, %dma_wait3A_421, %dma_wait3A_422] : memref<8x125x16xf32, #tpu.memory_space<vmem>> -> memref<1x125x16xf32, #tpu.memory_space<vmem>>
      %dma_wait3A_424 = tpu.memref_squeeze %dma_wait3A_423 : memref<1x125x16xf32, #tpu.memory_space<vmem>> -> memref<125x16xf32, #tpu.memory_space<vmem>>
      tpu.wait_dma2 semaphore(%arg11 : memref<!tpu.dma_semaphore, #tpu.memory_space<semaphore_mem>>) src(%dma_wait3A_424 : memref<125x16xf32, #tpu.memory_space<vmem>>) dst(%dma_wait3A_420 : memref<125x16xf32, #tpu.memory_space<hbm>>)
      %dma_wait3A_425 = arith.constant 1 : i32
      %dma_wait3A_426 = arith.constant 0 : i32
      %dma_wait3A_427 = arith.constant 0 : i32
      %dma_wait3A_428 = tpu.memref_slice %arg8[%dma_wait3A_425, %dma_wait3A_426, %dma_wait3A_427] : memref<8x125x16xf32, #tpu.memory_space<vmem>> -> memref<1x125x16xf32, #tpu.memory_space<vmem>>
      %dma_wait3A_429 = tpu.memref_squeeze %dma_wait3A_428 : memref<1x125x16xf32, #tpu.memory_space<vmem>> -> memref<125x16xf32, #tpu.memory_space<vmem>>
      %dma_wait3A_430 = arith.constant 0 : i32
      %dma_wait3A_431 = tpu.memref_slice %arg5[%add3A_206, %dma_wait3A_430] : memref<320000x16xf32, #tpu.memory_space<hbm>> -> memref<125x16xf32, #tpu.memory_space<hbm>>
      %dma_wait3A_432 = arith.constant 0 : i32
      %dma_wait3A_433 = tpu.memref_slice %arg5[%add3A_206, %dma_wait3A_432] : memref<320000x16xf32, #tpu.memory_space<hbm>> -> memref<125x16xf32, #tpu.memory_space<hbm>>
      %dma_wait3A_434 = arith.constant 0 : i32
      %dma_wait3A_435 = arith.constant 0 : i32
      %dma_wait3A_436 = tpu.memref_slice %arg8[%dma_wait3A_425, %dma_wait3A_434, %dma_wait3A_435] : memref<8x125x16xf32, #tpu.memory_space<vmem>> -> memref<1x125x16xf32, #tpu.memory_space<vmem>>
      %dma_wait3A_437 = tpu.memref_squeeze %dma_wait3A_436 : memref<1x125x16xf32, #tpu.memory_space<vmem>> -> memref<125x16xf32, #tpu.memory_space<vmem>>
      tpu.wait_dma2 semaphore(%arg11 : memref<!tpu.dma_semaphore, #tpu.memory_space<semaphore_mem>>) src(%dma_wait3A_437 : memref<125x16xf32, #tpu.memory_space<vmem>>) dst(%dma_wait3A_433 : memref<125x16xf32, #tpu.memory_space<hbm>>)
      %dma_wait3A_438 = arith.constant 2 : i32
      %dma_wait3A_439 = arith.constant 0 : i32
      %dma_wait3A_440 = arith.constant 0 : i32
      %dma_wait3A_441 = tpu.memref_slice %arg8[%dma_wait3A_438, %dma_wait3A_439, %dma_wait3A_440] : memref<8x125x16xf32, #tpu.memory_space<vmem>> -> memref<1x125x16xf32, #tpu.memory_space<vmem>>
      %dma_wait3A_442 = tpu.memref_squeeze %dma_wait3A_441 : memref<1x125x16xf32, #tpu.memory_space<vmem>> -> memref<125x16xf32, #tpu.memory_space<vmem>>
      %dma_wait3A_443 = arith.constant 0 : i32
      %dma_wait3A_444 = tpu.memref_slice %arg5[%add3A_238, %dma_wait3A_443] : memref<320000x16xf32, #tpu.memory_space<hbm>> -> memref<125x16xf32, #tpu.memory_space<hbm>>
      %dma_wait3A_445 = arith.constant 0 : i32
      %dma_wait3A_446 = tpu.memref_slice %arg5[%add3A_238, %dma_wait3A_445] : memref<320000x16xf32, #tpu.memory_space<hbm>> -> memref<125x16xf32, #tpu.memory_space<hbm>>
      %dma_wait3A_447 = arith.constant 0 : i32
      %dma_wait3A_448 = arith.constant 0 : i32
      %dma_wait3A_449 = tpu.memref_slice %arg8[%dma_wait3A_438, %dma_wait3A_447, %dma_wait3A_448] : memref<8x125x16xf32, #tpu.memory_space<vmem>> -> memref<1x125x16xf32, #tpu.memory_space<vmem>>
      %dma_wait3A_450 = tpu.memref_squeeze %dma_wait3A_449 : memref<1x125x16xf32, #tpu.memory_space<vmem>> -> memref<125x16xf32, #tpu.memory_space<vmem>>
      tpu.wait_dma2 semaphore(%arg11 : memref<!tpu.dma_semaphore, #tpu.memory_space<semaphore_mem>>) src(%dma_wait3A_450 : memref<125x16xf32, #tpu.memory_space<vmem>>) dst(%dma_wait3A_446 : memref<125x16xf32, #tpu.memory_space<hbm>>)
      %dma_wait3A_451 = arith.constant 3 : i32
      %dma_wait3A_452 = arith.constant 0 : i32
      %dma_wait3A_453 = arith.constant 0 : i32
      %dma_wait3A_454 = tpu.memref_slice %arg8[%dma_wait3A_451, %dma_wait3A_452, %dma_wait3A_453] : memref<8x125x16xf32, #tpu.memory_space<vmem>> -> memref<1x125x16xf32, #tpu.memory_space<vmem>>
      %dma_wait3A_455 = tpu.memref_squeeze %dma_wait3A_454 : memref<1x125x16xf32, #tpu.memory_space<vmem>> -> memref<125x16xf32, #tpu.memory_space<vmem>>
      %dma_wait3A_456 = arith.constant 0 : i32
      %dma_wait3A_457 = tpu.memref_slice %arg5[%add3A_270, %dma_wait3A_456] : memref<320000x16xf32, #tpu.memory_space<hbm>> -> memref<125x16xf32, #tpu.memory_space<hbm>>
      %dma_wait3A_458 = arith.constant 0 : i32
      %dma_wait3A_459 = tpu.memref_slice %arg5[%add3A_270, %dma_wait3A_458] : memref<320000x16xf32, #tpu.memory_space<hbm>> -> memref<125x16xf32, #tpu.memory_space<hbm>>
      %dma_wait3A_460 = arith.constant 0 : i32
      %dma_wait3A_461 = arith.constant 0 : i32
      %dma_wait3A_462 = tpu.memref_slice %arg8[%dma_wait3A_451, %dma_wait3A_460, %dma_wait3A_461] : memref<8x125x16xf32, #tpu.memory_space<vmem>> -> memref<1x125x16xf32, #tpu.memory_space<vmem>>
      %dma_wait3A_463 = tpu.memref_squeeze %dma_wait3A_462 : memref<1x125x16xf32, #tpu.memory_space<vmem>> -> memref<125x16xf32, #tpu.memory_space<vmem>>
      tpu.wait_dma2 semaphore(%arg11 : memref<!tpu.dma_semaphore, #tpu.memory_space<semaphore_mem>>) src(%dma_wait3A_463 : memref<125x16xf32, #tpu.memory_space<vmem>>) dst(%dma_wait3A_459 : memref<125x16xf32, #tpu.memory_space<hbm>>)
      %dma_wait3A_464 = arith.constant 4 : i32
      %dma_wait3A_465 = arith.constant 0 : i32
      %dma_wait3A_466 = arith.constant 0 : i32
      %dma_wait3A_467 = tpu.memref_slice %arg8[%dma_wait3A_464, %dma_wait3A_465, %dma_wait3A_466] : memref<8x125x16xf32, #tpu.memory_space<vmem>> -> memref<1x125x16xf32, #tpu.memory_space<vmem>>
      %dma_wait3A_468 = tpu.memref_squeeze %dma_wait3A_467 : memref<1x125x16xf32, #tpu.memory_space<vmem>> -> memref<125x16xf32, #tpu.memory_space<vmem>>
      %dma_wait3A_469 = arith.constant 0 : i32
      %dma_wait3A_470 = tpu.memref_slice %arg5[%add3A_302, %dma_wait3A_469] : memref<320000x16xf32, #tpu.memory_space<hbm>> -> memref<125x16xf32, #tpu.memory_space<hbm>>
      %dma_wait3A_471 = arith.constant 0 : i32
      %dma_wait3A_472 = tpu.memref_slice %arg5[%add3A_302, %dma_wait3A_471] : memref<320000x16xf32, #tpu.memory_space<hbm>> -> memref<125x16xf32, #tpu.memory_space<hbm>>
      %dma_wait3A_473 = arith.constant 0 : i32
      %dma_wait3A_474 = arith.constant 0 : i32
      %dma_wait3A_475 = tpu.memref_slice %arg8[%dma_wait3A_464, %dma_wait3A_473, %dma_wait3A_474] : memref<8x125x16xf32, #tpu.memory_space<vmem>> -> memref<1x125x16xf32, #tpu.memory_space<vmem>>
      %dma_wait3A_476 = tpu.memref_squeeze %dma_wait3A_475 : memref<1x125x16xf32, #tpu.memory_space<vmem>> -> memref<125x16xf32, #tpu.memory_space<vmem>>
      tpu.wait_dma2 semaphore(%arg11 : memref<!tpu.dma_semaphore, #tpu.memory_space<semaphore_mem>>) src(%dma_wait3A_476 : memref<125x16xf32, #tpu.memory_space<vmem>>) dst(%dma_wait3A_472 : memref<125x16xf32, #tpu.memory_space<hbm>>)
      %dma_wait3A_477 = arith.constant 5 : i32
      %dma_wait3A_478 = arith.constant 0 : i32
      %dma_wait3A_479 = arith.constant 0 : i32
      %dma_wait3A_480 = tpu.memref_slice %arg8[%dma_wait3A_477, %dma_wait3A_478, %dma_wait3A_479] : memref<8x125x16xf32, #tpu.memory_space<vmem>> -> memref<1x125x16xf32, #tpu.memory_space<vmem>>
      %dma_wait3A_481 = tpu.memref_squeeze %dma_wait3A_480 : memref<1x125x16xf32, #tpu.memory_space<vmem>> -> memref<125x16xf32, #tpu.memory_space<vmem>>
      %dma_wait3A_482 = arith.constant 0 : i32
      %dma_wait3A_483 = tpu.memref_slice %arg5[%add3A_334, %dma_wait3A_482] : memref<320000x16xf32, #tpu.memory_space<hbm>> -> memref<125x16xf32, #tpu.memory_space<hbm>>
      %dma_wait3A_484 = arith.constant 0 : i32
      %dma_wait3A_485 = tpu.memref_slice %arg5[%add3A_334, %dma_wait3A_484] : memref<320000x16xf32, #tpu.memory_space<hbm>> -> memref<125x16xf32, #tpu.memory_space<hbm>>
      %dma_wait3A_486 = arith.constant 0 : i32
      %dma_wait3A_487 = arith.constant 0 : i32
      %dma_wait3A_488 = tpu.memref_slice %arg8[%dma_wait3A_477, %dma_wait3A_486, %dma_wait3A_487] : memref<8x125x16xf32, #tpu.memory_space<vmem>> -> memref<1x125x16xf32, #tpu.memory_space<vmem>>
      %dma_wait3A_489 = tpu.memref_squeeze %dma_wait3A_488 : memref<1x125x16xf32, #tpu.memory_space<vmem>> -> memref<125x16xf32, #tpu.memory_space<vmem>>
      tpu.wait_dma2 semaphore(%arg11 : memref<!tpu.dma_semaphore, #tpu.memory_space<semaphore_mem>>) src(%dma_wait3A_489 : memref<125x16xf32, #tpu.memory_space<vmem>>) dst(%dma_wait3A_485 : memref<125x16xf32, #tpu.memory_space<hbm>>)
      %dma_wait3A_490 = arith.constant 6 : i32
      %dma_wait3A_491 = arith.constant 0 : i32
      %dma_wait3A_492 = arith.constant 0 : i32
      %dma_wait3A_493 = tpu.memref_slice %arg8[%dma_wait3A_490, %dma_wait3A_491, %dma_wait3A_492] : memref<8x125x16xf32, #tpu.memory_space<vmem>> -> memref<1x125x16xf32, #tpu.memory_space<vmem>>
      %dma_wait3A_494 = tpu.memref_squeeze %dma_wait3A_493 : memref<1x125x16xf32, #tpu.memory_space<vmem>> -> memref<125x16xf32, #tpu.memory_space<vmem>>
      %dma_wait3A_495 = arith.constant 0 : i32
      %dma_wait3A_496 = tpu.memref_slice %arg5[%add3A_366, %dma_wait3A_495] : memref<320000x16xf32, #tpu.memory_space<hbm>> -> memref<125x16xf32, #tpu.memory_space<hbm>>
      %dma_wait3A_497 = arith.constant 0 : i32
      %dma_wait3A_498 = tpu.memref_slice %arg5[%add3A_366, %dma_wait3A_497] : memref<320000x16xf32, #tpu.memory_space<hbm>> -> memref<125x16xf32, #tpu.memory_space<hbm>>
      %dma_wait3A_499 = arith.constant 0 : i32
      %dma_wait3A_500 = arith.constant 0 : i32
      %dma_wait3A_501 = tpu.memref_slice %arg8[%dma_wait3A_490, %dma_wait3A_499, %dma_wait3A_500] : memref<8x125x16xf32, #tpu.memory_space<vmem>> -> memref<1x125x16xf32, #tpu.memory_space<vmem>>
      %dma_wait3A_502 = tpu.memref_squeeze %dma_wait3A_501 : memref<1x125x16xf32, #tpu.memory_space<vmem>> -> memref<125x16xf32, #tpu.memory_space<vmem>>
      tpu.wait_dma2 semaphore(%arg11 : memref<!tpu.dma_semaphore, #tpu.memory_space<semaphore_mem>>) src(%dma_wait3A_502 : memref<125x16xf32, #tpu.memory_space<vmem>>) dst(%dma_wait3A_498 : memref<125x16xf32, #tpu.memory_space<hbm>>)
      %dma_wait3A_503 = arith.constant 7 : i32
      %dma_wait3A_504 = arith.constant 0 : i32
      %dma_wait3A_505 = arith.constant 0 : i32
      %dma_wait3A_506 = tpu.memref_slice %arg8[%dma_wait3A_503, %dma_wait3A_504, %dma_wait3A_505] : memref<8x125x16xf32, #tpu.memory_space<vmem>> -> memref<1x125x16xf32, #tpu.memory_space<vmem>>
      %dma_wait3A_507 = tpu.memref_squeeze %dma_wait3A_506 : memref<1x125x16xf32, #tpu.memory_space<vmem>> -> memref<125x16xf32, #tpu.memory_space<vmem>>
      %dma_wait3A_508 = arith.constant 0 : i32
      %dma_wait3A_509 = tpu.memref_slice %arg5[%add3A_398, %dma_wait3A_508] : memref<320000x16xf32, #tpu.memory_space<hbm>> -> memref<125x16xf32, #tpu.memory_space<hbm>>
      %dma_wait3A_510 = arith.constant 0 : i32
      %dma_wait3A_511 = tpu.memref_slice %arg5[%add3A_398, %dma_wait3A_510] : memref<320000x16xf32, #tpu.memory_space<hbm>> -> memref<125x16xf32, #tpu.memory_space<hbm>>
      %dma_wait3A_512 = arith.constant 0 : i32
      %dma_wait3A_513 = arith.constant 0 : i32
      %dma_wait3A_514 = tpu.memref_slice %arg8[%dma_wait3A_503, %dma_wait3A_512, %dma_wait3A_513] : memref<8x125x16xf32, #tpu.memory_space<vmem>> -> memref<1x125x16xf32, #tpu.memory_space<vmem>>
      %dma_wait3A_515 = tpu.memref_squeeze %dma_wait3A_514 : memref<1x125x16xf32, #tpu.memory_space<vmem>> -> memref<125x16xf32, #tpu.memory_space<vmem>>
      tpu.wait_dma2 semaphore(%arg11 : memref<!tpu.dma_semaphore, #tpu.memory_space<semaphore_mem>>) src(%dma_wait3A_515 : memref<125x16xf32, #tpu.memory_space<vmem>>) dst(%dma_wait3A_511 : memref<125x16xf32, #tpu.memory_space<hbm>>)
    }
    %scan3A_26 = arith.constant 10 : i32
    return
  }
}

#map = affine_map<(d0, d1) -> (0, 0)>
#map1 = affine_map<(d0, d1) -> (0, 0, 0)>
module attributes {stable_mosaic.version = 14 : i64} {
  func.func @_scatter_body(%arg0: i32, %arg1: i32, %arg2: memref<320000x16xf32, #tpu.memory_space<hbm>>, %arg3: memref<32x80x125xi32, #tpu.memory_space<hbm>>, %arg4: memref<10000x16xf32, #tpu.memory_space<hbm>>, %arg5: memref<2x10000x16xf32, #tpu.memory_space<hbm>>, %arg6: memref<80x125xi32, #tpu.memory_space<vmem>>, %arg7: memref<8x125x16xf32, #tpu.memory_space<vmem>>, %arg8: memref<10000x16xf32, #tpu.memory_space<vmem_shared>>, %arg9: memref<8x!tpu.dma_semaphore, #tpu.memory_space<semaphore_mem>>, %arg10: memref<!tpu.dma_semaphore, #tpu.memory_space<semaphore_mem>>) attributes {dimension_semantics = [#tpu.dimension_semantics<core_parallel>, #tpu.dimension_semantics<subcore_parallel>], iteration_bounds = array<i64: 2, 16>, scalar_prefetch = 0 : i64, scratch_operands = 5 : i64, tpu.core_type = #tpu.core_type<sc_vector_subcore>, window_params = [{transform_indices = #map}, {transform_indices = #map1}, {transform_indices = #map}, {transform_indices = #map1}]} {
    %mul3A = arith.constant 2 : i32
    %mul3A_0 = arith.muli %arg1, %mul3A : i32
    %add3A = arith.addi %mul3A_0, %arg0 : i32
    %mul3A_1 = arith.constant 10000 : i32
    %mul3A_2 = arith.muli %add3A, %mul3A_1 : i32
    "tpu.region"() ({
      %run_scoped3A = tpu.sem_alloc : memref<!tpu.dma_semaphore, #tpu.memory_space<semaphore_mem>>
      %dma_start3A = arith.constant 0 : i32
      %dma_start3A_11 = arith.constant 0 : i32
      %dma_start3A_12 = tpu.memref_slice %arg3[%add3A, %dma_start3A, %dma_start3A_11] : memref<32x80x125xi32, #tpu.memory_space<hbm>> -> memref<1x80x125xi32, #tpu.memory_space<hbm>>
      %dma_start3A_13 = tpu.memref_squeeze %dma_start3A_12 : memref<1x80x125xi32, #tpu.memory_space<hbm>> -> memref<80x125xi32, #tpu.memory_space<hbm>>
      %dma_start3A_14 = arith.constant 0 : i32
      %dma_start3A_15 = arith.constant 0 : i32
      %dma_start3A_16 = tpu.memref_slice %arg3[%add3A, %dma_start3A_14, %dma_start3A_15] : memref<32x80x125xi32, #tpu.memory_space<hbm>> -> memref<1x80x125xi32, #tpu.memory_space<hbm>>
      %dma_start3A_17 = tpu.memref_squeeze %dma_start3A_16 : memref<1x80x125xi32, #tpu.memory_space<hbm>> -> memref<80x125xi32, #tpu.memory_space<hbm>>
      tpu.enqueue_dma source(%dma_start3A_17 : memref<80x125xi32, #tpu.memory_space<hbm>>) target(%arg6 : memref<80x125xi32, #tpu.memory_space<vmem>>) target_semaphore(%run_scoped3A : memref<!tpu.dma_semaphore, #tpu.memory_space<semaphore_mem>>)
      %dma_wait3A = arith.constant 0 : i32
      %dma_wait3A_18 = arith.constant 0 : i32
      %dma_wait3A_19 = tpu.memref_slice %arg3[%add3A, %dma_wait3A, %dma_wait3A_18] : memref<32x80x125xi32, #tpu.memory_space<hbm>> -> memref<1x80x125xi32, #tpu.memory_space<hbm>>
      %dma_wait3A_20 = tpu.memref_squeeze %dma_wait3A_19 : memref<1x80x125xi32, #tpu.memory_space<hbm>> -> memref<80x125xi32, #tpu.memory_space<hbm>>
      %dma_wait3A_21 = arith.constant 0 : i32
      %dma_wait3A_22 = arith.constant 0 : i32
      %dma_wait3A_23 = tpu.memref_slice %arg3[%add3A, %dma_wait3A_21, %dma_wait3A_22] : memref<32x80x125xi32, #tpu.memory_space<hbm>> -> memref<1x80x125xi32, #tpu.memory_space<hbm>>
      %dma_wait3A_24 = tpu.memref_squeeze %dma_wait3A_23 : memref<1x80x125xi32, #tpu.memory_space<hbm>> -> memref<80x125xi32, #tpu.memory_space<hbm>>
      tpu.wait_dma2 semaphore(%run_scoped3A : memref<!tpu.dma_semaphore, #tpu.memory_space<semaphore_mem>>) src(%dma_wait3A_24 : memref<80x125xi32, #tpu.memory_space<hbm>>) dst(%arg6 : memref<80x125xi32, #tpu.memory_space<vmem>>)
      tpu.yield
    }) : () -> ()
    %mul3A_3 = arith.constant 625 : i32
    %mul3A_4 = arith.muli %arg1, %mul3A_3 : i32
    "tpu.region"() ({
      %run_scoped3A = tpu.sem_alloc : memref<!tpu.dma_semaphore, #tpu.memory_space<semaphore_mem>>
      %dma_start3A = arith.constant 0 : i32
      %dma_start3A_11 = tpu.memref_slice %arg8[%mul3A_4, %dma_start3A] : memref<10000x16xf32, #tpu.memory_space<vmem_shared>> -> memref<625x16xf32, #tpu.memory_space<vmem_shared>>
      %dma_start3A_12 = arith.constant 0 : i32
      %dma_start3A_13 = tpu.memref_slice %arg4[%mul3A_4, %dma_start3A_12] : memref<10000x16xf32, #tpu.memory_space<hbm>> -> memref<625x16xf32, #tpu.memory_space<hbm>>
      tpu.enqueue_dma source(%dma_start3A_13 : memref<625x16xf32, #tpu.memory_space<hbm>>) target(%dma_start3A_11 : memref<625x16xf32, #tpu.memory_space<vmem_shared>>) target_semaphore(%run_scoped3A : memref<!tpu.dma_semaphore, #tpu.memory_space<semaphore_mem>>)
      %dma_wait3A = arith.constant 0 : i32
      %dma_wait3A_14 = tpu.memref_slice %arg8[%mul3A_4, %dma_wait3A] : memref<10000x16xf32, #tpu.memory_space<vmem_shared>> -> memref<625x16xf32, #tpu.memory_space<vmem_shared>>
      %dma_wait3A_15 = arith.constant 0 : i32
      %dma_wait3A_16 = tpu.memref_slice %arg4[%mul3A_4, %dma_wait3A_15] : memref<10000x16xf32, #tpu.memory_space<hbm>> -> memref<625x16xf32, #tpu.memory_space<hbm>>
      tpu.wait_dma2 semaphore(%run_scoped3A : memref<!tpu.dma_semaphore, #tpu.memory_space<semaphore_mem>>) src(%dma_wait3A_16 : memref<625x16xf32, #tpu.memory_space<hbm>>) dst(%dma_wait3A_14 : memref<625x16xf32, #tpu.memory_space<vmem_shared>>)
      tpu.yield
    }) : () -> ()
    %barrier3A = arith.constant 0 : index
    tpu.barrier barrier_id(%barrier3A)
    %scan3A = arith.constant 0 : i32
    %scan3A_5 = arith.constant 0 : i32
    %scan3A_6 = arith.constant 10 : i32
    %scan3A_7 = arith.addi %scan3A_5, %scan3A_6 : i32
    %scan3A_8 = arith.constant 1 : i32
    scf.for %scan3A_11 = %scan3A_5 to %scan3A_7 step %scan3A_8  : i32 {
      %mul3A_12 = arith.constant 8 : i32
      %mul3A_13 = arith.muli %scan3A_11, %mul3A_12 : i32
      %add3A_14 = arith.constant 0 : i32
      %add3A_15 = arith.addi %mul3A_13, %add3A_14 : i32
      %mul3A_16 = arith.constant 125 : i32
      %mul3A_17 = arith.muli %add3A_15, %mul3A_16 : i32
      %add3A_18 = arith.addi %mul3A_2, %mul3A_17 : i32
      %dma_start3A = arith.constant 0 : i32
      %dma_start3A_19 = arith.constant 0 : i32
      %dma_start3A_20 = arith.constant 0 : i32
      %dma_start3A_21 = arith.constant 0 : i32
      %dma_start3A_22 = tpu.memref_slice %arg7[%dma_start3A, %dma_start3A_20, %dma_start3A_21] : memref<8x125x16xf32, #tpu.memory_space<vmem>> -> memref<1x125x16xf32, #tpu.memory_space<vmem>>
      %dma_start3A_23 = tpu.memref_squeeze %dma_start3A_22 : memref<1x125x16xf32, #tpu.memory_space<vmem>> -> memref<125x16xf32, #tpu.memory_space<vmem>>
      %dma_start3A_24 = arith.constant 0 : i32
      %dma_start3A_25 = tpu.memref_slice %arg2[%add3A_18, %dma_start3A_24] : memref<320000x16xf32, #tpu.memory_space<hbm>> -> memref<125x16xf32, #tpu.memory_space<hbm>>
      %dma_start3A_26 = tpu.memref_slice %arg9[%dma_start3A_19] : memref<8x!tpu.dma_semaphore, #tpu.memory_space<semaphore_mem>> -> memref<1x!tpu.dma_semaphore, #tpu.memory_space<semaphore_mem>>
      %dma_start3A_27 = tpu.memref_squeeze %dma_start3A_26 : memref<1x!tpu.dma_semaphore, #tpu.memory_space<semaphore_mem>> -> memref<!tpu.dma_semaphore, #tpu.memory_space<semaphore_mem>>
      %dma_start3A_28 = arith.constant 0 : i32
      %dma_start3A_29 = arith.constant 0 : i32
      %dma_start3A_30 = tpu.memref_slice %arg7[%dma_start3A, %dma_start3A_28, %dma_start3A_29] : memref<8x125x16xf32, #tpu.memory_space<vmem>> -> memref<1x125x16xf32, #tpu.memory_space<vmem>>
      %dma_start3A_31 = tpu.memref_squeeze %dma_start3A_30 : memref<1x125x16xf32, #tpu.memory_space<vmem>> -> memref<125x16xf32, #tpu.memory_space<vmem>>
      %dma_start3A_32 = arith.constant 0 : i32
      %dma_start3A_33 = tpu.memref_slice %arg2[%add3A_18, %dma_start3A_32] : memref<320000x16xf32, #tpu.memory_space<hbm>> -> memref<125x16xf32, #tpu.memory_space<hbm>>
      tpu.enqueue_dma source(%dma_start3A_33 : memref<125x16xf32, #tpu.memory_space<hbm>>) target(%dma_start3A_31 : memref<125x16xf32, #tpu.memory_space<vmem>>) target_semaphore(%dma_start3A_27 : memref<!tpu.dma_semaphore, #tpu.memory_space<semaphore_mem>>)
      %add3A_34 = arith.constant 1 : i32
      %add3A_35 = arith.addi %mul3A_13, %add3A_34 : i32
      %mul3A_36 = arith.constant 125 : i32
      %mul3A_37 = arith.muli %add3A_35, %mul3A_36 : i32
      %add3A_38 = arith.addi %mul3A_2, %mul3A_37 : i32
      %dma_start3A_39 = arith.constant 1 : i32
      %dma_start3A_40 = arith.constant 1 : i32
      %dma_start3A_41 = arith.constant 0 : i32
      %dma_start3A_42 = arith.constant 0 : i32
      %dma_start3A_43 = tpu.memref_slice %arg7[%dma_start3A_39, %dma_start3A_41, %dma_start3A_42] : memref<8x125x16xf32, #tpu.memory_space<vmem>> -> memref<1x125x16xf32, #tpu.memory_space<vmem>>
      %dma_start3A_44 = tpu.memref_squeeze %dma_start3A_43 : memref<1x125x16xf32, #tpu.memory_space<vmem>> -> memref<125x16xf32, #tpu.memory_space<vmem>>
      %dma_start3A_45 = arith.constant 0 : i32
      %dma_start3A_46 = tpu.memref_slice %arg2[%add3A_38, %dma_start3A_45] : memref<320000x16xf32, #tpu.memory_space<hbm>> -> memref<125x16xf32, #tpu.memory_space<hbm>>
      %dma_start3A_47 = tpu.memref_slice %arg9[%dma_start3A_40] : memref<8x!tpu.dma_semaphore, #tpu.memory_space<semaphore_mem>> -> memref<1x!tpu.dma_semaphore, #tpu.memory_space<semaphore_mem>>
      %dma_start3A_48 = tpu.memref_squeeze %dma_start3A_47 : memref<1x!tpu.dma_semaphore, #tpu.memory_space<semaphore_mem>> -> memref<!tpu.dma_semaphore, #tpu.memory_space<semaphore_mem>>
      %dma_start3A_49 = arith.constant 0 : i32
      %dma_start3A_50 = arith.constant 0 : i32
      %dma_start3A_51 = tpu.memref_slice %arg7[%dma_start3A_39, %dma_start3A_49, %dma_start3A_50] : memref<8x125x16xf32, #tpu.memory_space<vmem>> -> memref<1x125x16xf32, #tpu.memory_space<vmem>>
      %dma_start3A_52 = tpu.memref_squeeze %dma_start3A_51 : memref<1x125x16xf32, #tpu.memory_space<vmem>> -> memref<125x16xf32, #tpu.memory_space<vmem>>
      %dma_start3A_53 = arith.constant 0 : i32
      %dma_start3A_54 = tpu.memref_slice %arg2[%add3A_38, %dma_start3A_53] : memref<320000x16xf32, #tpu.memory_space<hbm>> -> memref<125x16xf32, #tpu.memory_space<hbm>>
      tpu.enqueue_dma source(%dma_start3A_54 : memref<125x16xf32, #tpu.memory_space<hbm>>) target(%dma_start3A_52 : memref<125x16xf32, #tpu.memory_space<vmem>>) target_semaphore(%dma_start3A_48 : memref<!tpu.dma_semaphore, #tpu.memory_space<semaphore_mem>>)
      %add3A_55 = arith.constant 2 : i32
      %add3A_56 = arith.addi %mul3A_13, %add3A_55 : i32
      %mul3A_57 = arith.constant 125 : i32
      %mul3A_58 = arith.muli %add3A_56, %mul3A_57 : i32
      %add3A_59 = arith.addi %mul3A_2, %mul3A_58 : i32
      %dma_start3A_60 = arith.constant 2 : i32
      %dma_start3A_61 = arith.constant 2 : i32
      %dma_start3A_62 = arith.constant 0 : i32
      %dma_start3A_63 = arith.constant 0 : i32
      %dma_start3A_64 = tpu.memref_slice %arg7[%dma_start3A_60, %dma_start3A_62, %dma_start3A_63] : memref<8x125x16xf32, #tpu.memory_space<vmem>> -> memref<1x125x16xf32, #tpu.memory_space<vmem>>
      %dma_start3A_65 = tpu.memref_squeeze %dma_start3A_64 : memref<1x125x16xf32, #tpu.memory_space<vmem>> -> memref<125x16xf32, #tpu.memory_space<vmem>>
      %dma_start3A_66 = arith.constant 0 : i32
      %dma_start3A_67 = tpu.memref_slice %arg2[%add3A_59, %dma_start3A_66] : memref<320000x16xf32, #tpu.memory_space<hbm>> -> memref<125x16xf32, #tpu.memory_space<hbm>>
      %dma_start3A_68 = tpu.memref_slice %arg9[%dma_start3A_61] : memref<8x!tpu.dma_semaphore, #tpu.memory_space<semaphore_mem>> -> memref<1x!tpu.dma_semaphore, #tpu.memory_space<semaphore_mem>>
      %dma_start3A_69 = tpu.memref_squeeze %dma_start3A_68 : memref<1x!tpu.dma_semaphore, #tpu.memory_space<semaphore_mem>> -> memref<!tpu.dma_semaphore, #tpu.memory_space<semaphore_mem>>
      %dma_start3A_70 = arith.constant 0 : i32
      %dma_start3A_71 = arith.constant 0 : i32
      %dma_start3A_72 = tpu.memref_slice %arg7[%dma_start3A_60, %dma_start3A_70, %dma_start3A_71] : memref<8x125x16xf32, #tpu.memory_space<vmem>> -> memref<1x125x16xf32, #tpu.memory_space<vmem>>
      %dma_start3A_73 = tpu.memref_squeeze %dma_start3A_72 : memref<1x125x16xf32, #tpu.memory_space<vmem>> -> memref<125x16xf32, #tpu.memory_space<vmem>>
      %dma_start3A_74 = arith.constant 0 : i32
      %dma_start3A_75 = tpu.memref_slice %arg2[%add3A_59, %dma_start3A_74] : memref<320000x16xf32, #tpu.memory_space<hbm>> -> memref<125x16xf32, #tpu.memory_space<hbm>>
      tpu.enqueue_dma source(%dma_start3A_75 : memref<125x16xf32, #tpu.memory_space<hbm>>) target(%dma_start3A_73 : memref<125x16xf32, #tpu.memory_space<vmem>>) target_semaphore(%dma_start3A_69 : memref<!tpu.dma_semaphore, #tpu.memory_space<semaphore_mem>>)
      %add3A_76 = arith.constant 3 : i32
      %add3A_77 = arith.addi %mul3A_13, %add3A_76 : i32
      %mul3A_78 = arith.constant 125 : i32
      %mul3A_79 = arith.muli %add3A_77, %mul3A_78 : i32
      %add3A_80 = arith.addi %mul3A_2, %mul3A_79 : i32
      %dma_start3A_81 = arith.constant 3 : i32
      %dma_start3A_82 = arith.constant 3 : i32
      %dma_start3A_83 = arith.constant 0 : i32
      %dma_start3A_84 = arith.constant 0 : i32
      %dma_start3A_85 = tpu.memref_slice %arg7[%dma_start3A_81, %dma_start3A_83, %dma_start3A_84] : memref<8x125x16xf32, #tpu.memory_space<vmem>> -> memref<1x125x16xf32, #tpu.memory_space<vmem>>
      %dma_start3A_86 = tpu.memref_squeeze %dma_start3A_85 : memref<1x125x16xf32, #tpu.memory_space<vmem>> -> memref<125x16xf32, #tpu.memory_space<vmem>>
      %dma_start3A_87 = arith.constant 0 : i32
      %dma_start3A_88 = tpu.memref_slice %arg2[%add3A_80, %dma_start3A_87] : memref<320000x16xf32, #tpu.memory_space<hbm>> -> memref<125x16xf32, #tpu.memory_space<hbm>>
      %dma_start3A_89 = tpu.memref_slice %arg9[%dma_start3A_82] : memref<8x!tpu.dma_semaphore, #tpu.memory_space<semaphore_mem>> -> memref<1x!tpu.dma_semaphore, #tpu.memory_space<semaphore_mem>>
      %dma_start3A_90 = tpu.memref_squeeze %dma_start3A_89 : memref<1x!tpu.dma_semaphore, #tpu.memory_space<semaphore_mem>> -> memref<!tpu.dma_semaphore, #tpu.memory_space<semaphore_mem>>
      %dma_start3A_91 = arith.constant 0 : i32
      %dma_start3A_92 = arith.constant 0 : i32
      %dma_start3A_93 = tpu.memref_slice %arg7[%dma_start3A_81, %dma_start3A_91, %dma_start3A_92] : memref<8x125x16xf32, #tpu.memory_space<vmem>> -> memref<1x125x16xf32, #tpu.memory_space<vmem>>
      %dma_start3A_94 = tpu.memref_squeeze %dma_start3A_93 : memref<1x125x16xf32, #tpu.memory_space<vmem>> -> memref<125x16xf32, #tpu.memory_space<vmem>>
      %dma_start3A_95 = arith.constant 0 : i32
      %dma_start3A_96 = tpu.memref_slice %arg2[%add3A_80, %dma_start3A_95] : memref<320000x16xf32, #tpu.memory_space<hbm>> -> memref<125x16xf32, #tpu.memory_space<hbm>>
      tpu.enqueue_dma source(%dma_start3A_96 : memref<125x16xf32, #tpu.memory_space<hbm>>) target(%dma_start3A_94 : memref<125x16xf32, #tpu.memory_space<vmem>>) target_semaphore(%dma_start3A_90 : memref<!tpu.dma_semaphore, #tpu.memory_space<semaphore_mem>>)
      %add3A_97 = arith.constant 4 : i32
      %add3A_98 = arith.addi %mul3A_13, %add3A_97 : i32
      %mul3A_99 = arith.constant 125 : i32
      %mul3A_100 = arith.muli %add3A_98, %mul3A_99 : i32
      %add3A_101 = arith.addi %mul3A_2, %mul3A_100 : i32
      %dma_start3A_102 = arith.constant 4 : i32
      %dma_start3A_103 = arith.constant 4 : i32
      %dma_start3A_104 = arith.constant 0 : i32
      %dma_start3A_105 = arith.constant 0 : i32
      %dma_start3A_106 = tpu.memref_slice %arg7[%dma_start3A_102, %dma_start3A_104, %dma_start3A_105] : memref<8x125x16xf32, #tpu.memory_space<vmem>> -> memref<1x125x16xf32, #tpu.memory_space<vmem>>
      %dma_start3A_107 = tpu.memref_squeeze %dma_start3A_106 : memref<1x125x16xf32, #tpu.memory_space<vmem>> -> memref<125x16xf32, #tpu.memory_space<vmem>>
      %dma_start3A_108 = arith.constant 0 : i32
      %dma_start3A_109 = tpu.memref_slice %arg2[%add3A_101, %dma_start3A_108] : memref<320000x16xf32, #tpu.memory_space<hbm>> -> memref<125x16xf32, #tpu.memory_space<hbm>>
      %dma_start3A_110 = tpu.memref_slice %arg9[%dma_start3A_103] : memref<8x!tpu.dma_semaphore, #tpu.memory_space<semaphore_mem>> -> memref<1x!tpu.dma_semaphore, #tpu.memory_space<semaphore_mem>>
      %dma_start3A_111 = tpu.memref_squeeze %dma_start3A_110 : memref<1x!tpu.dma_semaphore, #tpu.memory_space<semaphore_mem>> -> memref<!tpu.dma_semaphore, #tpu.memory_space<semaphore_mem>>
      %dma_start3A_112 = arith.constant 0 : i32
      %dma_start3A_113 = arith.constant 0 : i32
      %dma_start3A_114 = tpu.memref_slice %arg7[%dma_start3A_102, %dma_start3A_112, %dma_start3A_113] : memref<8x125x16xf32, #tpu.memory_space<vmem>> -> memref<1x125x16xf32, #tpu.memory_space<vmem>>
      %dma_start3A_115 = tpu.memref_squeeze %dma_start3A_114 : memref<1x125x16xf32, #tpu.memory_space<vmem>> -> memref<125x16xf32, #tpu.memory_space<vmem>>
      %dma_start3A_116 = arith.constant 0 : i32
      %dma_start3A_117 = tpu.memref_slice %arg2[%add3A_101, %dma_start3A_116] : memref<320000x16xf32, #tpu.memory_space<hbm>> -> memref<125x16xf32, #tpu.memory_space<hbm>>
      tpu.enqueue_dma source(%dma_start3A_117 : memref<125x16xf32, #tpu.memory_space<hbm>>) target(%dma_start3A_115 : memref<125x16xf32, #tpu.memory_space<vmem>>) target_semaphore(%dma_start3A_111 : memref<!tpu.dma_semaphore, #tpu.memory_space<semaphore_mem>>)
      %add3A_118 = arith.constant 5 : i32
      %add3A_119 = arith.addi %mul3A_13, %add3A_118 : i32
      %mul3A_120 = arith.constant 125 : i32
      %mul3A_121 = arith.muli %add3A_119, %mul3A_120 : i32
      %add3A_122 = arith.addi %mul3A_2, %mul3A_121 : i32
      %dma_start3A_123 = arith.constant 5 : i32
      %dma_start3A_124 = arith.constant 5 : i32
      %dma_start3A_125 = arith.constant 0 : i32
      %dma_start3A_126 = arith.constant 0 : i32
      %dma_start3A_127 = tpu.memref_slice %arg7[%dma_start3A_123, %dma_start3A_125, %dma_start3A_126] : memref<8x125x16xf32, #tpu.memory_space<vmem>> -> memref<1x125x16xf32, #tpu.memory_space<vmem>>
      %dma_start3A_128 = tpu.memref_squeeze %dma_start3A_127 : memref<1x125x16xf32, #tpu.memory_space<vmem>> -> memref<125x16xf32, #tpu.memory_space<vmem>>
      %dma_start3A_129 = arith.constant 0 : i32
      %dma_start3A_130 = tpu.memref_slice %arg2[%add3A_122, %dma_start3A_129] : memref<320000x16xf32, #tpu.memory_space<hbm>> -> memref<125x16xf32, #tpu.memory_space<hbm>>
      %dma_start3A_131 = tpu.memref_slice %arg9[%dma_start3A_124] : memref<8x!tpu.dma_semaphore, #tpu.memory_space<semaphore_mem>> -> memref<1x!tpu.dma_semaphore, #tpu.memory_space<semaphore_mem>>
      %dma_start3A_132 = tpu.memref_squeeze %dma_start3A_131 : memref<1x!tpu.dma_semaphore, #tpu.memory_space<semaphore_mem>> -> memref<!tpu.dma_semaphore, #tpu.memory_space<semaphore_mem>>
      %dma_start3A_133 = arith.constant 0 : i32
      %dma_start3A_134 = arith.constant 0 : i32
      %dma_start3A_135 = tpu.memref_slice %arg7[%dma_start3A_123, %dma_start3A_133, %dma_start3A_134] : memref<8x125x16xf32, #tpu.memory_space<vmem>> -> memref<1x125x16xf32, #tpu.memory_space<vmem>>
      %dma_start3A_136 = tpu.memref_squeeze %dma_start3A_135 : memref<1x125x16xf32, #tpu.memory_space<vmem>> -> memref<125x16xf32, #tpu.memory_space<vmem>>
      %dma_start3A_137 = arith.constant 0 : i32
      %dma_start3A_138 = tpu.memref_slice %arg2[%add3A_122, %dma_start3A_137] : memref<320000x16xf32, #tpu.memory_space<hbm>> -> memref<125x16xf32, #tpu.memory_space<hbm>>
      tpu.enqueue_dma source(%dma_start3A_138 : memref<125x16xf32, #tpu.memory_space<hbm>>) target(%dma_start3A_136 : memref<125x16xf32, #tpu.memory_space<vmem>>) target_semaphore(%dma_start3A_132 : memref<!tpu.dma_semaphore, #tpu.memory_space<semaphore_mem>>)
      %add3A_139 = arith.constant 6 : i32
      %add3A_140 = arith.addi %mul3A_13, %add3A_139 : i32
      %mul3A_141 = arith.constant 125 : i32
      %mul3A_142 = arith.muli %add3A_140, %mul3A_141 : i32
      %add3A_143 = arith.addi %mul3A_2, %mul3A_142 : i32
      %dma_start3A_144 = arith.constant 6 : i32
      %dma_start3A_145 = arith.constant 6 : i32
      %dma_start3A_146 = arith.constant 0 : i32
      %dma_start3A_147 = arith.constant 0 : i32
      %dma_start3A_148 = tpu.memref_slice %arg7[%dma_start3A_144, %dma_start3A_146, %dma_start3A_147] : memref<8x125x16xf32, #tpu.memory_space<vmem>> -> memref<1x125x16xf32, #tpu.memory_space<vmem>>
      %dma_start3A_149 = tpu.memref_squeeze %dma_start3A_148 : memref<1x125x16xf32, #tpu.memory_space<vmem>> -> memref<125x16xf32, #tpu.memory_space<vmem>>
      %dma_start3A_150 = arith.constant 0 : i32
      %dma_start3A_151 = tpu.memref_slice %arg2[%add3A_143, %dma_start3A_150] : memref<320000x16xf32, #tpu.memory_space<hbm>> -> memref<125x16xf32, #tpu.memory_space<hbm>>
      %dma_start3A_152 = tpu.memref_slice %arg9[%dma_start3A_145] : memref<8x!tpu.dma_semaphore, #tpu.memory_space<semaphore_mem>> -> memref<1x!tpu.dma_semaphore, #tpu.memory_space<semaphore_mem>>
      %dma_start3A_153 = tpu.memref_squeeze %dma_start3A_152 : memref<1x!tpu.dma_semaphore, #tpu.memory_space<semaphore_mem>> -> memref<!tpu.dma_semaphore, #tpu.memory_space<semaphore_mem>>
      %dma_start3A_154 = arith.constant 0 : i32
      %dma_start3A_155 = arith.constant 0 : i32
      %dma_start3A_156 = tpu.memref_slice %arg7[%dma_start3A_144, %dma_start3A_154, %dma_start3A_155] : memref<8x125x16xf32, #tpu.memory_space<vmem>> -> memref<1x125x16xf32, #tpu.memory_space<vmem>>
      %dma_start3A_157 = tpu.memref_squeeze %dma_start3A_156 : memref<1x125x16xf32, #tpu.memory_space<vmem>> -> memref<125x16xf32, #tpu.memory_space<vmem>>
      %dma_start3A_158 = arith.constant 0 : i32
      %dma_start3A_159 = tpu.memref_slice %arg2[%add3A_143, %dma_start3A_158] : memref<320000x16xf32, #tpu.memory_space<hbm>> -> memref<125x16xf32, #tpu.memory_space<hbm>>
      tpu.enqueue_dma source(%dma_start3A_159 : memref<125x16xf32, #tpu.memory_space<hbm>>) target(%dma_start3A_157 : memref<125x16xf32, #tpu.memory_space<vmem>>) target_semaphore(%dma_start3A_153 : memref<!tpu.dma_semaphore, #tpu.memory_space<semaphore_mem>>)
      %add3A_160 = arith.constant 7 : i32
      %add3A_161 = arith.addi %mul3A_13, %add3A_160 : i32
      %mul3A_162 = arith.constant 125 : i32
      %mul3A_163 = arith.muli %add3A_161, %mul3A_162 : i32
      %add3A_164 = arith.addi %mul3A_2, %mul3A_163 : i32
      %dma_start3A_165 = arith.constant 7 : i32
      %dma_start3A_166 = arith.constant 7 : i32
      %dma_start3A_167 = arith.constant 0 : i32
      %dma_start3A_168 = arith.constant 0 : i32
      %dma_start3A_169 = tpu.memref_slice %arg7[%dma_start3A_165, %dma_start3A_167, %dma_start3A_168] : memref<8x125x16xf32, #tpu.memory_space<vmem>> -> memref<1x125x16xf32, #tpu.memory_space<vmem>>
      %dma_start3A_170 = tpu.memref_squeeze %dma_start3A_169 : memref<1x125x16xf32, #tpu.memory_space<vmem>> -> memref<125x16xf32, #tpu.memory_space<vmem>>
      %dma_start3A_171 = arith.constant 0 : i32
      %dma_start3A_172 = tpu.memref_slice %arg2[%add3A_164, %dma_start3A_171] : memref<320000x16xf32, #tpu.memory_space<hbm>> -> memref<125x16xf32, #tpu.memory_space<hbm>>
      %dma_start3A_173 = tpu.memref_slice %arg9[%dma_start3A_166] : memref<8x!tpu.dma_semaphore, #tpu.memory_space<semaphore_mem>> -> memref<1x!tpu.dma_semaphore, #tpu.memory_space<semaphore_mem>>
      %dma_start3A_174 = tpu.memref_squeeze %dma_start3A_173 : memref<1x!tpu.dma_semaphore, #tpu.memory_space<semaphore_mem>> -> memref<!tpu.dma_semaphore, #tpu.memory_space<semaphore_mem>>
      %dma_start3A_175 = arith.constant 0 : i32
      %dma_start3A_176 = arith.constant 0 : i32
      %dma_start3A_177 = tpu.memref_slice %arg7[%dma_start3A_165, %dma_start3A_175, %dma_start3A_176] : memref<8x125x16xf32, #tpu.memory_space<vmem>> -> memref<1x125x16xf32, #tpu.memory_space<vmem>>
      %dma_start3A_178 = tpu.memref_squeeze %dma_start3A_177 : memref<1x125x16xf32, #tpu.memory_space<vmem>> -> memref<125x16xf32, #tpu.memory_space<vmem>>
      %dma_start3A_179 = arith.constant 0 : i32
      %dma_start3A_180 = tpu.memref_slice %arg2[%add3A_164, %dma_start3A_179] : memref<320000x16xf32, #tpu.memory_space<hbm>> -> memref<125x16xf32, #tpu.memory_space<hbm>>
      tpu.enqueue_dma source(%dma_start3A_180 : memref<125x16xf32, #tpu.memory_space<hbm>>) target(%dma_start3A_178 : memref<125x16xf32, #tpu.memory_space<vmem>>) target_semaphore(%dma_start3A_174 : memref<!tpu.dma_semaphore, #tpu.memory_space<semaphore_mem>>)
      %dma_wait3A = arith.constant 0 : i32
      %dma_wait3A_181 = arith.constant 0 : i32
      %dma_wait3A_182 = arith.constant 0 : i32
      %dma_wait3A_183 = arith.constant 0 : i32
      %dma_wait3A_184 = tpu.memref_slice %arg7[%dma_wait3A, %dma_wait3A_182, %dma_wait3A_183] : memref<8x125x16xf32, #tpu.memory_space<vmem>> -> memref<1x125x16xf32, #tpu.memory_space<vmem>>
      %dma_wait3A_185 = tpu.memref_squeeze %dma_wait3A_184 : memref<1x125x16xf32, #tpu.memory_space<vmem>> -> memref<125x16xf32, #tpu.memory_space<vmem>>
      %dma_wait3A_186 = arith.constant 0 : i32
      %dma_wait3A_187 = tpu.memref_slice %arg2[%add3A_18, %dma_wait3A_186] : memref<320000x16xf32, #tpu.memory_space<hbm>> -> memref<125x16xf32, #tpu.memory_space<hbm>>
      %dma_wait3A_188 = tpu.memref_slice %arg9[%dma_wait3A_181] : memref<8x!tpu.dma_semaphore, #tpu.memory_space<semaphore_mem>> -> memref<1x!tpu.dma_semaphore, #tpu.memory_space<semaphore_mem>>
      %dma_wait3A_189 = tpu.memref_squeeze %dma_wait3A_188 : memref<1x!tpu.dma_semaphore, #tpu.memory_space<semaphore_mem>> -> memref<!tpu.dma_semaphore, #tpu.memory_space<semaphore_mem>>
      %dma_wait3A_190 = arith.constant 0 : i32
      %dma_wait3A_191 = arith.constant 0 : i32
      %dma_wait3A_192 = tpu.memref_slice %arg7[%dma_wait3A, %dma_wait3A_190, %dma_wait3A_191] : memref<8x125x16xf32, #tpu.memory_space<vmem>> -> memref<1x125x16xf32, #tpu.memory_space<vmem>>
      %dma_wait3A_193 = tpu.memref_squeeze %dma_wait3A_192 : memref<1x125x16xf32, #tpu.memory_space<vmem>> -> memref<125x16xf32, #tpu.memory_space<vmem>>
      %dma_wait3A_194 = arith.constant 0 : i32
      %dma_wait3A_195 = tpu.memref_slice %arg2[%add3A_18, %dma_wait3A_194] : memref<320000x16xf32, #tpu.memory_space<hbm>> -> memref<125x16xf32, #tpu.memory_space<hbm>>
      tpu.wait_dma2 semaphore(%dma_wait3A_189 : memref<!tpu.dma_semaphore, #tpu.memory_space<semaphore_mem>>) src(%dma_wait3A_195 : memref<125x16xf32, #tpu.memory_space<hbm>>) dst(%dma_wait3A_193 : memref<125x16xf32, #tpu.memory_space<vmem>>)
      %add3A_196 = arith.constant 0 : i32
      %add3A_197 = arith.addi %mul3A_13, %add3A_196 : i32
      %dma_start3A_198 = arith.constant 0 : i32
      %dma_start3A_199 = arith.constant 0 : i32
      %dma_start3A_200 = arith.constant 0 : i32
      %dma_start3A_201 = tpu.memref_slice %arg7[%dma_start3A_198, %dma_start3A_199, %dma_start3A_200] : memref<8x125x16xf32, #tpu.memory_space<vmem>> -> memref<1x125x16xf32, #tpu.memory_space<vmem>>
      %dma_start3A_202 = tpu.memref_squeeze %dma_start3A_201 : memref<1x125x16xf32, #tpu.memory_space<vmem>> -> memref<125x16xf32, #tpu.memory_space<vmem>>
      %dma_start3A_203 = arith.constant 0 : i32
      %dma_start3A_204 = tpu.memref_slice %arg6[%add3A_197, %dma_start3A_203] : memref<80x125xi32, #tpu.memory_space<vmem>> -> memref<1x125xi32, #tpu.memory_space<vmem>>
      %dma_start3A_205 = tpu.memref_squeeze %dma_start3A_204 : memref<1x125xi32, #tpu.memory_space<vmem>> -> memref<125xi32, #tpu.memory_space<vmem>>
      %dma_start3A_206 = arith.constant 0 : i32
      %dma_start3A_207 = arith.constant 0 : i32
      %dma_start3A_208 = tpu.memref_slice %arg8[%dma_start3A_206, %dma_start3A_207] : memref<10000x16xf32, #tpu.memory_space<vmem_shared>> -> memref<10000x16xf32, #tpu.memory_space<vmem_shared>>
      tpu.enqueue_indirect_dma source(%dma_start3A_202 : memref<125x16xf32, #tpu.memory_space<vmem>>) target(%dma_start3A_208 : memref<10000x16xf32, #tpu.memory_space<vmem_shared>>) offsets(%dma_start3A_205 : memref<125xi32, #tpu.memory_space<vmem>>) semaphore(%arg10 : memref<!tpu.dma_semaphore, #tpu.memory_space<semaphore_mem>>) {add = true}
      %dma_wait3A_209 = arith.constant 1 : i32
      %dma_wait3A_210 = arith.constant 1 : i32
      %dma_wait3A_211 = arith.constant 0 : i32
      %dma_wait3A_212 = arith.constant 0 : i32
      %dma_wait3A_213 = tpu.memref_slice %arg7[%dma_wait3A_209, %dma_wait3A_211, %dma_wait3A_212] : memref<8x125x16xf32, #tpu.memory_space<vmem>> -> memref<1x125x16xf32, #tpu.memory_space<vmem>>
      %dma_wait3A_214 = tpu.memref_squeeze %dma_wait3A_213 : memref<1x125x16xf32, #tpu.memory_space<vmem>> -> memref<125x16xf32, #tpu.memory_space<vmem>>
      %dma_wait3A_215 = arith.constant 0 : i32
      %dma_wait3A_216 = tpu.memref_slice %arg2[%add3A_38, %dma_wait3A_215] : memref<320000x16xf32, #tpu.memory_space<hbm>> -> memref<125x16xf32, #tpu.memory_space<hbm>>
      %dma_wait3A_217 = tpu.memref_slice %arg9[%dma_wait3A_210] : memref<8x!tpu.dma_semaphore, #tpu.memory_space<semaphore_mem>> -> memref<1x!tpu.dma_semaphore, #tpu.memory_space<semaphore_mem>>
      %dma_wait3A_218 = tpu.memref_squeeze %dma_wait3A_217 : memref<1x!tpu.dma_semaphore, #tpu.memory_space<semaphore_mem>> -> memref<!tpu.dma_semaphore, #tpu.memory_space<semaphore_mem>>
      %dma_wait3A_219 = arith.constant 0 : i32
      %dma_wait3A_220 = arith.constant 0 : i32
      %dma_wait3A_221 = tpu.memref_slice %arg7[%dma_wait3A_209, %dma_wait3A_219, %dma_wait3A_220] : memref<8x125x16xf32, #tpu.memory_space<vmem>> -> memref<1x125x16xf32, #tpu.memory_space<vmem>>
      %dma_wait3A_222 = tpu.memref_squeeze %dma_wait3A_221 : memref<1x125x16xf32, #tpu.memory_space<vmem>> -> memref<125x16xf32, #tpu.memory_space<vmem>>
      %dma_wait3A_223 = arith.constant 0 : i32
      %dma_wait3A_224 = tpu.memref_slice %arg2[%add3A_38, %dma_wait3A_223] : memref<320000x16xf32, #tpu.memory_space<hbm>> -> memref<125x16xf32, #tpu.memory_space<hbm>>
      tpu.wait_dma2 semaphore(%dma_wait3A_218 : memref<!tpu.dma_semaphore, #tpu.memory_space<semaphore_mem>>) src(%dma_wait3A_224 : memref<125x16xf32, #tpu.memory_space<hbm>>) dst(%dma_wait3A_222 : memref<125x16xf32, #tpu.memory_space<vmem>>)
      %add3A_225 = arith.constant 1 : i32
      %add3A_226 = arith.addi %mul3A_13, %add3A_225 : i32
      %dma_start3A_227 = arith.constant 1 : i32
      %dma_start3A_228 = arith.constant 0 : i32
      %dma_start3A_229 = arith.constant 0 : i32
      %dma_start3A_230 = tpu.memref_slice %arg7[%dma_start3A_227, %dma_start3A_228, %dma_start3A_229] : memref<8x125x16xf32, #tpu.memory_space<vmem>> -> memref<1x125x16xf32, #tpu.memory_space<vmem>>
      %dma_start3A_231 = tpu.memref_squeeze %dma_start3A_230 : memref<1x125x16xf32, #tpu.memory_space<vmem>> -> memref<125x16xf32, #tpu.memory_space<vmem>>
      %dma_start3A_232 = arith.constant 0 : i32
      %dma_start3A_233 = tpu.memref_slice %arg6[%add3A_226, %dma_start3A_232] : memref<80x125xi32, #tpu.memory_space<vmem>> -> memref<1x125xi32, #tpu.memory_space<vmem>>
      %dma_start3A_234 = tpu.memref_squeeze %dma_start3A_233 : memref<1x125xi32, #tpu.memory_space<vmem>> -> memref<125xi32, #tpu.memory_space<vmem>>
      %dma_start3A_235 = arith.constant 0 : i32
      %dma_start3A_236 = arith.constant 0 : i32
      %dma_start3A_237 = tpu.memref_slice %arg8[%dma_start3A_235, %dma_start3A_236] : memref<10000x16xf32, #tpu.memory_space<vmem_shared>> -> memref<10000x16xf32, #tpu.memory_space<vmem_shared>>
      tpu.enqueue_indirect_dma source(%dma_start3A_231 : memref<125x16xf32, #tpu.memory_space<vmem>>) target(%dma_start3A_237 : memref<10000x16xf32, #tpu.memory_space<vmem_shared>>) offsets(%dma_start3A_234 : memref<125xi32, #tpu.memory_space<vmem>>) semaphore(%arg10 : memref<!tpu.dma_semaphore, #tpu.memory_space<semaphore_mem>>) {add = true}
      %dma_wait3A_238 = arith.constant 2 : i32
      %dma_wait3A_239 = arith.constant 2 : i32
      %dma_wait3A_240 = arith.constant 0 : i32
      %dma_wait3A_241 = arith.constant 0 : i32
      %dma_wait3A_242 = tpu.memref_slice %arg7[%dma_wait3A_238, %dma_wait3A_240, %dma_wait3A_241] : memref<8x125x16xf32, #tpu.memory_space<vmem>> -> memref<1x125x16xf32, #tpu.memory_space<vmem>>
      %dma_wait3A_243 = tpu.memref_squeeze %dma_wait3A_242 : memref<1x125x16xf32, #tpu.memory_space<vmem>> -> memref<125x16xf32, #tpu.memory_space<vmem>>
      %dma_wait3A_244 = arith.constant 0 : i32
      %dma_wait3A_245 = tpu.memref_slice %arg2[%add3A_59, %dma_wait3A_244] : memref<320000x16xf32, #tpu.memory_space<hbm>> -> memref<125x16xf32, #tpu.memory_space<hbm>>
      %dma_wait3A_246 = tpu.memref_slice %arg9[%dma_wait3A_239] : memref<8x!tpu.dma_semaphore, #tpu.memory_space<semaphore_mem>> -> memref<1x!tpu.dma_semaphore, #tpu.memory_space<semaphore_mem>>
      %dma_wait3A_247 = tpu.memref_squeeze %dma_wait3A_246 : memref<1x!tpu.dma_semaphore, #tpu.memory_space<semaphore_mem>> -> memref<!tpu.dma_semaphore, #tpu.memory_space<semaphore_mem>>
      %dma_wait3A_248 = arith.constant 0 : i32
      %dma_wait3A_249 = arith.constant 0 : i32
      %dma_wait3A_250 = tpu.memref_slice %arg7[%dma_wait3A_238, %dma_wait3A_248, %dma_wait3A_249] : memref<8x125x16xf32, #tpu.memory_space<vmem>> -> memref<1x125x16xf32, #tpu.memory_space<vmem>>
      %dma_wait3A_251 = tpu.memref_squeeze %dma_wait3A_250 : memref<1x125x16xf32, #tpu.memory_space<vmem>> -> memref<125x16xf32, #tpu.memory_space<vmem>>
      %dma_wait3A_252 = arith.constant 0 : i32
      %dma_wait3A_253 = tpu.memref_slice %arg2[%add3A_59, %dma_wait3A_252] : memref<320000x16xf32, #tpu.memory_space<hbm>> -> memref<125x16xf32, #tpu.memory_space<hbm>>
      tpu.wait_dma2 semaphore(%dma_wait3A_247 : memref<!tpu.dma_semaphore, #tpu.memory_space<semaphore_mem>>) src(%dma_wait3A_253 : memref<125x16xf32, #tpu.memory_space<hbm>>) dst(%dma_wait3A_251 : memref<125x16xf32, #tpu.memory_space<vmem>>)
      %add3A_254 = arith.constant 2 : i32
      %add3A_255 = arith.addi %mul3A_13, %add3A_254 : i32
      %dma_start3A_256 = arith.constant 2 : i32
      %dma_start3A_257 = arith.constant 0 : i32
      %dma_start3A_258 = arith.constant 0 : i32
      %dma_start3A_259 = tpu.memref_slice %arg7[%dma_start3A_256, %dma_start3A_257, %dma_start3A_258] : memref<8x125x16xf32, #tpu.memory_space<vmem>> -> memref<1x125x16xf32, #tpu.memory_space<vmem>>
      %dma_start3A_260 = tpu.memref_squeeze %dma_start3A_259 : memref<1x125x16xf32, #tpu.memory_space<vmem>> -> memref<125x16xf32, #tpu.memory_space<vmem>>
      %dma_start3A_261 = arith.constant 0 : i32
      %dma_start3A_262 = tpu.memref_slice %arg6[%add3A_255, %dma_start3A_261] : memref<80x125xi32, #tpu.memory_space<vmem>> -> memref<1x125xi32, #tpu.memory_space<vmem>>
      %dma_start3A_263 = tpu.memref_squeeze %dma_start3A_262 : memref<1x125xi32, #tpu.memory_space<vmem>> -> memref<125xi32, #tpu.memory_space<vmem>>
      %dma_start3A_264 = arith.constant 0 : i32
      %dma_start3A_265 = arith.constant 0 : i32
      %dma_start3A_266 = tpu.memref_slice %arg8[%dma_start3A_264, %dma_start3A_265] : memref<10000x16xf32, #tpu.memory_space<vmem_shared>> -> memref<10000x16xf32, #tpu.memory_space<vmem_shared>>
      tpu.enqueue_indirect_dma source(%dma_start3A_260 : memref<125x16xf32, #tpu.memory_space<vmem>>) target(%dma_start3A_266 : memref<10000x16xf32, #tpu.memory_space<vmem_shared>>) offsets(%dma_start3A_263 : memref<125xi32, #tpu.memory_space<vmem>>) semaphore(%arg10 : memref<!tpu.dma_semaphore, #tpu.memory_space<semaphore_mem>>) {add = true}
      %dma_wait3A_267 = arith.constant 3 : i32
      %dma_wait3A_268 = arith.constant 3 : i32
      %dma_wait3A_269 = arith.constant 0 : i32
      %dma_wait3A_270 = arith.constant 0 : i32
      %dma_wait3A_271 = tpu.memref_slice %arg7[%dma_wait3A_267, %dma_wait3A_269, %dma_wait3A_270] : memref<8x125x16xf32, #tpu.memory_space<vmem>> -> memref<1x125x16xf32, #tpu.memory_space<vmem>>
      %dma_wait3A_272 = tpu.memref_squeeze %dma_wait3A_271 : memref<1x125x16xf32, #tpu.memory_space<vmem>> -> memref<125x16xf32, #tpu.memory_space<vmem>>
      %dma_wait3A_273 = arith.constant 0 : i32
      %dma_wait3A_274 = tpu.memref_slice %arg2[%add3A_80, %dma_wait3A_273] : memref<320000x16xf32, #tpu.memory_space<hbm>> -> memref<125x16xf32, #tpu.memory_space<hbm>>
      %dma_wait3A_275 = tpu.memref_slice %arg9[%dma_wait3A_268] : memref<8x!tpu.dma_semaphore, #tpu.memory_space<semaphore_mem>> -> memref<1x!tpu.dma_semaphore, #tpu.memory_space<semaphore_mem>>
      %dma_wait3A_276 = tpu.memref_squeeze %dma_wait3A_275 : memref<1x!tpu.dma_semaphore, #tpu.memory_space<semaphore_mem>> -> memref<!tpu.dma_semaphore, #tpu.memory_space<semaphore_mem>>
      %dma_wait3A_277 = arith.constant 0 : i32
      %dma_wait3A_278 = arith.constant 0 : i32
      %dma_wait3A_279 = tpu.memref_slice %arg7[%dma_wait3A_267, %dma_wait3A_277, %dma_wait3A_278] : memref<8x125x16xf32, #tpu.memory_space<vmem>> -> memref<1x125x16xf32, #tpu.memory_space<vmem>>
      %dma_wait3A_280 = tpu.memref_squeeze %dma_wait3A_279 : memref<1x125x16xf32, #tpu.memory_space<vmem>> -> memref<125x16xf32, #tpu.memory_space<vmem>>
      %dma_wait3A_281 = arith.constant 0 : i32
      %dma_wait3A_282 = tpu.memref_slice %arg2[%add3A_80, %dma_wait3A_281] : memref<320000x16xf32, #tpu.memory_space<hbm>> -> memref<125x16xf32, #tpu.memory_space<hbm>>
      tpu.wait_dma2 semaphore(%dma_wait3A_276 : memref<!tpu.dma_semaphore, #tpu.memory_space<semaphore_mem>>) src(%dma_wait3A_282 : memref<125x16xf32, #tpu.memory_space<hbm>>) dst(%dma_wait3A_280 : memref<125x16xf32, #tpu.memory_space<vmem>>)
      %add3A_283 = arith.constant 3 : i32
      %add3A_284 = arith.addi %mul3A_13, %add3A_283 : i32
      %dma_start3A_285 = arith.constant 3 : i32
      %dma_start3A_286 = arith.constant 0 : i32
      %dma_start3A_287 = arith.constant 0 : i32
      %dma_start3A_288 = tpu.memref_slice %arg7[%dma_start3A_285, %dma_start3A_286, %dma_start3A_287] : memref<8x125x16xf32, #tpu.memory_space<vmem>> -> memref<1x125x16xf32, #tpu.memory_space<vmem>>
      %dma_start3A_289 = tpu.memref_squeeze %dma_start3A_288 : memref<1x125x16xf32, #tpu.memory_space<vmem>> -> memref<125x16xf32, #tpu.memory_space<vmem>>
      %dma_start3A_290 = arith.constant 0 : i32
      %dma_start3A_291 = tpu.memref_slice %arg6[%add3A_284, %dma_start3A_290] : memref<80x125xi32, #tpu.memory_space<vmem>> -> memref<1x125xi32, #tpu.memory_space<vmem>>
      %dma_start3A_292 = tpu.memref_squeeze %dma_start3A_291 : memref<1x125xi32, #tpu.memory_space<vmem>> -> memref<125xi32, #tpu.memory_space<vmem>>
      %dma_start3A_293 = arith.constant 0 : i32
      %dma_start3A_294 = arith.constant 0 : i32
      %dma_start3A_295 = tpu.memref_slice %arg8[%dma_start3A_293, %dma_start3A_294] : memref<10000x16xf32, #tpu.memory_space<vmem_shared>> -> memref<10000x16xf32, #tpu.memory_space<vmem_shared>>
      tpu.enqueue_indirect_dma source(%dma_start3A_289 : memref<125x16xf32, #tpu.memory_space<vmem>>) target(%dma_start3A_295 : memref<10000x16xf32, #tpu.memory_space<vmem_shared>>) offsets(%dma_start3A_292 : memref<125xi32, #tpu.memory_space<vmem>>) semaphore(%arg10 : memref<!tpu.dma_semaphore, #tpu.memory_space<semaphore_mem>>) {add = true}
      %dma_wait3A_296 = arith.constant 4 : i32
      %dma_wait3A_297 = arith.constant 4 : i32
      %dma_wait3A_298 = arith.constant 0 : i32
      %dma_wait3A_299 = arith.constant 0 : i32
      %dma_wait3A_300 = tpu.memref_slice %arg7[%dma_wait3A_296, %dma_wait3A_298, %dma_wait3A_299] : memref<8x125x16xf32, #tpu.memory_space<vmem>> -> memref<1x125x16xf32, #tpu.memory_space<vmem>>
      %dma_wait3A_301 = tpu.memref_squeeze %dma_wait3A_300 : memref<1x125x16xf32, #tpu.memory_space<vmem>> -> memref<125x16xf32, #tpu.memory_space<vmem>>
      %dma_wait3A_302 = arith.constant 0 : i32
      %dma_wait3A_303 = tpu.memref_slice %arg2[%add3A_101, %dma_wait3A_302] : memref<320000x16xf32, #tpu.memory_space<hbm>> -> memref<125x16xf32, #tpu.memory_space<hbm>>
      %dma_wait3A_304 = tpu.memref_slice %arg9[%dma_wait3A_297] : memref<8x!tpu.dma_semaphore, #tpu.memory_space<semaphore_mem>> -> memref<1x!tpu.dma_semaphore, #tpu.memory_space<semaphore_mem>>
      %dma_wait3A_305 = tpu.memref_squeeze %dma_wait3A_304 : memref<1x!tpu.dma_semaphore, #tpu.memory_space<semaphore_mem>> -> memref<!tpu.dma_semaphore, #tpu.memory_space<semaphore_mem>>
      %dma_wait3A_306 = arith.constant 0 : i32
      %dma_wait3A_307 = arith.constant 0 : i32
      %dma_wait3A_308 = tpu.memref_slice %arg7[%dma_wait3A_296, %dma_wait3A_306, %dma_wait3A_307] : memref<8x125x16xf32, #tpu.memory_space<vmem>> -> memref<1x125x16xf32, #tpu.memory_space<vmem>>
      %dma_wait3A_309 = tpu.memref_squeeze %dma_wait3A_308 : memref<1x125x16xf32, #tpu.memory_space<vmem>> -> memref<125x16xf32, #tpu.memory_space<vmem>>
      %dma_wait3A_310 = arith.constant 0 : i32
      %dma_wait3A_311 = tpu.memref_slice %arg2[%add3A_101, %dma_wait3A_310] : memref<320000x16xf32, #tpu.memory_space<hbm>> -> memref<125x16xf32, #tpu.memory_space<hbm>>
      tpu.wait_dma2 semaphore(%dma_wait3A_305 : memref<!tpu.dma_semaphore, #tpu.memory_space<semaphore_mem>>) src(%dma_wait3A_311 : memref<125x16xf32, #tpu.memory_space<hbm>>) dst(%dma_wait3A_309 : memref<125x16xf32, #tpu.memory_space<vmem>>)
      %add3A_312 = arith.constant 4 : i32
      %add3A_313 = arith.addi %mul3A_13, %add3A_312 : i32
      %dma_start3A_314 = arith.constant 4 : i32
      %dma_start3A_315 = arith.constant 0 : i32
      %dma_start3A_316 = arith.constant 0 : i32
      %dma_start3A_317 = tpu.memref_slice %arg7[%dma_start3A_314, %dma_start3A_315, %dma_start3A_316] : memref<8x125x16xf32, #tpu.memory_space<vmem>> -> memref<1x125x16xf32, #tpu.memory_space<vmem>>
      %dma_start3A_318 = tpu.memref_squeeze %dma_start3A_317 : memref<1x125x16xf32, #tpu.memory_space<vmem>> -> memref<125x16xf32, #tpu.memory_space<vmem>>
      %dma_start3A_319 = arith.constant 0 : i32
      %dma_start3A_320 = tpu.memref_slice %arg6[%add3A_313, %dma_start3A_319] : memref<80x125xi32, #tpu.memory_space<vmem>> -> memref<1x125xi32, #tpu.memory_space<vmem>>
      %dma_start3A_321 = tpu.memref_squeeze %dma_start3A_320 : memref<1x125xi32, #tpu.memory_space<vmem>> -> memref<125xi32, #tpu.memory_space<vmem>>
      %dma_start3A_322 = arith.constant 0 : i32
      %dma_start3A_323 = arith.constant 0 : i32
      %dma_start3A_324 = tpu.memref_slice %arg8[%dma_start3A_322, %dma_start3A_323] : memref<10000x16xf32, #tpu.memory_space<vmem_shared>> -> memref<10000x16xf32, #tpu.memory_space<vmem_shared>>
      tpu.enqueue_indirect_dma source(%dma_start3A_318 : memref<125x16xf32, #tpu.memory_space<vmem>>) target(%dma_start3A_324 : memref<10000x16xf32, #tpu.memory_space<vmem_shared>>) offsets(%dma_start3A_321 : memref<125xi32, #tpu.memory_space<vmem>>) semaphore(%arg10 : memref<!tpu.dma_semaphore, #tpu.memory_space<semaphore_mem>>) {add = true}
      %dma_wait3A_325 = arith.constant 5 : i32
      %dma_wait3A_326 = arith.constant 5 : i32
      %dma_wait3A_327 = arith.constant 0 : i32
      %dma_wait3A_328 = arith.constant 0 : i32
      %dma_wait3A_329 = tpu.memref_slice %arg7[%dma_wait3A_325, %dma_wait3A_327, %dma_wait3A_328] : memref<8x125x16xf32, #tpu.memory_space<vmem>> -> memref<1x125x16xf32, #tpu.memory_space<vmem>>
      %dma_wait3A_330 = tpu.memref_squeeze %dma_wait3A_329 : memref<1x125x16xf32, #tpu.memory_space<vmem>> -> memref<125x16xf32, #tpu.memory_space<vmem>>
      %dma_wait3A_331 = arith.constant 0 : i32
      %dma_wait3A_332 = tpu.memref_slice %arg2[%add3A_122, %dma_wait3A_331] : memref<320000x16xf32, #tpu.memory_space<hbm>> -> memref<125x16xf32, #tpu.memory_space<hbm>>
      %dma_wait3A_333 = tpu.memref_slice %arg9[%dma_wait3A_326] : memref<8x!tpu.dma_semaphore, #tpu.memory_space<semaphore_mem>> -> memref<1x!tpu.dma_semaphore, #tpu.memory_space<semaphore_mem>>
      %dma_wait3A_334 = tpu.memref_squeeze %dma_wait3A_333 : memref<1x!tpu.dma_semaphore, #tpu.memory_space<semaphore_mem>> -> memref<!tpu.dma_semaphore, #tpu.memory_space<semaphore_mem>>
      %dma_wait3A_335 = arith.constant 0 : i32
      %dma_wait3A_336 = arith.constant 0 : i32
      %dma_wait3A_337 = tpu.memref_slice %arg7[%dma_wait3A_325, %dma_wait3A_335, %dma_wait3A_336] : memref<8x125x16xf32, #tpu.memory_space<vmem>> -> memref<1x125x16xf32, #tpu.memory_space<vmem>>
      %dma_wait3A_338 = tpu.memref_squeeze %dma_wait3A_337 : memref<1x125x16xf32, #tpu.memory_space<vmem>> -> memref<125x16xf32, #tpu.memory_space<vmem>>
      %dma_wait3A_339 = arith.constant 0 : i32
      %dma_wait3A_340 = tpu.memref_slice %arg2[%add3A_122, %dma_wait3A_339] : memref<320000x16xf32, #tpu.memory_space<hbm>> -> memref<125x16xf32, #tpu.memory_space<hbm>>
      tpu.wait_dma2 semaphore(%dma_wait3A_334 : memref<!tpu.dma_semaphore, #tpu.memory_space<semaphore_mem>>) src(%dma_wait3A_340 : memref<125x16xf32, #tpu.memory_space<hbm>>) dst(%dma_wait3A_338 : memref<125x16xf32, #tpu.memory_space<vmem>>)
      %add3A_341 = arith.constant 5 : i32
      %add3A_342 = arith.addi %mul3A_13, %add3A_341 : i32
      %dma_start3A_343 = arith.constant 5 : i32
      %dma_start3A_344 = arith.constant 0 : i32
      %dma_start3A_345 = arith.constant 0 : i32
      %dma_start3A_346 = tpu.memref_slice %arg7[%dma_start3A_343, %dma_start3A_344, %dma_start3A_345] : memref<8x125x16xf32, #tpu.memory_space<vmem>> -> memref<1x125x16xf32, #tpu.memory_space<vmem>>
      %dma_start3A_347 = tpu.memref_squeeze %dma_start3A_346 : memref<1x125x16xf32, #tpu.memory_space<vmem>> -> memref<125x16xf32, #tpu.memory_space<vmem>>
      %dma_start3A_348 = arith.constant 0 : i32
      %dma_start3A_349 = tpu.memref_slice %arg6[%add3A_342, %dma_start3A_348] : memref<80x125xi32, #tpu.memory_space<vmem>> -> memref<1x125xi32, #tpu.memory_space<vmem>>
      %dma_start3A_350 = tpu.memref_squeeze %dma_start3A_349 : memref<1x125xi32, #tpu.memory_space<vmem>> -> memref<125xi32, #tpu.memory_space<vmem>>
      %dma_start3A_351 = arith.constant 0 : i32
      %dma_start3A_352 = arith.constant 0 : i32
      %dma_start3A_353 = tpu.memref_slice %arg8[%dma_start3A_351, %dma_start3A_352] : memref<10000x16xf32, #tpu.memory_space<vmem_shared>> -> memref<10000x16xf32, #tpu.memory_space<vmem_shared>>
      tpu.enqueue_indirect_dma source(%dma_start3A_347 : memref<125x16xf32, #tpu.memory_space<vmem>>) target(%dma_start3A_353 : memref<10000x16xf32, #tpu.memory_space<vmem_shared>>) offsets(%dma_start3A_350 : memref<125xi32, #tpu.memory_space<vmem>>) semaphore(%arg10 : memref<!tpu.dma_semaphore, #tpu.memory_space<semaphore_mem>>) {add = true}
      %dma_wait3A_354 = arith.constant 6 : i32
      %dma_wait3A_355 = arith.constant 6 : i32
      %dma_wait3A_356 = arith.constant 0 : i32
      %dma_wait3A_357 = arith.constant 0 : i32
      %dma_wait3A_358 = tpu.memref_slice %arg7[%dma_wait3A_354, %dma_wait3A_356, %dma_wait3A_357] : memref<8x125x16xf32, #tpu.memory_space<vmem>> -> memref<1x125x16xf32, #tpu.memory_space<vmem>>
      %dma_wait3A_359 = tpu.memref_squeeze %dma_wait3A_358 : memref<1x125x16xf32, #tpu.memory_space<vmem>> -> memref<125x16xf32, #tpu.memory_space<vmem>>
      %dma_wait3A_360 = arith.constant 0 : i32
      %dma_wait3A_361 = tpu.memref_slice %arg2[%add3A_143, %dma_wait3A_360] : memref<320000x16xf32, #tpu.memory_space<hbm>> -> memref<125x16xf32, #tpu.memory_space<hbm>>
      %dma_wait3A_362 = tpu.memref_slice %arg9[%dma_wait3A_355] : memref<8x!tpu.dma_semaphore, #tpu.memory_space<semaphore_mem>> -> memref<1x!tpu.dma_semaphore, #tpu.memory_space<semaphore_mem>>
      %dma_wait3A_363 = tpu.memref_squeeze %dma_wait3A_362 : memref<1x!tpu.dma_semaphore, #tpu.memory_space<semaphore_mem>> -> memref<!tpu.dma_semaphore, #tpu.memory_space<semaphore_mem>>
      %dma_wait3A_364 = arith.constant 0 : i32
      %dma_wait3A_365 = arith.constant 0 : i32
      %dma_wait3A_366 = tpu.memref_slice %arg7[%dma_wait3A_354, %dma_wait3A_364, %dma_wait3A_365] : memref<8x125x16xf32, #tpu.memory_space<vmem>> -> memref<1x125x16xf32, #tpu.memory_space<vmem>>
      %dma_wait3A_367 = tpu.memref_squeeze %dma_wait3A_366 : memref<1x125x16xf32, #tpu.memory_space<vmem>> -> memref<125x16xf32, #tpu.memory_space<vmem>>
      %dma_wait3A_368 = arith.constant 0 : i32
      %dma_wait3A_369 = tpu.memref_slice %arg2[%add3A_143, %dma_wait3A_368] : memref<320000x16xf32, #tpu.memory_space<hbm>> -> memref<125x16xf32, #tpu.memory_space<hbm>>
      tpu.wait_dma2 semaphore(%dma_wait3A_363 : memref<!tpu.dma_semaphore, #tpu.memory_space<semaphore_mem>>) src(%dma_wait3A_369 : memref<125x16xf32, #tpu.memory_space<hbm>>) dst(%dma_wait3A_367 : memref<125x16xf32, #tpu.memory_space<vmem>>)
      %add3A_370 = arith.constant 6 : i32
      %add3A_371 = arith.addi %mul3A_13, %add3A_370 : i32
      %dma_start3A_372 = arith.constant 6 : i32
      %dma_start3A_373 = arith.constant 0 : i32
      %dma_start3A_374 = arith.constant 0 : i32
      %dma_start3A_375 = tpu.memref_slice %arg7[%dma_start3A_372, %dma_start3A_373, %dma_start3A_374] : memref<8x125x16xf32, #tpu.memory_space<vmem>> -> memref<1x125x16xf32, #tpu.memory_space<vmem>>
      %dma_start3A_376 = tpu.memref_squeeze %dma_start3A_375 : memref<1x125x16xf32, #tpu.memory_space<vmem>> -> memref<125x16xf32, #tpu.memory_space<vmem>>
      %dma_start3A_377 = arith.constant 0 : i32
      %dma_start3A_378 = tpu.memref_slice %arg6[%add3A_371, %dma_start3A_377] : memref<80x125xi32, #tpu.memory_space<vmem>> -> memref<1x125xi32, #tpu.memory_space<vmem>>
      %dma_start3A_379 = tpu.memref_squeeze %dma_start3A_378 : memref<1x125xi32, #tpu.memory_space<vmem>> -> memref<125xi32, #tpu.memory_space<vmem>>
      %dma_start3A_380 = arith.constant 0 : i32
      %dma_start3A_381 = arith.constant 0 : i32
      %dma_start3A_382 = tpu.memref_slice %arg8[%dma_start3A_380, %dma_start3A_381] : memref<10000x16xf32, #tpu.memory_space<vmem_shared>> -> memref<10000x16xf32, #tpu.memory_space<vmem_shared>>
      tpu.enqueue_indirect_dma source(%dma_start3A_376 : memref<125x16xf32, #tpu.memory_space<vmem>>) target(%dma_start3A_382 : memref<10000x16xf32, #tpu.memory_space<vmem_shared>>) offsets(%dma_start3A_379 : memref<125xi32, #tpu.memory_space<vmem>>) semaphore(%arg10 : memref<!tpu.dma_semaphore, #tpu.memory_space<semaphore_mem>>) {add = true}
      %dma_wait3A_383 = arith.constant 7 : i32
      %dma_wait3A_384 = arith.constant 7 : i32
      %dma_wait3A_385 = arith.constant 0 : i32
      %dma_wait3A_386 = arith.constant 0 : i32
      %dma_wait3A_387 = tpu.memref_slice %arg7[%dma_wait3A_383, %dma_wait3A_385, %dma_wait3A_386] : memref<8x125x16xf32, #tpu.memory_space<vmem>> -> memref<1x125x16xf32, #tpu.memory_space<vmem>>
      %dma_wait3A_388 = tpu.memref_squeeze %dma_wait3A_387 : memref<1x125x16xf32, #tpu.memory_space<vmem>> -> memref<125x16xf32, #tpu.memory_space<vmem>>
      %dma_wait3A_389 = arith.constant 0 : i32
      %dma_wait3A_390 = tpu.memref_slice %arg2[%add3A_164, %dma_wait3A_389] : memref<320000x16xf32, #tpu.memory_space<hbm>> -> memref<125x16xf32, #tpu.memory_space<hbm>>
      %dma_wait3A_391 = tpu.memref_slice %arg9[%dma_wait3A_384] : memref<8x!tpu.dma_semaphore, #tpu.memory_space<semaphore_mem>> -> memref<1x!tpu.dma_semaphore, #tpu.memory_space<semaphore_mem>>
      %dma_wait3A_392 = tpu.memref_squeeze %dma_wait3A_391 : memref<1x!tpu.dma_semaphore, #tpu.memory_space<semaphore_mem>> -> memref<!tpu.dma_semaphore, #tpu.memory_space<semaphore_mem>>
      %dma_wait3A_393 = arith.constant 0 : i32
      %dma_wait3A_394 = arith.constant 0 : i32
      %dma_wait3A_395 = tpu.memref_slice %arg7[%dma_wait3A_383, %dma_wait3A_393, %dma_wait3A_394] : memref<8x125x16xf32, #tpu.memory_space<vmem>> -> memref<1x125x16xf32, #tpu.memory_space<vmem>>
      %dma_wait3A_396 = tpu.memref_squeeze %dma_wait3A_395 : memref<1x125x16xf32, #tpu.memory_space<vmem>> -> memref<125x16xf32, #tpu.memory_space<vmem>>
      %dma_wait3A_397 = arith.constant 0 : i32
      %dma_wait3A_398 = tpu.memref_slice %arg2[%add3A_164, %dma_wait3A_397] : memref<320000x16xf32, #tpu.memory_space<hbm>> -> memref<125x16xf32, #tpu.memory_space<hbm>>
      tpu.wait_dma2 semaphore(%dma_wait3A_392 : memref<!tpu.dma_semaphore, #tpu.memory_space<semaphore_mem>>) src(%dma_wait3A_398 : memref<125x16xf32, #tpu.memory_space<hbm>>) dst(%dma_wait3A_396 : memref<125x16xf32, #tpu.memory_space<vmem>>)
      %add3A_399 = arith.constant 7 : i32
      %add3A_400 = arith.addi %mul3A_13, %add3A_399 : i32
      %dma_start3A_401 = arith.constant 7 : i32
      %dma_start3A_402 = arith.constant 0 : i32
      %dma_start3A_403 = arith.constant 0 : i32
      %dma_start3A_404 = tpu.memref_slice %arg7[%dma_start3A_401, %dma_start3A_402, %dma_start3A_403] : memref<8x125x16xf32, #tpu.memory_space<vmem>> -> memref<1x125x16xf32, #tpu.memory_space<vmem>>
      %dma_start3A_405 = tpu.memref_squeeze %dma_start3A_404 : memref<1x125x16xf32, #tpu.memory_space<vmem>> -> memref<125x16xf32, #tpu.memory_space<vmem>>
      %dma_start3A_406 = arith.constant 0 : i32
      %dma_start3A_407 = tpu.memref_slice %arg6[%add3A_400, %dma_start3A_406] : memref<80x125xi32, #tpu.memory_space<vmem>> -> memref<1x125xi32, #tpu.memory_space<vmem>>
      %dma_start3A_408 = tpu.memref_squeeze %dma_start3A_407 : memref<1x125xi32, #tpu.memory_space<vmem>> -> memref<125xi32, #tpu.memory_space<vmem>>
      %dma_start3A_409 = arith.constant 0 : i32
      %dma_start3A_410 = arith.constant 0 : i32
      %dma_start3A_411 = tpu.memref_slice %arg8[%dma_start3A_409, %dma_start3A_410] : memref<10000x16xf32, #tpu.memory_space<vmem_shared>> -> memref<10000x16xf32, #tpu.memory_space<vmem_shared>>
      tpu.enqueue_indirect_dma source(%dma_start3A_405 : memref<125x16xf32, #tpu.memory_space<vmem>>) target(%dma_start3A_411 : memref<10000x16xf32, #tpu.memory_space<vmem_shared>>) offsets(%dma_start3A_408 : memref<125xi32, #tpu.memory_space<vmem>>) semaphore(%arg10 : memref<!tpu.dma_semaphore, #tpu.memory_space<semaphore_mem>>) {add = true}
      %dma_wait3A_412 = arith.constant 0 : i32
      %dma_wait3A_413 = arith.constant 0 : i32
      %dma_wait3A_414 = arith.constant 0 : i32
      %dma_wait3A_415 = tpu.memref_slice %arg7[%dma_wait3A_412, %dma_wait3A_413, %dma_wait3A_414] : memref<8x125x16xf32, #tpu.memory_space<vmem>> -> memref<1x125x16xf32, #tpu.memory_space<vmem>>
      %dma_wait3A_416 = tpu.memref_squeeze %dma_wait3A_415 : memref<1x125x16xf32, #tpu.memory_space<vmem>> -> memref<125x16xf32, #tpu.memory_space<vmem>>
      %dma_wait3A_417 = arith.constant 0 : i32
      %dma_wait3A_418 = tpu.memref_slice %arg6[%add3A_197, %dma_wait3A_417] : memref<80x125xi32, #tpu.memory_space<vmem>> -> memref<1x125xi32, #tpu.memory_space<vmem>>
      %dma_wait3A_419 = tpu.memref_squeeze %dma_wait3A_418 : memref<1x125xi32, #tpu.memory_space<vmem>> -> memref<125xi32, #tpu.memory_space<vmem>>
      %dma_wait3A_420 = arith.constant 0 : i32
      %dma_wait3A_421 = arith.constant 0 : i32
      %dma_wait3A_422 = tpu.memref_slice %arg8[%dma_wait3A_420, %dma_wait3A_421] : memref<10000x16xf32, #tpu.memory_space<vmem_shared>> -> memref<10000x16xf32, #tpu.memory_space<vmem_shared>>
      tpu.wait_indirect_dma semaphore(%arg10 : memref<!tpu.dma_semaphore, #tpu.memory_space<semaphore_mem>>) src(%dma_wait3A_416 : memref<125x16xf32, #tpu.memory_space<vmem>>) dst(%dma_wait3A_422 : memref<10000x16xf32, #tpu.memory_space<vmem_shared>>)
      %dma_wait3A_423 = arith.constant 1 : i32
      %dma_wait3A_424 = arith.constant 0 : i32
      %dma_wait3A_425 = arith.constant 0 : i32
      %dma_wait3A_426 = tpu.memref_slice %arg7[%dma_wait3A_423, %dma_wait3A_424, %dma_wait3A_425] : memref<8x125x16xf32, #tpu.memory_space<vmem>> -> memref<1x125x16xf32, #tpu.memory_space<vmem>>
      %dma_wait3A_427 = tpu.memref_squeeze %dma_wait3A_426 : memref<1x125x16xf32, #tpu.memory_space<vmem>> -> memref<125x16xf32, #tpu.memory_space<vmem>>
      %dma_wait3A_428 = arith.constant 0 : i32
      %dma_wait3A_429 = tpu.memref_slice %arg6[%add3A_226, %dma_wait3A_428] : memref<80x125xi32, #tpu.memory_space<vmem>> -> memref<1x125xi32, #tpu.memory_space<vmem>>
      %dma_wait3A_430 = tpu.memref_squeeze %dma_wait3A_429 : memref<1x125xi32, #tpu.memory_space<vmem>> -> memref<125xi32, #tpu.memory_space<vmem>>
      %dma_wait3A_431 = arith.constant 0 : i32
      %dma_wait3A_432 = arith.constant 0 : i32
      %dma_wait3A_433 = tpu.memref_slice %arg8[%dma_wait3A_431, %dma_wait3A_432] : memref<10000x16xf32, #tpu.memory_space<vmem_shared>> -> memref<10000x16xf32, #tpu.memory_space<vmem_shared>>
      tpu.wait_indirect_dma semaphore(%arg10 : memref<!tpu.dma_semaphore, #tpu.memory_space<semaphore_mem>>) src(%dma_wait3A_427 : memref<125x16xf32, #tpu.memory_space<vmem>>) dst(%dma_wait3A_433 : memref<10000x16xf32, #tpu.memory_space<vmem_shared>>)
      %dma_wait3A_434 = arith.constant 2 : i32
      %dma_wait3A_435 = arith.constant 0 : i32
      %dma_wait3A_436 = arith.constant 0 : i32
      %dma_wait3A_437 = tpu.memref_slice %arg7[%dma_wait3A_434, %dma_wait3A_435, %dma_wait3A_436] : memref<8x125x16xf32, #tpu.memory_space<vmem>> -> memref<1x125x16xf32, #tpu.memory_space<vmem>>
      %dma_wait3A_438 = tpu.memref_squeeze %dma_wait3A_437 : memref<1x125x16xf32, #tpu.memory_space<vmem>> -> memref<125x16xf32, #tpu.memory_space<vmem>>
      %dma_wait3A_439 = arith.constant 0 : i32
      %dma_wait3A_440 = tpu.memref_slice %arg6[%add3A_255, %dma_wait3A_439] : memref<80x125xi32, #tpu.memory_space<vmem>> -> memref<1x125xi32, #tpu.memory_space<vmem>>
      %dma_wait3A_441 = tpu.memref_squeeze %dma_wait3A_440 : memref<1x125xi32, #tpu.memory_space<vmem>> -> memref<125xi32, #tpu.memory_space<vmem>>
      %dma_wait3A_442 = arith.constant 0 : i32
      %dma_wait3A_443 = arith.constant 0 : i32
      %dma_wait3A_444 = tpu.memref_slice %arg8[%dma_wait3A_442, %dma_wait3A_443] : memref<10000x16xf32, #tpu.memory_space<vmem_shared>> -> memref<10000x16xf32, #tpu.memory_space<vmem_shared>>
      tpu.wait_indirect_dma semaphore(%arg10 : memref<!tpu.dma_semaphore, #tpu.memory_space<semaphore_mem>>) src(%dma_wait3A_438 : memref<125x16xf32, #tpu.memory_space<vmem>>) dst(%dma_wait3A_444 : memref<10000x16xf32, #tpu.memory_space<vmem_shared>>)
      %dma_wait3A_445 = arith.constant 3 : i32
      %dma_wait3A_446 = arith.constant 0 : i32
      %dma_wait3A_447 = arith.constant 0 : i32
      %dma_wait3A_448 = tpu.memref_slice %arg7[%dma_wait3A_445, %dma_wait3A_446, %dma_wait3A_447] : memref<8x125x16xf32, #tpu.memory_space<vmem>> -> memref<1x125x16xf32, #tpu.memory_space<vmem>>
      %dma_wait3A_449 = tpu.memref_squeeze %dma_wait3A_448 : memref<1x125x16xf32, #tpu.memory_space<vmem>> -> memref<125x16xf32, #tpu.memory_space<vmem>>
      %dma_wait3A_450 = arith.constant 0 : i32
      %dma_wait3A_451 = tpu.memref_slice %arg6[%add3A_284, %dma_wait3A_450] : memref<80x125xi32, #tpu.memory_space<vmem>> -> memref<1x125xi32, #tpu.memory_space<vmem>>
      %dma_wait3A_452 = tpu.memref_squeeze %dma_wait3A_451 : memref<1x125xi32, #tpu.memory_space<vmem>> -> memref<125xi32, #tpu.memory_space<vmem>>
      %dma_wait3A_453 = arith.constant 0 : i32
      %dma_wait3A_454 = arith.constant 0 : i32
      %dma_wait3A_455 = tpu.memref_slice %arg8[%dma_wait3A_453, %dma_wait3A_454] : memref<10000x16xf32, #tpu.memory_space<vmem_shared>> -> memref<10000x16xf32, #tpu.memory_space<vmem_shared>>
      tpu.wait_indirect_dma semaphore(%arg10 : memref<!tpu.dma_semaphore, #tpu.memory_space<semaphore_mem>>) src(%dma_wait3A_449 : memref<125x16xf32, #tpu.memory_space<vmem>>) dst(%dma_wait3A_455 : memref<10000x16xf32, #tpu.memory_space<vmem_shared>>)
      %dma_wait3A_456 = arith.constant 4 : i32
      %dma_wait3A_457 = arith.constant 0 : i32
      %dma_wait3A_458 = arith.constant 0 : i32
      %dma_wait3A_459 = tpu.memref_slice %arg7[%dma_wait3A_456, %dma_wait3A_457, %dma_wait3A_458] : memref<8x125x16xf32, #tpu.memory_space<vmem>> -> memref<1x125x16xf32, #tpu.memory_space<vmem>>
      %dma_wait3A_460 = tpu.memref_squeeze %dma_wait3A_459 : memref<1x125x16xf32, #tpu.memory_space<vmem>> -> memref<125x16xf32, #tpu.memory_space<vmem>>
      %dma_wait3A_461 = arith.constant 0 : i32
      %dma_wait3A_462 = tpu.memref_slice %arg6[%add3A_313, %dma_wait3A_461] : memref<80x125xi32, #tpu.memory_space<vmem>> -> memref<1x125xi32, #tpu.memory_space<vmem>>
      %dma_wait3A_463 = tpu.memref_squeeze %dma_wait3A_462 : memref<1x125xi32, #tpu.memory_space<vmem>> -> memref<125xi32, #tpu.memory_space<vmem>>
      %dma_wait3A_464 = arith.constant 0 : i32
      %dma_wait3A_465 = arith.constant 0 : i32
      %dma_wait3A_466 = tpu.memref_slice %arg8[%dma_wait3A_464, %dma_wait3A_465] : memref<10000x16xf32, #tpu.memory_space<vmem_shared>> -> memref<10000x16xf32, #tpu.memory_space<vmem_shared>>
      tpu.wait_indirect_dma semaphore(%arg10 : memref<!tpu.dma_semaphore, #tpu.memory_space<semaphore_mem>>) src(%dma_wait3A_460 : memref<125x16xf32, #tpu.memory_space<vmem>>) dst(%dma_wait3A_466 : memref<10000x16xf32, #tpu.memory_space<vmem_shared>>)
      %dma_wait3A_467 = arith.constant 5 : i32
      %dma_wait3A_468 = arith.constant 0 : i32
      %dma_wait3A_469 = arith.constant 0 : i32
      %dma_wait3A_470 = tpu.memref_slice %arg7[%dma_wait3A_467, %dma_wait3A_468, %dma_wait3A_469] : memref<8x125x16xf32, #tpu.memory_space<vmem>> -> memref<1x125x16xf32, #tpu.memory_space<vmem>>
      %dma_wait3A_471 = tpu.memref_squeeze %dma_wait3A_470 : memref<1x125x16xf32, #tpu.memory_space<vmem>> -> memref<125x16xf32, #tpu.memory_space<vmem>>
      %dma_wait3A_472 = arith.constant 0 : i32
      %dma_wait3A_473 = tpu.memref_slice %arg6[%add3A_342, %dma_wait3A_472] : memref<80x125xi32, #tpu.memory_space<vmem>> -> memref<1x125xi32, #tpu.memory_space<vmem>>
      %dma_wait3A_474 = tpu.memref_squeeze %dma_wait3A_473 : memref<1x125xi32, #tpu.memory_space<vmem>> -> memref<125xi32, #tpu.memory_space<vmem>>
      %dma_wait3A_475 = arith.constant 0 : i32
      %dma_wait3A_476 = arith.constant 0 : i32
      %dma_wait3A_477 = tpu.memref_slice %arg8[%dma_wait3A_475, %dma_wait3A_476] : memref<10000x16xf32, #tpu.memory_space<vmem_shared>> -> memref<10000x16xf32, #tpu.memory_space<vmem_shared>>
      tpu.wait_indirect_dma semaphore(%arg10 : memref<!tpu.dma_semaphore, #tpu.memory_space<semaphore_mem>>) src(%dma_wait3A_471 : memref<125x16xf32, #tpu.memory_space<vmem>>) dst(%dma_wait3A_477 : memref<10000x16xf32, #tpu.memory_space<vmem_shared>>)
      %dma_wait3A_478 = arith.constant 6 : i32
      %dma_wait3A_479 = arith.constant 0 : i32
      %dma_wait3A_480 = arith.constant 0 : i32
      %dma_wait3A_481 = tpu.memref_slice %arg7[%dma_wait3A_478, %dma_wait3A_479, %dma_wait3A_480] : memref<8x125x16xf32, #tpu.memory_space<vmem>> -> memref<1x125x16xf32, #tpu.memory_space<vmem>>
      %dma_wait3A_482 = tpu.memref_squeeze %dma_wait3A_481 : memref<1x125x16xf32, #tpu.memory_space<vmem>> -> memref<125x16xf32, #tpu.memory_space<vmem>>
      %dma_wait3A_483 = arith.constant 0 : i32
      %dma_wait3A_484 = tpu.memref_slice %arg6[%add3A_371, %dma_wait3A_483] : memref<80x125xi32, #tpu.memory_space<vmem>> -> memref<1x125xi32, #tpu.memory_space<vmem>>
      %dma_wait3A_485 = tpu.memref_squeeze %dma_wait3A_484 : memref<1x125xi32, #tpu.memory_space<vmem>> -> memref<125xi32, #tpu.memory_space<vmem>>
      %dma_wait3A_486 = arith.constant 0 : i32
      %dma_wait3A_487 = arith.constant 0 : i32
      %dma_wait3A_488 = tpu.memref_slice %arg8[%dma_wait3A_486, %dma_wait3A_487] : memref<10000x16xf32, #tpu.memory_space<vmem_shared>> -> memref<10000x16xf32, #tpu.memory_space<vmem_shared>>
      tpu.wait_indirect_dma semaphore(%arg10 : memref<!tpu.dma_semaphore, #tpu.memory_space<semaphore_mem>>) src(%dma_wait3A_482 : memref<125x16xf32, #tpu.memory_space<vmem>>) dst(%dma_wait3A_488 : memref<10000x16xf32, #tpu.memory_space<vmem_shared>>)
      %dma_wait3A_489 = arith.constant 7 : i32
      %dma_wait3A_490 = arith.constant 0 : i32
      %dma_wait3A_491 = arith.constant 0 : i32
      %dma_wait3A_492 = tpu.memref_slice %arg7[%dma_wait3A_489, %dma_wait3A_490, %dma_wait3A_491] : memref<8x125x16xf32, #tpu.memory_space<vmem>> -> memref<1x125x16xf32, #tpu.memory_space<vmem>>
      %dma_wait3A_493 = tpu.memref_squeeze %dma_wait3A_492 : memref<1x125x16xf32, #tpu.memory_space<vmem>> -> memref<125x16xf32, #tpu.memory_space<vmem>>
      %dma_wait3A_494 = arith.constant 0 : i32
      %dma_wait3A_495 = tpu.memref_slice %arg6[%add3A_400, %dma_wait3A_494] : memref<80x125xi32, #tpu.memory_space<vmem>> -> memref<1x125xi32, #tpu.memory_space<vmem>>
      %dma_wait3A_496 = tpu.memref_squeeze %dma_wait3A_495 : memref<1x125xi32, #tpu.memory_space<vmem>> -> memref<125xi32, #tpu.memory_space<vmem>>
      %dma_wait3A_497 = arith.constant 0 : i32
      %dma_wait3A_498 = arith.constant 0 : i32
      %dma_wait3A_499 = tpu.memref_slice %arg8[%dma_wait3A_497, %dma_wait3A_498] : memref<10000x16xf32, #tpu.memory_space<vmem_shared>> -> memref<10000x16xf32, #tpu.memory_space<vmem_shared>>
      tpu.wait_indirect_dma semaphore(%arg10 : memref<!tpu.dma_semaphore, #tpu.memory_space<semaphore_mem>>) src(%dma_wait3A_493 : memref<125x16xf32, #tpu.memory_space<vmem>>) dst(%dma_wait3A_499 : memref<10000x16xf32, #tpu.memory_space<vmem_shared>>)
    }
    %scan3A_9 = arith.constant 10 : i32
    %barrier3A_10 = arith.constant 0 : index
    tpu.barrier barrier_id(%barrier3A_10)
    "tpu.region"() ({
      %run_scoped3A = tpu.sem_alloc : memref<!tpu.dma_semaphore, #tpu.memory_space<semaphore_mem>>
      %dma_start3A = arith.constant 0 : i32
      %dma_start3A_11 = tpu.memref_slice %arg5[%arg0, %mul3A_4, %dma_start3A] : memref<2x10000x16xf32, #tpu.memory_space<hbm>> -> memref<1x625x16xf32, #tpu.memory_space<hbm>>
      %dma_start3A_12 = tpu.memref_squeeze %dma_start3A_11 : memref<1x625x16xf32, #tpu.memory_space<hbm>> -> memref<625x16xf32, #tpu.memory_space<hbm>>
      %dma_start3A_13 = arith.constant 0 : i32
      %dma_start3A_14 = tpu.memref_slice %arg8[%mul3A_4, %dma_start3A_13] : memref<10000x16xf32, #tpu.memory_space<vmem_shared>> -> memref<625x16xf32, #tpu.memory_space<vmem_shared>>
      tpu.enqueue_dma source(%dma_start3A_14 : memref<625x16xf32, #tpu.memory_space<vmem_shared>>) target(%dma_start3A_12 : memref<625x16xf32, #tpu.memory_space<hbm>>) target_semaphore(%run_scoped3A : memref<!tpu.dma_semaphore, #tpu.memory_space<semaphore_mem>>)
      %dma_wait3A = arith.constant 0 : i32
      %dma_wait3A_15 = tpu.memref_slice %arg5[%arg0, %mul3A_4, %dma_wait3A] : memref<2x10000x16xf32, #tpu.memory_space<hbm>> -> memref<1x625x16xf32, #tpu.memory_space<hbm>>
      %dma_wait3A_16 = tpu.memref_squeeze %dma_wait3A_15 : memref<1x625x16xf32, #tpu.memory_space<hbm>> -> memref<625x16xf32, #tpu.memory_space<hbm>>
      %dma_wait3A_17 = arith.constant 0 : i32
      %dma_wait3A_18 = tpu.memref_slice %arg8[%mul3A_4, %dma_wait3A_17] : memref<10000x16xf32, #tpu.memory_space<vmem_shared>> -> memref<625x16xf32, #tpu.memory_space<vmem_shared>>
      tpu.wait_dma2 semaphore(%run_scoped3A : memref<!tpu.dma_semaphore, #tpu.memory_space<semaphore_mem>>) src(%dma_wait3A_18 : memref<625x16xf32, #tpu.memory_space<vmem_shared>>) dst(%dma_wait3A_16 : memref<625x16xf32, #tpu.memory_space<hbm>>)
      tpu.yield
    }) : () -> ()
    return
  }
}

module attributes {stable_mosaic.version = 14 : i64} {
  func.func @_h_body(%arg0: i32, %arg1: memref<1000x128xf32, #tpu.memory_space<vmem>>, %arg2: memref<128x16xf32, #tpu.memory_space<vmem>>, %arg3: memref<1x16xf32, #tpu.memory_space<vmem>>, %arg4: memref<1000x16xf32, #tpu.memory_space<vmem>>) attributes {dimension_semantics = [#tpu.dimension_semantics<arbitrary>], iteration_bounds = array<i64: 10>, scalar_prefetch = 0 : i64, scratch_operands = 0 : i64, tpu.core_type = #tpu.core_type<tc>, window_params = [{transform_indices = @transform_0, window_bounds = array<i64: 1000, 128>}, {pipeline_mode = #tpu.pipeline_mode<synchronous>, transform_indices = @transform_1, window_bounds = array<i64: 128, 16>}, {pipeline_mode = #tpu.pipeline_mode<synchronous>, transform_indices = @transform_2, window_bounds = array<i64: 1, 16>}, {transform_indices = @transform_3, window_bounds = array<i64: 1000, 16>}]} {
    %get3A = arith.constant 0 : index
    %get3A_0 = arith.constant 0 : index
    %get3A_1 = vector.load %arg1[%get3A, %get3A_0] : memref<1000x128xf32, #tpu.memory_space<vmem>>, vector<1000x128xf32>
    %get3A_2 = arith.constant 0 : index
    %get3A_3 = arith.constant 0 : index
    %get3A_4 = vector.load %arg2[%get3A_2, %get3A_3] : memref<128x16xf32, #tpu.memory_space<vmem>>, vector<128x16xf32>
    %dot_general3A = arith.constant dense<0.000000e+00> : vector<1000x16xf32>
    %dot_general3A_5 = tpu.matmul %get3A_1, %get3A_4, %dot_general3A {dimension_numbers = #tpu.dot_dimension_numbers<[1], [0], [0], [1], [0, 0, 1, 1], [], []>, transpose_lhs_hint = false} : vector<1000x128xf32>, vector<128x16xf32>, vector<1000x16xf32> -> vector<1000x16xf32>
    %get3A_6 = arith.constant 0 : index
    %get3A_7 = arith.constant 0 : index
    %get3A_8 = vector.load %arg3[%get3A_6, %get3A_7] : memref<1x16xf32, #tpu.memory_space<vmem>>, vector<1x16xf32>
    %add3A = vector.broadcast %get3A_8 : vector<1x16xf32> to vector<1000x16xf32>
    %add3A_9 = arith.addf %dot_general3A_5, %add3A : vector<1000x16xf32>
    %gt3A = arith.constant 0.000000e+00 : f32
    %gt3A_10 = vector.broadcast %gt3A : f32 to vector<1000x16xf32>
    %gt3A_11 = arith.cmpf ogt, %add3A_9, %gt3A_10 : vector<1000x16xf32>
    %mul3A = arith.constant 0.00999999977 : f32
    %mul3A_12 = vector.broadcast %mul3A : f32 to vector<1000x16xf32>
    %mul3A_13 = arith.mulf %mul3A_12, %add3A_9 : vector<1000x16xf32>
    %select_n3A = arith.select %gt3A_11, %add3A_9, %mul3A_13 : vector<1000x16xi1>, vector<1000x16xf32>
    %swap3A = arith.constant 0 : index
    %swap3A_14 = arith.constant 0 : index
    %swap3A_15 = vector.load %arg4[%swap3A, %swap3A_14] : memref<1000x16xf32, #tpu.memory_space<vmem>>, vector<1000x16xf32>
    tpu.vector_store %arg4[%swap3A, %swap3A_14], %select_n3A {strides = array<i32>} : memref<1000x16xf32, #tpu.memory_space<vmem>>, vector<1000x16xf32>,
    return
  }
  func.func @transform_0(%arg0: i32) -> (i32, i32) {
    %c0_i32 = arith.constant 0 : i32
    %c0_i32_0 = arith.constant 0 : i32
    return %arg0, %c0_i32 : i32, i32
  }
  func.func @transform_1(%arg0: i32) -> (i32, i32) {
    %c0_i32 = arith.constant 0 : i32
    %c0_i32_0 = arith.constant 0 : i32
    %c0_i32_1 = arith.constant 0 : i32
    return %c0_i32, %c0_i32_0 : i32, i32
  }
  func.func @transform_2(%arg0: i32) -> (i32, i32) {
    %c0_i32 = arith.constant 0 : i32
    %c0_i32_0 = arith.constant 0 : i32
    %c0_i32_1 = arith.constant 0 : i32
    return %c0_i32, %c0_i32_0 : i32, i32
  }
  func.func @transform_3(%arg0: i32) -> (i32, i32) {
    %c0_i32 = arith.constant 0 : i32
    %c0_i32_0 = arith.constant 0 : i32
    return %arg0, %c0_i32 : i32, i32
  }
}

module attributes {stable_mosaic.version = 14 : i64} {
  func.func @_msg_body(%arg0: i32, %arg1: memref<1000x128xf32, #tpu.memory_space<vmem>>, %arg2: memref<1000x128xf32, #tpu.memory_space<vmem>>, %arg3: memref<4x256xf32, #tpu.memory_space<vmem>>, %arg4: memref<1x256xf32, #tpu.memory_space<vmem>>, %arg5: memref<16x256xf32, #tpu.memory_space<vmem>>, %arg6: memref<256x16xf32, #tpu.memory_space<vmem>>, %arg7: memref<1000x128xf32, #tpu.memory_space<vmem>>) attributes {dimension_semantics = [#tpu.dimension_semantics<arbitrary>], iteration_bounds = array<i64: 40>, scalar_prefetch = 0 : i64, scratch_operands = 0 : i64, tpu.core_type = #tpu.core_type<tc>, window_params = [{transform_indices = @transform_0, window_bounds = array<i64: 1000, 128>}, {transform_indices = @transform_1, window_bounds = array<i64: 1000, 128>}, {pipeline_mode = #tpu.pipeline_mode<synchronous>, transform_indices = @transform_2, window_bounds = array<i64: 4, 256>}, {pipeline_mode = #tpu.pipeline_mode<synchronous>, transform_indices = @transform_3, window_bounds = array<i64: 1, 256>}, {pipeline_mode = #tpu.pipeline_mode<synchronous>, transform_indices = @transform_4, window_bounds = array<i64: 16, 256>}, {pipeline_mode = #tpu.pipeline_mode<synchronous>, transform_indices = @transform_5, window_bounds = array<i64: 256, 16>}, {transform_indices = @transform_6, window_bounds = array<i64: 1000, 128>}]} {
    %get3A = arith.constant 0 : index
    %get3A_0 = arith.constant 0 : index
    %get3A_1 = vector.load %arg1[%get3A, %get3A_0] : memref<1000x128xf32, #tpu.memory_space<vmem>>, vector<1000x32xf32>
    %transpose3A = tpu.transpose %get3A_1, [1, 0] : vector<1000x32xf32> -> vector<32x1000xf32>
    %reshape3A = vector.shape_cast %transpose3A : vector<32x1000xf32> to vector<4x8x1000xf32>
    %slice3A = vector.extract_strided_slice %reshape3A {offsets = [0, 0, 0], sizes = [4, 1, 1000], strides = [1, 1, 1]} : vector<4x8x1000xf32> to vector<4x1x1000xf32>
    %squeeze3A = vector.shape_cast %slice3A : vector<4x1x1000xf32> to vector<4x1000xf32>
    %get3A_2 = arith.constant 0 : index
    %get3A_3 = arith.constant 0 : index
    %get3A_4 = vector.load %arg3[%get3A_2, %get3A_3] : memref<4x256xf32, #tpu.memory_space<vmem>>, vector<4x256xf32>
    %dot_general3A = arith.constant dense<0.000000e+00> : vector<1000x256xf32>
    %dot_general3A_5 = tpu.matmul %squeeze3A, %get3A_4, %dot_general3A {dimension_numbers = #tpu.dot_dimension_numbers<[0], [0], [1], [1], [0, 1, 1, 1], [], []>, transpose_lhs_hint = false} : vector<4x1000xf32>, vector<4x256xf32>, vector<1000x256xf32> -> vector<1000x256xf32>
    %get3A_6 = arith.constant 0 : index
    %get3A_7 = arith.constant 0 : index
    %get3A_8 = vector.load %arg2[%get3A_6, %get3A_7] : memref<1000x128xf32, #tpu.memory_space<vmem>>, vector<1000x16xf32>
    %get3A_9 = arith.constant 0 : index
    %get3A_10 = arith.constant 0 : index
    %get3A_11 = vector.load %arg4[%get3A_9, %get3A_10] : memref<1x256xf32, #tpu.memory_space<vmem>>, vector<1x256xf32>
    %add3A = vector.broadcast %get3A_11 : vector<1x256xf32> to vector<1000x256xf32>
    %add3A_12 = arith.addf %dot_general3A_5, %add3A : vector<1000x256xf32>
    %gt3A = arith.constant 0.000000e+00 : f32
    %gt3A_13 = vector.broadcast %gt3A : f32 to vector<1000x256xf32>
    %gt3A_14 = arith.cmpf ogt, %add3A_12, %gt3A_13 : vector<1000x256xf32>
    %mul3A = arith.constant 0.00999999977 : f32
    %mul3A_15 = vector.broadcast %mul3A : f32 to vector<1000x256xf32>
    %mul3A_16 = arith.mulf %mul3A_15, %add3A_12 : vector<1000x256xf32>
    %select_n3A = arith.select %gt3A_14, %add3A_12, %mul3A_16 : vector<1000x256xi1>, vector<1000x256xf32>
    %get3A_17 = arith.constant 0 : index
    %get3A_18 = arith.constant 0 : index
    %get3A_19 = vector.load %arg5[%get3A_17, %get3A_18] : memref<16x256xf32, #tpu.memory_space<vmem>>, vector<16x256xf32>
    %dot_general3A_20 = arith.constant dense<0.000000e+00> : vector<1000x256xf32>
    %dot_general3A_21 = tpu.matmul %get3A_8, %get3A_19, %dot_general3A_20 {dimension_numbers = #tpu.dot_dimension_numbers<[1], [0], [0], [1], [0, 0, 1, 1], [], []>, transpose_lhs_hint = false} : vector<1000x16xf32>, vector<16x256xf32>, vector<1000x256xf32> -> vector<1000x256xf32>
    %mul3A_22 = arith.mulf %select_n3A, %dot_general3A_21 : vector<1000x256xf32>
    %get3A_23 = arith.constant 0 : index
    %get3A_24 = arith.constant 0 : index
    %get3A_25 = vector.load %arg6[%get3A_23, %get3A_24] : memref<256x16xf32, #tpu.memory_space<vmem>>, vector<256x16xf32>
    %dot_general3A_26 = arith.constant dense<0.000000e+00> : vector<1000x16xf32>
    %dot_general3A_27 = tpu.matmul %mul3A_22, %get3A_25, %dot_general3A_26 {dimension_numbers = #tpu.dot_dimension_numbers<[1], [0], [0], [1], [0, 0, 1, 1], [], []>, transpose_lhs_hint = false} : vector<1000x256xf32>, vector<256x16xf32>, vector<1000x16xf32> -> vector<1000x16xf32>
    %swap3A = arith.constant 0 : index
    %swap3A_28 = arith.constant 0 : index
    %swap3A_29 = vector.load %arg7[%swap3A, %swap3A_28] : memref<1000x128xf32, #tpu.memory_space<vmem>>, vector<1000x16xf32>
    tpu.vector_store %arg7[%swap3A, %swap3A_28], %dot_general3A_27 {strides = array<i32>} : memref<1000x128xf32, #tpu.memory_space<vmem>>, vector<1000x16xf32>,
    %slice3A_30 = vector.extract_strided_slice %reshape3A {offsets = [0, 1, 0], sizes = [4, 1, 1000], strides = [1, 1, 1]} : vector<4x8x1000xf32> to vector<4x1x1000xf32>
    %squeeze3A_31 = vector.shape_cast %slice3A_30 : vector<4x1x1000xf32> to vector<4x1000xf32>
    %get3A_32 = arith.constant 0 : index
    %get3A_33 = arith.constant 0 : index
    %get3A_34 = vector.load %arg3[%get3A_32, %get3A_33] : memref<4x256xf32, #tpu.memory_space<vmem>>, vector<4x256xf32>
    %dot_general3A_35 = arith.constant dense<0.000000e+00> : vector<1000x256xf32>
    %dot_general3A_36 = tpu.matmul %squeeze3A_31, %get3A_34, %dot_general3A_35 {dimension_numbers = #tpu.dot_dimension_numbers<[0], [0], [1], [1], [0, 1, 1, 1], [], []>, transpose_lhs_hint = false} : vector<4x1000xf32>, vector<4x256xf32>, vector<1000x256xf32> -> vector<1000x256xf32>
    %get3A_37 = arith.constant 0 : index
    %get3A_38 = arith.constant 16 : index
    %get3A_39 = vector.load %arg2[%get3A_37, %get3A_38] : memref<1000x128xf32, #tpu.memory_space<vmem>>, vector<1000x16xf32>
    %get3A_40 = arith.constant 0 : index
    %get3A_41 = arith.constant 0 : index
    %get3A_42 = vector.load %arg4[%get3A_40, %get3A_41] : memref<1x256xf32, #tpu.memory_space<vmem>>, vector<1x256xf32>
    %add3A_43 = vector.broadcast %get3A_42 : vector<1x256xf32> to vector<1000x256xf32>
    %add3A_44 = arith.addf %dot_general3A_36, %add3A_43 : vector<1000x256xf32>
    %gt3A_45 = arith.constant 0.000000e+00 : f32
    %gt3A_46 = vector.broadcast %gt3A_45 : f32 to vector<1000x256xf32>
    %gt3A_47 = arith.cmpf ogt, %add3A_44, %gt3A_46 : vector<1000x256xf32>
    %mul3A_48 = arith.constant 0.00999999977 : f32
    %mul3A_49 = vector.broadcast %mul3A_48 : f32 to vector<1000x256xf32>
    %mul3A_50 = arith.mulf %mul3A_49, %add3A_44 : vector<1000x256xf32>
    %select_n3A_51 = arith.select %gt3A_47, %add3A_44, %mul3A_50 : vector<1000x256xi1>, vector<1000x256xf32>
    %get3A_52 = arith.constant 0 : index
    %get3A_53 = arith.constant 0 : index
    %get3A_54 = vector.load %arg5[%get3A_52, %get3A_53] : memref<16x256xf32, #tpu.memory_space<vmem>>, vector<16x256xf32>
    %dot_general3A_55 = arith.constant dense<0.000000e+00> : vector<1000x256xf32>
    %dot_general3A_56 = tpu.matmul %get3A_39, %get3A_54, %dot_general3A_55 {dimension_numbers = #tpu.dot_dimension_numbers<[1], [0], [0], [1], [0, 0, 1, 1], [], []>, transpose_lhs_hint = false} : vector<1000x16xf32>, vector<16x256xf32>, vector<1000x256xf32> -> vector<1000x256xf32>
    %mul3A_57 = arith.mulf %select_n3A_51, %dot_general3A_56 : vector<1000x256xf32>
    %get3A_58 = arith.constant 0 : index
    %get3A_59 = arith.constant 0 : index
    %get3A_60 = vector.load %arg6[%get3A_58, %get3A_59] : memref<256x16xf32, #tpu.memory_space<vmem>>, vector<256x16xf32>
    %dot_general3A_61 = arith.constant dense<0.000000e+00> : vector<1000x16xf32>
    %dot_general3A_62 = tpu.matmul %mul3A_57, %get3A_60, %dot_general3A_61 {dimension_numbers = #tpu.dot_dimension_numbers<[1], [0], [0], [1], [0, 0, 1, 1], [], []>, transpose_lhs_hint = false} : vector<1000x256xf32>, vector<256x16xf32>, vector<1000x16xf32> -> vector<1000x16xf32>
    %swap3A_63 = arith.constant 0 : index
    %swap3A_64 = arith.constant 16 : index
    %swap3A_65 = vector.load %arg7[%swap3A_63, %swap3A_64] : memref<1000x128xf32, #tpu.memory_space<vmem>>, vector<1000x16xf32>
    tpu.vector_store %arg7[%swap3A_63, %swap3A_64], %dot_general3A_62 {strides = array<i32>} : memref<1000x128xf32, #tpu.memory_space<vmem>>, vector<1000x16xf32>,
    %slice3A_66 = vector.extract_strided_slice %reshape3A {offsets = [0, 2, 0], sizes = [4, 1, 1000], strides = [1, 1, 1]} : vector<4x8x1000xf32> to vector<4x1x1000xf32>
    %squeeze3A_67 = vector.shape_cast %slice3A_66 : vector<4x1x1000xf32> to vector<4x1000xf32>
    %get3A_68 = arith.constant 0 : index
    %get3A_69 = arith.constant 0 : index
    %get3A_70 = vector.load %arg3[%get3A_68, %get3A_69] : memref<4x256xf32, #tpu.memory_space<vmem>>, vector<4x256xf32>
    %dot_general3A_71 = arith.constant dense<0.000000e+00> : vector<1000x256xf32>
    %dot_general3A_72 = tpu.matmul %squeeze3A_67, %get3A_70, %dot_general3A_71 {dimension_numbers = #tpu.dot_dimension_numbers<[0], [0], [1], [1], [0, 1, 1, 1], [], []>, transpose_lhs_hint = false} : vector<4x1000xf32>, vector<4x256xf32>, vector<1000x256xf32> -> vector<1000x256xf32>
    %get3A_73 = arith.constant 0 : index
    %get3A_74 = arith.constant 32 : index
    %get3A_75 = vector.load %arg2[%get3A_73, %get3A_74] : memref<1000x128xf32, #tpu.memory_space<vmem>>, vector<1000x16xf32>
    %get3A_76 = arith.constant 0 : index
    %get3A_77 = arith.constant 0 : index
    %get3A_78 = vector.load %arg4[%get3A_76, %get3A_77] : memref<1x256xf32, #tpu.memory_space<vmem>>, vector<1x256xf32>
    %add3A_79 = vector.broadcast %get3A_78 : vector<1x256xf32> to vector<1000x256xf32>
    %add3A_80 = arith.addf %dot_general3A_72, %add3A_79 : vector<1000x256xf32>
    %gt3A_81 = arith.constant 0.000000e+00 : f32
    %gt3A_82 = vector.broadcast %gt3A_81 : f32 to vector<1000x256xf32>
    %gt3A_83 = arith.cmpf ogt, %add3A_80, %gt3A_82 : vector<1000x256xf32>
    %mul3A_84 = arith.constant 0.00999999977 : f32
    %mul3A_85 = vector.broadcast %mul3A_84 : f32 to vector<1000x256xf32>
    %mul3A_86 = arith.mulf %mul3A_85, %add3A_80 : vector<1000x256xf32>
    %select_n3A_87 = arith.select %gt3A_83, %add3A_80, %mul3A_86 : vector<1000x256xi1>, vector<1000x256xf32>
    %get3A_88 = arith.constant 0 : index
    %get3A_89 = arith.constant 0 : index
    %get3A_90 = vector.load %arg5[%get3A_88, %get3A_89] : memref<16x256xf32, #tpu.memory_space<vmem>>, vector<16x256xf32>
    %dot_general3A_91 = arith.constant dense<0.000000e+00> : vector<1000x256xf32>
    %dot_general3A_92 = tpu.matmul %get3A_75, %get3A_90, %dot_general3A_91 {dimension_numbers = #tpu.dot_dimension_numbers<[1], [0], [0], [1], [0, 0, 1, 1], [], []>, transpose_lhs_hint = false} : vector<1000x16xf32>, vector<16x256xf32>, vector<1000x256xf32> -> vector<1000x256xf32>
    %mul3A_93 = arith.mulf %select_n3A_87, %dot_general3A_92 : vector<1000x256xf32>
    %get3A_94 = arith.constant 0 : index
    %get3A_95 = arith.constant 0 : index
    %get3A_96 = vector.load %arg6[%get3A_94, %get3A_95] : memref<256x16xf32, #tpu.memory_space<vmem>>, vector<256x16xf32>
    %dot_general3A_97 = arith.constant dense<0.000000e+00> : vector<1000x16xf32>
    %dot_general3A_98 = tpu.matmul %mul3A_93, %get3A_96, %dot_general3A_97 {dimension_numbers = #tpu.dot_dimension_numbers<[1], [0], [0], [1], [0, 0, 1, 1], [], []>, transpose_lhs_hint = false} : vector<1000x256xf32>, vector<256x16xf32>, vector<1000x16xf32> -> vector<1000x16xf32>
    %swap3A_99 = arith.constant 0 : index
    %swap3A_100 = arith.constant 32 : index
    %swap3A_101 = vector.load %arg7[%swap3A_99, %swap3A_100] : memref<1000x128xf32, #tpu.memory_space<vmem>>, vector<1000x16xf32>
    tpu.vector_store %arg7[%swap3A_99, %swap3A_100], %dot_general3A_98 {strides = array<i32>} : memref<1000x128xf32, #tpu.memory_space<vmem>>, vector<1000x16xf32>,
    %slice3A_102 = vector.extract_strided_slice %reshape3A {offsets = [0, 3, 0], sizes = [4, 1, 1000], strides = [1, 1, 1]} : vector<4x8x1000xf32> to vector<4x1x1000xf32>
    %squeeze3A_103 = vector.shape_cast %slice3A_102 : vector<4x1x1000xf32> to vector<4x1000xf32>
    %get3A_104 = arith.constant 0 : index
    %get3A_105 = arith.constant 0 : index
    %get3A_106 = vector.load %arg3[%get3A_104, %get3A_105] : memref<4x256xf32, #tpu.memory_space<vmem>>, vector<4x256xf32>
    %dot_general3A_107 = arith.constant dense<0.000000e+00> : vector<1000x256xf32>
    %dot_general3A_108 = tpu.matmul %squeeze3A_103, %get3A_106, %dot_general3A_107 {dimension_numbers = #tpu.dot_dimension_numbers<[0], [0], [1], [1], [0, 1, 1, 1], [], []>, transpose_lhs_hint = false} : vector<4x1000xf32>, vector<4x256xf32>, vector<1000x256xf32> -> vector<1000x256xf32>
    %get3A_109 = arith.constant 0 : index
    %get3A_110 = arith.constant 48 : index
    %get3A_111 = vector.load %arg2[%get3A_109, %get3A_110] : memref<1000x128xf32, #tpu.memory_space<vmem>>, vector<1000x16xf32>
    %get3A_112 = arith.constant 0 : index
    %get3A_113 = arith.constant 0 : index
    %get3A_114 = vector.load %arg4[%get3A_112, %get3A_113] : memref<1x256xf32, #tpu.memory_space<vmem>>, vector<1x256xf32>
    %add3A_115 = vector.broadcast %get3A_114 : vector<1x256xf32> to vector<1000x256xf32>
    %add3A_116 = arith.addf %dot_general3A_108, %add3A_115 : vector<1000x256xf32>
    %gt3A_117 = arith.constant 0.000000e+00 : f32
    %gt3A_118 = vector.broadcast %gt3A_117 : f32 to vector<1000x256xf32>
    %gt3A_119 = arith.cmpf ogt, %add3A_116, %gt3A_118 : vector<1000x256xf32>
    %mul3A_120 = arith.constant 0.00999999977 : f32
    %mul3A_121 = vector.broadcast %mul3A_120 : f32 to vector<1000x256xf32>
    %mul3A_122 = arith.mulf %mul3A_121, %add3A_116 : vector<1000x256xf32>
    %select_n3A_123 = arith.select %gt3A_119, %add3A_116, %mul3A_122 : vector<1000x256xi1>, vector<1000x256xf32>
    %get3A_124 = arith.constant 0 : index
    %get3A_125 = arith.constant 0 : index
    %get3A_126 = vector.load %arg5[%get3A_124, %get3A_125] : memref<16x256xf32, #tpu.memory_space<vmem>>, vector<16x256xf32>
    %dot_general3A_127 = arith.constant dense<0.000000e+00> : vector<1000x256xf32>
    %dot_general3A_128 = tpu.matmul %get3A_111, %get3A_126, %dot_general3A_127 {dimension_numbers = #tpu.dot_dimension_numbers<[1], [0], [0], [1], [0, 0, 1, 1], [], []>, transpose_lhs_hint = false} : vector<1000x16xf32>, vector<16x256xf32>, vector<1000x256xf32> -> vector<1000x256xf32>
    %mul3A_129 = arith.mulf %select_n3A_123, %dot_general3A_128 : vector<1000x256xf32>
    %get3A_130 = arith.constant 0 : index
    %get3A_131 = arith.constant 0 : index
    %get3A_132 = vector.load %arg6[%get3A_130, %get3A_131] : memref<256x16xf32, #tpu.memory_space<vmem>>, vector<256x16xf32>
    %dot_general3A_133 = arith.constant dense<0.000000e+00> : vector<1000x16xf32>
    %dot_general3A_134 = tpu.matmul %mul3A_129, %get3A_132, %dot_general3A_133 {dimension_numbers = #tpu.dot_dimension_numbers<[1], [0], [0], [1], [0, 0, 1, 1], [], []>, transpose_lhs_hint = false} : vector<1000x256xf32>, vector<256x16xf32>, vector<1000x16xf32> -> vector<1000x16xf32>
    %swap3A_135 = arith.constant 0 : index
    %swap3A_136 = arith.constant 48 : index
    %swap3A_137 = vector.load %arg7[%swap3A_135, %swap3A_136] : memref<1000x128xf32, #tpu.memory_space<vmem>>, vector<1000x16xf32>
    tpu.vector_store %arg7[%swap3A_135, %swap3A_136], %dot_general3A_134 {strides = array<i32>} : memref<1000x128xf32, #tpu.memory_space<vmem>>, vector<1000x16xf32>,
    %slice3A_138 = vector.extract_strided_slice %reshape3A {offsets = [0, 4, 0], sizes = [4, 1, 1000], strides = [1, 1, 1]} : vector<4x8x1000xf32> to vector<4x1x1000xf32>
    %squeeze3A_139 = vector.shape_cast %slice3A_138 : vector<4x1x1000xf32> to vector<4x1000xf32>
    %get3A_140 = arith.constant 0 : index
    %get3A_141 = arith.constant 0 : index
    %get3A_142 = vector.load %arg3[%get3A_140, %get3A_141] : memref<4x256xf32, #tpu.memory_space<vmem>>, vector<4x256xf32>
    %dot_general3A_143 = arith.constant dense<0.000000e+00> : vector<1000x256xf32>
    %dot_general3A_144 = tpu.matmul %squeeze3A_139, %get3A_142, %dot_general3A_143 {dimension_numbers = #tpu.dot_dimension_numbers<[0], [0], [1], [1], [0, 1, 1, 1], [], []>, transpose_lhs_hint = false} : vector<4x1000xf32>, vector<4x256xf32>, vector<1000x256xf32> -> vector<1000x256xf32>
    %get3A_145 = arith.constant 0 : index
    %get3A_146 = arith.constant 64 : index
    %get3A_147 = vector.load %arg2[%get3A_145, %get3A_146] : memref<1000x128xf32, #tpu.memory_space<vmem>>, vector<1000x16xf32>
    %get3A_148 = arith.constant 0 : index
    %get3A_149 = arith.constant 0 : index
    %get3A_150 = vector.load %arg4[%get3A_148, %get3A_149] : memref<1x256xf32, #tpu.memory_space<vmem>>, vector<1x256xf32>
    %add3A_151 = vector.broadcast %get3A_150 : vector<1x256xf32> to vector<1000x256xf32>
    %add3A_152 = arith.addf %dot_general3A_144, %add3A_151 : vector<1000x256xf32>
    %gt3A_153 = arith.constant 0.000000e+00 : f32
    %gt3A_154 = vector.broadcast %gt3A_153 : f32 to vector<1000x256xf32>
    %gt3A_155 = arith.cmpf ogt, %add3A_152, %gt3A_154 : vector<1000x256xf32>
    %mul3A_156 = arith.constant 0.00999999977 : f32
    %mul3A_157 = vector.broadcast %mul3A_156 : f32 to vector<1000x256xf32>
    %mul3A_158 = arith.mulf %mul3A_157, %add3A_152 : vector<1000x256xf32>
    %select_n3A_159 = arith.select %gt3A_155, %add3A_152, %mul3A_158 : vector<1000x256xi1>, vector<1000x256xf32>
    %get3A_160 = arith.constant 0 : index
    %get3A_161 = arith.constant 0 : index
    %get3A_162 = vector.load %arg5[%get3A_160, %get3A_161] : memref<16x256xf32, #tpu.memory_space<vmem>>, vector<16x256xf32>
    %dot_general3A_163 = arith.constant dense<0.000000e+00> : vector<1000x256xf32>
    %dot_general3A_164 = tpu.matmul %get3A_147, %get3A_162, %dot_general3A_163 {dimension_numbers = #tpu.dot_dimension_numbers<[1], [0], [0], [1], [0, 0, 1, 1], [], []>, transpose_lhs_hint = false} : vector<1000x16xf32>, vector<16x256xf32>, vector<1000x256xf32> -> vector<1000x256xf32>
    %mul3A_165 = arith.mulf %select_n3A_159, %dot_general3A_164 : vector<1000x256xf32>
    %get3A_166 = arith.constant 0 : index
    %get3A_167 = arith.constant 0 : index
    %get3A_168 = vector.load %arg6[%get3A_166, %get3A_167] : memref<256x16xf32, #tpu.memory_space<vmem>>, vector<256x16xf32>
    %dot_general3A_169 = arith.constant dense<0.000000e+00> : vector<1000x16xf32>
    %dot_general3A_170 = tpu.matmul %mul3A_165, %get3A_168, %dot_general3A_169 {dimension_numbers = #tpu.dot_dimension_numbers<[1], [0], [0], [1], [0, 0, 1, 1], [], []>, transpose_lhs_hint = false} : vector<1000x256xf32>, vector<256x16xf32>, vector<1000x16xf32> -> vector<1000x16xf32>
    %swap3A_171 = arith.constant 0 : index
    %swap3A_172 = arith.constant 64 : index
    %swap3A_173 = vector.load %arg7[%swap3A_171, %swap3A_172] : memref<1000x128xf32, #tpu.memory_space<vmem>>, vector<1000x16xf32>
    tpu.vector_store %arg7[%swap3A_171, %swap3A_172], %dot_general3A_170 {strides = array<i32>} : memref<1000x128xf32, #tpu.memory_space<vmem>>, vector<1000x16xf32>,
    %slice3A_174 = vector.extract_strided_slice %reshape3A {offsets = [0, 5, 0], sizes = [4, 1, 1000], strides = [1, 1, 1]} : vector<4x8x1000xf32> to vector<4x1x1000xf32>
    %squeeze3A_175 = vector.shape_cast %slice3A_174 : vector<4x1x1000xf32> to vector<4x1000xf32>
    %get3A_176 = arith.constant 0 : index
    %get3A_177 = arith.constant 0 : index
    %get3A_178 = vector.load %arg3[%get3A_176, %get3A_177] : memref<4x256xf32, #tpu.memory_space<vmem>>, vector<4x256xf32>
    %dot_general3A_179 = arith.constant dense<0.000000e+00> : vector<1000x256xf32>
    %dot_general3A_180 = tpu.matmul %squeeze3A_175, %get3A_178, %dot_general3A_179 {dimension_numbers = #tpu.dot_dimension_numbers<[0], [0], [1], [1], [0, 1, 1, 1], [], []>, transpose_lhs_hint = false} : vector<4x1000xf32>, vector<4x256xf32>, vector<1000x256xf32> -> vector<1000x256xf32>
    %get3A_181 = arith.constant 0 : index
    %get3A_182 = arith.constant 80 : index
    %get3A_183 = vector.load %arg2[%get3A_181, %get3A_182] : memref<1000x128xf32, #tpu.memory_space<vmem>>, vector<1000x16xf32>
    %get3A_184 = arith.constant 0 : index
    %get3A_185 = arith.constant 0 : index
    %get3A_186 = vector.load %arg4[%get3A_184, %get3A_185] : memref<1x256xf32, #tpu.memory_space<vmem>>, vector<1x256xf32>
    %add3A_187 = vector.broadcast %get3A_186 : vector<1x256xf32> to vector<1000x256xf32>
    %add3A_188 = arith.addf %dot_general3A_180, %add3A_187 : vector<1000x256xf32>
    %gt3A_189 = arith.constant 0.000000e+00 : f32
    %gt3A_190 = vector.broadcast %gt3A_189 : f32 to vector<1000x256xf32>
    %gt3A_191 = arith.cmpf ogt, %add3A_188, %gt3A_190 : vector<1000x256xf32>
    %mul3A_192 = arith.constant 0.00999999977 : f32
    %mul3A_193 = vector.broadcast %mul3A_192 : f32 to vector<1000x256xf32>
    %mul3A_194 = arith.mulf %mul3A_193, %add3A_188 : vector<1000x256xf32>
    %select_n3A_195 = arith.select %gt3A_191, %add3A_188, %mul3A_194 : vector<1000x256xi1>, vector<1000x256xf32>
    %get3A_196 = arith.constant 0 : index
    %get3A_197 = arith.constant 0 : index
    %get3A_198 = vector.load %arg5[%get3A_196, %get3A_197] : memref<16x256xf32, #tpu.memory_space<vmem>>, vector<16x256xf32>
    %dot_general3A_199 = arith.constant dense<0.000000e+00> : vector<1000x256xf32>
    %dot_general3A_200 = tpu.matmul %get3A_183, %get3A_198, %dot_general3A_199 {dimension_numbers = #tpu.dot_dimension_numbers<[1], [0], [0], [1], [0, 0, 1, 1], [], []>, transpose_lhs_hint = false} : vector<1000x16xf32>, vector<16x256xf32>, vector<1000x256xf32> -> vector<1000x256xf32>
    %mul3A_201 = arith.mulf %select_n3A_195, %dot_general3A_200 : vector<1000x256xf32>
    %get3A_202 = arith.constant 0 : index
    %get3A_203 = arith.constant 0 : index
    %get3A_204 = vector.load %arg6[%get3A_202, %get3A_203] : memref<256x16xf32, #tpu.memory_space<vmem>>, vector<256x16xf32>
    %dot_general3A_205 = arith.constant dense<0.000000e+00> : vector<1000x16xf32>
    %dot_general3A_206 = tpu.matmul %mul3A_201, %get3A_204, %dot_general3A_205 {dimension_numbers = #tpu.dot_dimension_numbers<[1], [0], [0], [1], [0, 0, 1, 1], [], []>, transpose_lhs_hint = false} : vector<1000x256xf32>, vector<256x16xf32>, vector<1000x16xf32> -> vector<1000x16xf32>
    %swap3A_207 = arith.constant 0 : index
    %swap3A_208 = arith.constant 80 : index
    %swap3A_209 = vector.load %arg7[%swap3A_207, %swap3A_208] : memref<1000x128xf32, #tpu.memory_space<vmem>>, vector<1000x16xf32>
    tpu.vector_store %arg7[%swap3A_207, %swap3A_208], %dot_general3A_206 {strides = array<i32>} : memref<1000x128xf32, #tpu.memory_space<vmem>>, vector<1000x16xf32>,
    %slice3A_210 = vector.extract_strided_slice %reshape3A {offsets = [0, 6, 0], sizes = [4, 1, 1000], strides = [1, 1, 1]} : vector<4x8x1000xf32> to vector<4x1x1000xf32>
    %squeeze3A_211 = vector.shape_cast %slice3A_210 : vector<4x1x1000xf32> to vector<4x1000xf32>
    %get3A_212 = arith.constant 0 : index
    %get3A_213 = arith.constant 0 : index
    %get3A_214 = vector.load %arg3[%get3A_212, %get3A_213] : memref<4x256xf32, #tpu.memory_space<vmem>>, vector<4x256xf32>
    %dot_general3A_215 = arith.constant dense<0.000000e+00> : vector<1000x256xf32>
    %dot_general3A_216 = tpu.matmul %squeeze3A_211, %get3A_214, %dot_general3A_215 {dimension_numbers = #tpu.dot_dimension_numbers<[0], [0], [1], [1], [0, 1, 1, 1], [], []>, transpose_lhs_hint = false} : vector<4x1000xf32>, vector<4x256xf32>, vector<1000x256xf32> -> vector<1000x256xf32>
    %get3A_217 = arith.constant 0 : index
    %get3A_218 = arith.constant 96 : index
    %get3A_219 = vector.load %arg2[%get3A_217, %get3A_218] : memref<1000x128xf32, #tpu.memory_space<vmem>>, vector<1000x16xf32>
    %get3A_220 = arith.constant 0 : index
    %get3A_221 = arith.constant 0 : index
    %get3A_222 = vector.load %arg4[%get3A_220, %get3A_221] : memref<1x256xf32, #tpu.memory_space<vmem>>, vector<1x256xf32>
    %add3A_223 = vector.broadcast %get3A_222 : vector<1x256xf32> to vector<1000x256xf32>
    %add3A_224 = arith.addf %dot_general3A_216, %add3A_223 : vector<1000x256xf32>
    %gt3A_225 = arith.constant 0.000000e+00 : f32
    %gt3A_226 = vector.broadcast %gt3A_225 : f32 to vector<1000x256xf32>
    %gt3A_227 = arith.cmpf ogt, %add3A_224, %gt3A_226 : vector<1000x256xf32>
    %mul3A_228 = arith.constant 0.00999999977 : f32
    %mul3A_229 = vector.broadcast %mul3A_228 : f32 to vector<1000x256xf32>
    %mul3A_230 = arith.mulf %mul3A_229, %add3A_224 : vector<1000x256xf32>
    %select_n3A_231 = arith.select %gt3A_227, %add3A_224, %mul3A_230 : vector<1000x256xi1>, vector<1000x256xf32>
    %get3A_232 = arith.constant 0 : index
    %get3A_233 = arith.constant 0 : index
    %get3A_234 = vector.load %arg5[%get3A_232, %get3A_233] : memref<16x256xf32, #tpu.memory_space<vmem>>, vector<16x256xf32>
    %dot_general3A_235 = arith.constant dense<0.000000e+00> : vector<1000x256xf32>
    %dot_general3A_236 = tpu.matmul %get3A_219, %get3A_234, %dot_general3A_235 {dimension_numbers = #tpu.dot_dimension_numbers<[1], [0], [0], [1], [0, 0, 1, 1], [], []>, transpose_lhs_hint = false} : vector<1000x16xf32>, vector<16x256xf32>, vector<1000x256xf32> -> vector<1000x256xf32>
    %mul3A_237 = arith.mulf %select_n3A_231, %dot_general3A_236 : vector<1000x256xf32>
    %get3A_238 = arith.constant 0 : index
    %get3A_239 = arith.constant 0 : index
    %get3A_240 = vector.load %arg6[%get3A_238, %get3A_239] : memref<256x16xf32, #tpu.memory_space<vmem>>, vector<256x16xf32>
    %dot_general3A_241 = arith.constant dense<0.000000e+00> : vector<1000x16xf32>
    %dot_general3A_242 = tpu.matmul %mul3A_237, %get3A_240, %dot_general3A_241 {dimension_numbers = #tpu.dot_dimension_numbers<[1], [0], [0], [1], [0, 0, 1, 1], [], []>, transpose_lhs_hint = false} : vector<1000x256xf32>, vector<256x16xf32>, vector<1000x16xf32> -> vector<1000x16xf32>
    %swap3A_243 = arith.constant 0 : index
    %swap3A_244 = arith.constant 96 : index
    %swap3A_245 = vector.load %arg7[%swap3A_243, %swap3A_244] : memref<1000x128xf32, #tpu.memory_space<vmem>>, vector<1000x16xf32>
    tpu.vector_store %arg7[%swap3A_243, %swap3A_244], %dot_general3A_242 {strides = array<i32>} : memref<1000x128xf32, #tpu.memory_space<vmem>>, vector<1000x16xf32>,
    %slice3A_246 = vector.extract_strided_slice %reshape3A {offsets = [0, 7, 0], sizes = [4, 1, 1000], strides = [1, 1, 1]} : vector<4x8x1000xf32> to vector<4x1x1000xf32>
    %squeeze3A_247 = vector.shape_cast %slice3A_246 : vector<4x1x1000xf32> to vector<4x1000xf32>
    %get3A_248 = arith.constant 0 : index
    %get3A_249 = arith.constant 0 : index
    %get3A_250 = vector.load %arg3[%get3A_248, %get3A_249] : memref<4x256xf32, #tpu.memory_space<vmem>>, vector<4x256xf32>
    %dot_general3A_251 = arith.constant dense<0.000000e+00> : vector<1000x256xf32>
    %dot_general3A_252 = tpu.matmul %squeeze3A_247, %get3A_250, %dot_general3A_251 {dimension_numbers = #tpu.dot_dimension_numbers<[0], [0], [1], [1], [0, 1, 1, 1], [], []>, transpose_lhs_hint = false} : vector<4x1000xf32>, vector<4x256xf32>, vector<1000x256xf32> -> vector<1000x256xf32>
    %get3A_253 = arith.constant 0 : index
    %get3A_254 = arith.constant 112 : index
    %get3A_255 = vector.load %arg2[%get3A_253, %get3A_254] : memref<1000x128xf32, #tpu.memory_space<vmem>>, vector<1000x16xf32>
    %get3A_256 = arith.constant 0 : index
    %get3A_257 = arith.constant 0 : index
    %get3A_258 = vector.load %arg4[%get3A_256, %get3A_257] : memref<1x256xf32, #tpu.memory_space<vmem>>, vector<1x256xf32>
    %add3A_259 = vector.broadcast %get3A_258 : vector<1x256xf32> to vector<1000x256xf32>
    %add3A_260 = arith.addf %dot_general3A_252, %add3A_259 : vector<1000x256xf32>
    %gt3A_261 = arith.constant 0.000000e+00 : f32
    %gt3A_262 = vector.broadcast %gt3A_261 : f32 to vector<1000x256xf32>
    %gt3A_263 = arith.cmpf ogt, %add3A_260, %gt3A_262 : vector<1000x256xf32>
    %mul3A_264 = arith.constant 0.00999999977 : f32
    %mul3A_265 = vector.broadcast %mul3A_264 : f32 to vector<1000x256xf32>
    %mul3A_266 = arith.mulf %mul3A_265, %add3A_260 : vector<1000x256xf32>
    %select_n3A_267 = arith.select %gt3A_263, %add3A_260, %mul3A_266 : vector<1000x256xi1>, vector<1000x256xf32>
    %get3A_268 = arith.constant 0 : index
    %get3A_269 = arith.constant 0 : index
    %get3A_270 = vector.load %arg5[%get3A_268, %get3A_269] : memref<16x256xf32, #tpu.memory_space<vmem>>, vector<16x256xf32>
    %dot_general3A_271 = arith.constant dense<0.000000e+00> : vector<1000x256xf32>
    %dot_general3A_272 = tpu.matmul %get3A_255, %get3A_270, %dot_general3A_271 {dimension_numbers = #tpu.dot_dimension_numbers<[1], [0], [0], [1], [0, 0, 1, 1], [], []>, transpose_lhs_hint = false} : vector<1000x16xf32>, vector<16x256xf32>, vector<1000x256xf32> -> vector<1000x256xf32>
    %mul3A_273 = arith.mulf %select_n3A_267, %dot_general3A_272 : vector<1000x256xf32>
    %get3A_274 = arith.constant 0 : index
    %get3A_275 = arith.constant 0 : index
    %get3A_276 = vector.load %arg6[%get3A_274, %get3A_275] : memref<256x16xf32, #tpu.memory_space<vmem>>, vector<256x16xf32>
    %dot_general3A_277 = arith.constant dense<0.000000e+00> : vector<1000x16xf32>
    %dot_general3A_278 = tpu.matmul %mul3A_273, %get3A_276, %dot_general3A_277 {dimension_numbers = #tpu.dot_dimension_numbers<[1], [0], [0], [1], [0, 0, 1, 1], [], []>, transpose_lhs_hint = false} : vector<1000x256xf32>, vector<256x16xf32>, vector<1000x16xf32> -> vector<1000x16xf32>
    %swap3A_279 = arith.constant 0 : index
    %swap3A_280 = arith.constant 112 : index
    %swap3A_281 = vector.load %arg7[%swap3A_279, %swap3A_280] : memref<1000x128xf32, #tpu.memory_space<vmem>>, vector<1000x16xf32>
    tpu.vector_store %arg7[%swap3A_279, %swap3A_280], %dot_general3A_278 {strides = array<i32>} : memref<1000x128xf32, #tpu.memory_space<vmem>>, vector<1000x16xf32>,
    return
  }
  func.func @transform_0(%arg0: i32) -> (i32, i32) {
    %c0_i32 = arith.constant 0 : i32
    %c0_i32_0 = arith.constant 0 : i32
    return %arg0, %c0_i32 : i32, i32
  }
  func.func @transform_1(%arg0: i32) -> (i32, i32) {
    %c0_i32 = arith.constant 0 : i32
    %c0_i32_0 = arith.constant 0 : i32
    return %arg0, %c0_i32 : i32, i32
  }
  func.func @transform_2(%arg0: i32) -> (i32, i32) {
    %c0_i32 = arith.constant 0 : i32
    %c0_i32_0 = arith.constant 0 : i32
    %c0_i32_1 = arith.constant 0 : i32
    return %c0_i32, %c0_i32_0 : i32, i32
  }
  func.func @transform_3(%arg0: i32) -> (i32, i32) {
    %c0_i32 = arith.constant 0 : i32
    %c0_i32_0 = arith.constant 0 : i32
    %c0_i32_1 = arith.constant 0 : i32
    return %c0_i32, %c0_i32_0 : i32, i32
  }
  func.func @transform_4(%arg0: i32) -> (i32, i32) {
    %c0_i32 = arith.constant 0 : i32
    %c0_i32_0 = arith.constant 0 : i32
    %c0_i32_1 = arith.constant 0 : i32
    return %c0_i32, %c0_i32_0 : i32, i32
  }
  func.func @transform_5(%arg0: i32) -> (i32, i32) {
    %c0_i32 = arith.constant 0 : i32
    %c0_i32_0 = arith.constant 0 : i32
    %c0_i32_1 = arith.constant 0 : i32
    return %c0_i32, %c0_i32_0 : i32, i32
  }
  func.func @transform_6(%arg0: i32) -> (i32, i32) {
    %c0_i32 = arith.constant 0 : i32
    %c0_i32_0 = arith.constant 0 : i32
    return %arg0, %c0_i32 : i32, i32
  }
}

module attributes {stable_mosaic.version = 14 : i64} {
  func.func @_out_body(%arg0: i32, %arg1: memref<2x2000x16xf32, #tpu.memory_space<vmem>>, %arg2: memref<2000x16xf32, #tpu.memory_space<vmem>>, %arg3: memref<16x16xf32, #tpu.memory_space<vmem>>, %arg4: memref<1x16xf32, #tpu.memory_space<vmem>>, %arg5: memref<16x1xf32, #tpu.memory_space<vmem>>, %arg6: memref<1x1xf32, #tpu.memory_space<vmem>>, %arg7: memref<2000x1xf32, #tpu.memory_space<vmem>>) attributes {dimension_semantics = [#tpu.dimension_semantics<arbitrary>], iteration_bounds = array<i64: 5>, scalar_prefetch = 0 : i64, scratch_operands = 0 : i64, tpu.core_type = #tpu.core_type<tc>, window_params = [{transform_indices = @transform_0, window_bounds = array<i64: 2, 2000, 16>}, {transform_indices = @transform_1, window_bounds = array<i64: 2000, 16>}, {pipeline_mode = #tpu.pipeline_mode<synchronous>, transform_indices = @transform_2, window_bounds = array<i64: 16, 16>}, {pipeline_mode = #tpu.pipeline_mode<synchronous>, transform_indices = @transform_3, window_bounds = array<i64: 1, 16>}, {pipeline_mode = #tpu.pipeline_mode<synchronous>, transform_indices = @transform_4, window_bounds = array<i64: 16, 1>}, {pipeline_mode = #tpu.pipeline_mode<synchronous>, transform_indices = @transform_5, window_bounds = array<i64: 1, 1>}, {transform_indices = @transform_6, window_bounds = array<i64: 2000, 1>}]} {
    %get3A = arith.constant 0 : index
    %get3A_0 = arith.constant 0 : index
    %get3A_1 = arith.constant 0 : index
    %get3A_2 = vector.load %arg1[%get3A, %get3A_0, %get3A_1] : memref<2x2000x16xf32, #tpu.memory_space<vmem>>, vector<1x2000x16xf32>
    %get3A_3 = vector.shape_cast %get3A_2 : vector<1x2000x16xf32> to vector<2000x16xf32>
    %get3A_4 = arith.constant 1 : index
    %get3A_5 = arith.constant 0 : index
    %get3A_6 = arith.constant 0 : index
    %get3A_7 = vector.load %arg1[%get3A_4, %get3A_5, %get3A_6] : memref<2x2000x16xf32, #tpu.memory_space<vmem>>, vector<1x2000x16xf32>
    %get3A_8 = vector.shape_cast %get3A_7 : vector<1x2000x16xf32> to vector<2000x16xf32>
    %add3A = arith.addf %get3A_3, %get3A_8 : vector<2000x16xf32>
    %get3A_9 = arith.constant 0 : index
    %get3A_10 = arith.constant 0 : index
    %get3A_11 = vector.load %arg2[%get3A_9, %get3A_10] : memref<2000x16xf32, #tpu.memory_space<vmem>>, vector<2000x16xf32>
    %get3A_12 = arith.constant 0 : index
    %get3A_13 = arith.constant 0 : index
    %get3A_14 = vector.load %arg3[%get3A_12, %get3A_13] : memref<16x16xf32, #tpu.memory_space<vmem>>, vector<16x16xf32>
    %dot_general3A = arith.constant dense<0.000000e+00> : vector<2000x16xf32>
    %dot_general3A_15 = tpu.matmul %get3A_11, %get3A_14, %dot_general3A {dimension_numbers = #tpu.dot_dimension_numbers<[1], [0], [0], [1], [0, 0, 1, 1], [], []>, transpose_lhs_hint = false} : vector<2000x16xf32>, vector<16x16xf32>, vector<2000x16xf32> -> vector<2000x16xf32>
    %add3A_16 = arith.addf %add3A, %dot_general3A_15 : vector<2000x16xf32>
    %get3A_17 = arith.constant 0 : index
    %get3A_18 = arith.constant 0 : index
    %get3A_19 = vector.load %arg4[%get3A_17, %get3A_18] : memref<1x16xf32, #tpu.memory_space<vmem>>, vector<1x16xf32>
    %add3A_20 = vector.broadcast %get3A_19 : vector<1x16xf32> to vector<2000x16xf32>
    %add3A_21 = arith.addf %add3A_16, %add3A_20 : vector<2000x16xf32>
    %gt3A = arith.constant 0.000000e+00 : f32
    %gt3A_22 = vector.broadcast %gt3A : f32 to vector<2000x16xf32>
    %gt3A_23 = arith.cmpf ogt, %add3A_21, %gt3A_22 : vector<2000x16xf32>
    %mul3A = arith.constant 0.00999999977 : f32
    %mul3A_24 = vector.broadcast %mul3A : f32 to vector<2000x16xf32>
    %mul3A_25 = arith.mulf %mul3A_24, %add3A_21 : vector<2000x16xf32>
    %select_n3A = arith.select %gt3A_23, %add3A_21, %mul3A_25 : vector<2000x16xi1>, vector<2000x16xf32>
    %get3A_26 = arith.constant 0 : index
    %get3A_27 = arith.constant 0 : index
    %get3A_28 = vector.load %arg5[%get3A_26, %get3A_27] : memref<16x1xf32, #tpu.memory_space<vmem>>, vector<16x1xf32>
    %dot_general3A_29 = arith.constant dense<0.000000e+00> : vector<2000x1xf32>
    %dot_general3A_30 = tpu.matmul %select_n3A, %get3A_28, %dot_general3A_29 {dimension_numbers = #tpu.dot_dimension_numbers<[1], [0], [0], [1], [0, 0, 1, 1], [], []>, transpose_lhs_hint = false} : vector<2000x16xf32>, vector<16x1xf32>, vector<2000x1xf32> -> vector<2000x1xf32>
    %get3A_31 = arith.constant 0 : index
    %get3A_32 = arith.constant 0 : index
    %get3A_33 = vector.load %arg6[%get3A_31, %get3A_32] : memref<1x1xf32, #tpu.memory_space<vmem>>, vector<1x1xf32>
    %add3A_34 = vector.broadcast %get3A_33 : vector<1x1xf32> to vector<2000x1xf32>
    %add3A_35 = arith.addf %dot_general3A_30, %add3A_34 : vector<2000x1xf32>
    %swap3A = arith.constant 0 : index
    %swap3A_36 = arith.constant 0 : index
    %swap3A_37 = vector.load %arg7[%swap3A, %swap3A_36] : memref<2000x1xf32, #tpu.memory_space<vmem>>, vector<2000x1xf32>
    tpu.vector_store %arg7[%swap3A, %swap3A_36], %add3A_35 {strides = array<i32>} : memref<2000x1xf32, #tpu.memory_space<vmem>>, vector<2000x1xf32>,
    return
  }
  func.func @transform_0(%arg0: i32) -> (i32, i32, i32) {
    %c0_i32 = arith.constant 0 : i32
    %c0_i32_0 = arith.constant 0 : i32
    %c0_i32_1 = arith.constant 0 : i32
    return %c0_i32, %arg0, %c0_i32_0 : i32, i32, i32
  }
  func.func @transform_1(%arg0: i32) -> (i32, i32) {
    %c0_i32 = arith.constant 0 : i32
    %c0_i32_0 = arith.constant 0 : i32
    return %arg0, %c0_i32 : i32, i32
  }
  func.func @transform_2(%arg0: i32) -> (i32, i32) {
    %c0_i32 = arith.constant 0 : i32
    %c0_i32_0 = arith.constant 0 : i32
    %c0_i32_1 = arith.constant 0 : i32
    return %c0_i32, %c0_i32_0 : i32, i32
  }
  func.func @transform_3(%arg0: i32) -> (i32, i32) {
    %c0_i32 = arith.constant 0 : i32
    %c0_i32_0 = arith.constant 0 : i32
    %c0_i32_1 = arith.constant 0 : i32
    return %c0_i32, %c0_i32_0 : i32, i32
  }
  func.func @transform_4(%arg0: i32) -> (i32, i32) {
    %c0_i32 = arith.constant 0 : i32
    %c0_i32_0 = arith.constant 0 : i32
    %c0_i32_1 = arith.constant 0 : i32
    return %c0_i32, %c0_i32_0 : i32, i32
  }
  func.func @transform_5(%arg0: i32) -> (i32, i32) {
    %c0_i32 = arith.constant 0 : i32
    %c0_i32_0 = arith.constant 0 : i32
    %c0_i32_1 = arith.constant 0 : i32
    return %c0_i32, %c0_i32_0 : i32, i32
  }
  func.func @transform_6(%arg0: i32) -> (i32, i32) {
    %c0_i32 = arith.constant 0 : i32
    %c0_i32_0 = arith.constant 0 : i32
    return %arg0, %c0_i32 : i32, i32
  }
}

</mosaic_0001>

<sc_bundles>
// kernel: kernel.10.cloned.1.call-start
scs
__scs_entry_jumppad:
0x0: {  	(pc) =	sbr.rel $0x88, $3  }
0x1: {  	(tag) =	ssettag $0x0;
	lr =	simm.s32 $0x1  }
0x2: {  	[smem:$0x3F96] =	sst lr;
	_ =	strace $0xD0000000  }
0x3: {  	_ = 	snop  }
0x4: {  	_ = 	snop  }
0x5: {  	_ = 	snop  }
0x6: {  	_ = 	snop  }
0x7: {  	_ = 	snop  }
__scs_overlays_trampoline_lowered:
0x8: {  	[smem:$0x3FA5] =	sst s0  }
0x9: {  	[smem:$0x3FA6] =	sst s1  }
0xa: {  	[smem:$0x3FA7] =	sst s2  }
0xb: {  	[smem:$0x3FA8] =	sst s3  }
0xc: {  	[smem:$0x3FA9] =	sst s4  }
0xd: {  	[smem:$0x3FAA] =	sst s5  }
0xe: {  	[smem:$0x3FAB] =	sst s6  }
0xf: {  	[smem:$0x3FAC] =	sst s7  }
0x10: {  	[smem:$0x3FAD] =	sst s8  }
0x11: {  	[smem:$0x3FAE] =	sst s9;
	s0 =	simm.s32 @!p0 $0x0  }
0x12: {  	s1 =	sld [smem:$0x3F94];
	s0 =	simm.s32 @p0 $0x1  }
0x13: {  	[smem:$0x3FAF] =	sst s0;
	s0 =	simm.s32 @!p1 $0x0  }
0x14: {  	s2 =	sld [smem:$0x3F93];
	s0 =	simm.s32 @p1 $0x1  }
0x15: {  	[smem:$0x3FB0] =	sst s0;
	s0 =	simm.s32 @!p2 $0x0  }
0x16: {  	s3 =	sld [smem:$0x3FDB];
	s0 =	simm.s32 @p2 $0x1  }
0x17: {  	s4 =	simm.s32 $0x1BF5;
	[smem:$0x3FB2] =	sst s0  }
0x18: {  	s0 =	sld [smem:$0x3F95];
	_ =	swait.ge [sflag:s4], $0x0  }
0x19: {  	s7 =	sld [smem:$0x3F96]  }
0x1a: {  	s8 =	sadd.s32 $0xFFFFE003, lr  }
0x1b: {  	s9 =	sadd.s32 $0xFFFFFEF7, lr;
	s5 =	simm.s32 $0xFFFFFFFF;
	p2 =	slt.u32 s8, $0xFFFFF086  }
0x1c: {  	p1 =	slt.u32 s9, $0xF7A;
	s5 =	simm.s32 @!p2 $0x0  }
0x1d: {  	s5 =	simm.s32 @p1 $0x1;
	p0 =	seq.s32 s7, s2  }
0x1e: {  	s7 =	smul.u32 @!p0 $0xF7A, s2;
	p2 =	seq.s32 @!p0 s5, $0x0  }
0x1f: {  	s9 =	smul.u32 $0xF7A, s1;
	s8 =	simm.s32 @!p0 $0x1BF5;
	p2 =	por !p2, p0  }
0x20: {  	[sflag:s8] =	ssyncset.s32 @!p0 $0xFFFFF086;
	s6 =	sadd.s32 @!p0 s3, s7;
	s7 =	simm.s32 @!p0 $0x108  }
0x21: {  	s3 =	sadd.s32 s3, s9;
	s6 =	sadd.s32 @!p0 $0x88, s6;
	s7 =	simm.s32 @p2 $0x1082  }
0x22: {  	[simem:s7], [sflag:s8] =	dma.local @!p0 [hbm:s6], $0xF7A  }
0x23: {  	s9 =	sor.u32 $0xD0000000, s2;
	s6 =	simm.s32 $0x108;
	_ =	swait.ge @!p0 [sflag:s8], $0x0  }
0x24: {  	s3 =	sadd.s32 $0x88, s3;
	s6 =	simm.s32 @!p1 $0x1082;
	[sflag:s4] =	ssyncset.s32 $0xFFFFF086  }
0x25: {  	[simem:s6], [sflag:s4] =	dma.local [hbm:s3], $0xF7A  }
0x26: {  	[smem:$0x3F96] =	sst s1;
	(tag) =	ssettag s2;
	_ =	strace s9  }
0x27: {  	s1 =	sld [smem:$0x3FA6]  }
0x28: {  	s2 =	sld [smem:$0x3FA7]  }
0x29: {  	s4 =	sld [smem:$0x3FA9]  }
0x2a: {  	p0 =	seq.s32 s5, $0x0;
	s5 =	sld [smem:$0x3FAA]  }
0x2b: {  	s6 =	sld [smem:$0x3FAB]  }
0x2c: {  	s7 =	sld [smem:$0x3FAC]  }
0x2d: {  	s3 =	simm.s32 $0x108;
	s8 =	sld [smem:$0x3FAD]  }
0x2e: {  	s3 =	simm.s32 @!p0 $0x1082;
	s9 =	sld [smem:$0x3FAE]  }
0x2f: {  	lr =	sadd.s32 s0, s3;
	s0 =	sld [smem:$0x3FA5]  }
0x30: {  	s3 =	sld [smem:$0x3FA8]  }
0x31: {  	[smem:$0x3FB1] =	sst s10  }
0x32: {  	s10 =	sld [smem:$0x3FAF];
	_ =	sdelay $0x3  }
0x33: {  	p0 =	seq.s32 s10, $0x1;
	s10 =	sld [smem:$0x3FB1];
	_ =	sdelay $0x3  }
0x34: {  	[smem:$0x3FB1] =	sst s10  }
0x35: {  	s10 =	sld [smem:$0x3FB0];
	_ =	sdelay $0x3  }
0x36: {  	p1 =	seq.s32 s10, $0x1;
	s10 =	sld [smem:$0x3FB1];
	_ =	sdelay $0x3  }
0x37: {  	[smem:$0x3FB1] =	sst s10  }
0x38: {  	s10 =	sld [smem:$0x3FB2]  }
0x39: {  	_ = 	snop;
	(pc) =	sbr.ind lr, $3  }
0x3a: {  	_ = 	snop  }
0x3b: {  	_ = 	snop  }
0x3c: {  	p2 =	seq.s32 s10, $0x1;
	s10 =	sld [smem:$0x3FB1]  }
0x3d: {  	_ =	shalt  }
0x3e: {  	_ =	shalt  }
0x3f: {  	_ =	shalt  }
0x40: {  	_ =	shalt  }
0x41: {  	_ =	shalt  }
0x42: {  	_ =	shalt  }
0x43: {  	_ =	shalt  }
0x44: {  	_ =	shalt  }
0x45: {  	_ =	shalt  }
0x46: {  	_ =	shalt  }
0x47: {  	_ =	shalt  }
0x48: {  	_ =	shalt  }
0x49: {  	_ =	shalt  }
0x4a: {  	_ =	shalt  }
0x4b: {  	_ =	shalt  }
0x4c: {  	_ =	shalt  }
0x4d: {  	_ =	shalt  }
0x4e: {  	_ =	shalt  }
0x4f: {  	_ =	shalt  }
0x50: {  	_ =	shalt  }
0x51: {  	_ =	shalt  }
0x52: {  	_ =	shalt  }
0x53: {  	_ =	shalt  }
0x54: {  	_ =	shalt  }
0x55: {  	_ =	shalt  }
0x56: {  	_ =	shalt  }
0x57: {  	_ =	shalt  }
0x58: {  	_ =	shalt  }
0x59: {  	_ =	shalt  }
0x5a: {  	_ =	shalt  }
0x5b: {  	_ =	shalt  }
0x5c: {  	_ =	shalt  }
0x5d: {  	_ =	shalt  }
0x5e: {  	_ =	shalt  }
0x5f: {  	_ =	shalt  }
0x60: {  	_ =	shalt  }
0x61: {  	_ =	shalt  }
0x62: {  	_ =	shalt  }
0x63: {  	_ =	shalt  }
0x64: {  	_ =	shalt  }
0x65: {  	_ =	shalt  }
0x66: {  	_ =	shalt  }
0x67: {  	_ =	shalt  }
0x68: {  	_ =	shalt  }
0x69: {  	_ =	shalt  }
0x6a: {  	_ =	shalt  }
0x6b: {  	_ =	shalt  }
0x6c: {  	_ =	shalt  }
0x6d: {  	_ =	shalt  }
0x6e: {  	_ =	shalt  }
0x6f: {  	_ =	shalt  }
0x70: {  	_ =	shalt  }
0x71: {  	_ =	shalt  }
0x72: {  	_ =	shalt  }
0x73: {  	_ =	shalt  }
0x74: {  	_ =	shalt  }
0x75: {  	_ =	shalt  }
0x76: {  	_ =	shalt  }
0x77: {  	_ =	shalt  }
0x78: {  	_ =	shalt  }
0x79: {  	_ =	shalt  }
0x7a: {  	_ =	shalt  }
0x7b: {  	_ =	shalt  }
0x7c: {  	_ =	shalt  }
0x7d: {  	_ =	shalt  }
0x7e: {  	_ =	shalt  }
0x7f: {  	_ =	shalt  }
0x80: {  	_ =	shalt  }
0x81: {  	_ =	shalt  }
0x82: {  	_ =	shalt  }
0x83: {  	_ =	shalt  }
0x84: {  	_ =	shalt  }
0x85: {  	_ =	shalt  }
0x86: {  	_ =	shalt  }
0x87: {  	_ =	shalt  }
.Lfunc_end0:
.L_simem_size_0:
called_computation.1_lowered:
.L_overlay_start_0:
0x88: {  	s2 =	sld [smem:$0x3FD9]  }
0x89: {  	s3 =	sld [smem:$0x3FFE];
	_ =	sdelay $0x1  }
0x8a: {  	s1 =	srdreg.scid  }
0x8b: {  	s0 =	sand.u32 $0x1, s1  }
0x8c: {  	s16 =	sshll.u32 s0, $0xA;
	s2 =	sadd.s32 s3, s2  }
0x8d: {  	s2 =	sadd.s32 s2, s16  }
0x8e: {  	[smem:$0x3FBD] =	sst s2  }
0x8f: {  	_ = 	snop  }
0x90: {  	(tm) =	ssettm $0x1  }
0x91: {  	s17 =	sld [smem:$0x3FFB];
	_ =	sdelay $0x3  }
0x92: {  	_ =	strace s17  }
0x93: {  	s2 =	sld [smem:$0x3FFC];
	_ =	sdelay $0x3  }
0x94: {  	_ =	strace s2  }
0x95: {  	s2 =	sld [smem:$0x3FFD];
	_ =	sdelay $0x3  }
0x96: {  	_ =	strace s2  }
0x97: {  	_ =	strace $0x8FFFFFFF  }
0x98: {  	s18 =	sld [smem:$0x3FDB];
	_ =	sdelay $0x1  }
0x99: {  	s19 =	simm.s32 $_scs_section_size  }
0x9a: {  	s4 =	simm.s32 $_size__tile_overlayer_lowered;
	s5 =	simm.s32 $_tile_overlayer_lowered  }
0x9b: {  	s22 =	simm.s32 $0x1BFF;
	s21 =	sshll.u32 s5, $0x1;
	s2 =	sadd.s32 s19, s18  }
0x9c: {  	s6 =	simm.s32 $0x0;
	s20 =	sshll.u32 s4, $0x1;
	s4 =	sadd.s32 s21, s2  }
0x9d: {  	[timem:s6], [sflag:s22] =	dma.local [hbm:s4], s20  }
0x9e: {  	_ =	swait.ge [sflag:s22], s20  }
0x9f: {  	s3 =	ssub.s32 $0x0, s20;
	[sflag:s22] =	ssyncset.done $0x0  }
0xa0: {  	[sflag:s22] =	ssyncadd.s32 s3;
	_ =	sdelay $0x1  }
0xa1: {  	s23 =	simm.s32 $0x1B8B  }
0xa2: {  	_ =	swait.ge [sflag:s23], $0x1  }
0xa3: {  	[sflag:s23] =	ssyncset.done $0x0  }
0xa4: {  	s25 =	simm.s32 $0x1B8E;
	s24 =	sld [smem:$0x3FFE];
	[sflag:s23] =	ssyncadd.s32 $0xFFFFFFFF  }
0xa5: {  	s26 =	simm.s32 $execute0_lowered;
	[smem:$0x3FD2] =	sst s25  }
0xa6: {  	s4 =	sshll.u32 s26, $0x1;
	_ =	strace $0x80000049;
	[dreg:$0x1] =	wrdreg $0xFFFFFFFF  }
0xa7: {  	s28 =	simm.s32 $_size_execute0_lowered;
	s2 =	sadd.s32 s2, s4;
	[dreg:$0x0] =	wrdreg $0x0  }
0xa8: {  	s4 =	sshll.u32 s28, $0x1;
	[dreg:$0x2] =	wrdreg s2  }
0xa9: {  	[dreg:$0x3] =	wrdreg s4  }
0xaa: {  	[dreg:$0x4] =	wrdreg $0xC0  }
0xab: {  	_ =	task [dreg:s6], $0x5FFFF  }
0xac: {  	[dreg:$0x1] =	wrdreg $0xFFFFFFFF  }
0xad: {  	[dreg:$0x0] =	wrdreg $0x60  }
0xae: {  	[dreg:$0x2] =	wrdreg s24  }
0xaf: {  	[dreg:$0x3] =	wrdreg $0x66800  }
0xb0: {  	[dreg:$0x4] =	wrdreg $0x9  }
0xb1: {  	_ =	task.clear_ibuf [dreg:s6], $0x5FFFF;
	_ =	strace $0x90000049  }
0xb2: {  	s29 =	simm.s32 $0x9;
	_ =	strace $0x8000004B  }
0xb3: {  	_ =	swait.ge [sflag:s29], $0x1  }
0xb4: {  	[sflag:s29] =	ssyncadd.s32 $0xFFFFFFFF  }
0xb5: {  	_ =	strace $0x9000004B  }
0xb6: {  	_ =	sfence  }
0xb7: {  	s30 =	sld [smem:$0x0];
	_ =	sdelay $0x2  }
0xb8: {  	s31 =	sshll.u32 s1, $0xD;
	s1 =	sshrl.u32 s1, $0x2  }
0xb9: {  	s3 =	sand.u32 $0x4000, s31;
	s1 =	sadd.s32 s1, s30  }
0xba: {  	s0 =	sor.u32 s3, s0;
	s1 =	sshll.u32 s1, $0x11  }
0xbb: {  	s0 =	sor.u32 s1, s0  }
0xbc: {  	s0 =	sadd.s32 $0x8F2B, s0  }
0xbd: {  	[sflag:s0] =	ssyncadd.remote.s32 $0x1  }
0xbe: {  	_ =	sfence.sel $0xFFFF  }
0xbf: {  	[dreg:$0x0] =	wrdreg $0xFFFFFFFF;
	(pc) =	sbr.abs _section_cstart, $3  }
0xc0: {  	[dreg:$0x1] =	wrdreg $0xFFFFFFFF  }
0xc1: {  	_ =	task.clear_ibuf [dreg:s6], $0x2FFFF;
	_ =	strace $0x9FFFFFFF  }
0xc2: {  	(tm) =	ssettm $0x7FFFFFFF  }
0xc3: {  	_ =	shalt  }
tec
execute0_lowered:
.L_overlay_start_1:
0x0: {  	(tag) =	ssettag $0x1  }
0x1: {  	s0 =	srdreg.scid  }
0x2: {  	s13 =	stileid.u32;
	s4 =	rddreg [dreg:$0x0]  }
0x3: {  	s2 =	rddreg [dreg:$0x1];
	s3 =	simm.s32 $0x0;
	s14 =	simm.s32 $0x37A0  }
0x4: {  	s15 =	simm.s32 $0x3F70;
	s28 =	simm.s32 $0x7;
	s6 =	smul.u32 $0x2710, s13  }
0x5: {  	s29 =	simm.s32 $0x8;
	s30 =	simm.s32 $0x9;
	s8 =	smul.u32 $0x9C40, s13  }
0x6: {  	s31 =	simm.s32 $0x0;
	s0 =	sand.u32 $0x1, s0;
	s9 =	smul.u32 $0x4E20, s13  }
0x7: {  	s1 =	sshll.u32 s13, $0x1;
	[smem:$0x7FF] =	sst s3;
	s7 =	smul.u32 $0x27100, s0  }
0x8: {  	s5 =	sadd.s32 $0x1E00, s4;
	s26 =	sshll.u32 s13, $0x6;
	s10 =	smul.u32 $0x2710, s0  }
0x9: {  	s13 =	simm.s32 $0x2FD0;
	s1 =	sor.u32 s0, s1;
	s12 =	smul.u32 $0x4E20, s0  }
0xa: {  	_ =	strace $0x8000004A;
	s0 =	ssub.s32 $0x2, s0;
	s1 =	smul.u32 $0x500, s1  }
0xb: {  	s11 =	sshrl.u32 s6, $0x3;
	s17 =	sshrl.u32 s0, $0x1;
	s7 =	sadd.s32 s6, s7  }
0xc: {  	s11 =	sadd.s32 s11, s4;
	s16 =	sadd.s32 s10, s9;
	s8 =	sadd.s32 s12, s8  }
0xd: {  	s0 =	ssub.s32 s0, s17;
	[dreg:$0x3] =	wrdreg s8;
	s22 =	sadd.s32 $0x9E200, s11  }
0xe: {  	s9 =	sshll.u32 s16, $0x1;
	s0 =	smax.u32 s0, $0x1;
	[dreg:$0xc] =	wrdreg s22  }
0xf: {  	s1 =	sadd.s32 s1, s4;
	s18 =	sadd.s32 $0x6D6, s9;
	[dreg:$0xe] =	wrdreg s0  }
0x10: {  	s6 =	sadd.s32 s6, s2;
	s1 =	sadd.s32 $0x170800, s1;
	[dreg:$0x4] =	wrdreg s18  }
0x11: {  	s12 =	simm.s32 $0x2800;
	s19 =	sadd.s32 $0x5DC, s9;
	[dreg:$0xb] =	wrdreg s1  }
0x12: {  	s17 =	simm.s32 $0x4F10;
	s20 =	sadd.s32 $0x4E2, s9;
	[dreg:$0x5] =	wrdreg s19  }
0x13: {  	s7 =	sshrl.u32 s7, $0x3;
	s21 =	sadd.s32 $0x3E8, s9;
	[dreg:$0x6] =	wrdreg s20  }
0x14: {  	s16 =	simm.s32 $0x4740;
	s23 =	sadd.s32 $0x2EE, s9;
	[dreg:$0x7] =	wrdreg s21  }
0x15: {  	s4 =	sadd.s32 s7, s4;
	s24 =	sadd.s32 $0x1F4, s9;
	[dreg:$0x8] =	wrdreg s23  }
0x16: {  	s25 =	sadd.s32 $0xFA, s9;
	s9 =	simm.s32 $0xA;
	[dreg:$0x9] =	wrdreg s24  }
0x17: {  	s22 =	simm.s32 $0x2;
	s4 =	sadd.s32 $0xA3200, s4;
	[dreg:$0xa] =	wrdreg s25  }
0x18: {  	s1 =	sor.u32 $0x1C0A, s26;
	s18 =	simm.s32 $0x56E0;
	s19 =	simm.s32 $0x5EB0  }
0x19: {  	s20 =	simm.s32 $0x1;
	s21 =	simm.s32 $0x7D;
	s23 =	simm.s32 $0x3  }
0x1a: {  	s24 =	simm.s32 $0x4;
	[dreg:$0xd] =	wrdreg s4;
	s4 =	sshrl.u32 s6, $0x3  }
0x1b: {  	s25 =	simm.s32 $0x5;
	s26 =	simm.s32 $0x6;
	[dreg:$0xf] =	wrdreg s4  }
.LBB2_1:
0x1c: {  	s0 =	rddreg [dreg:$0xb]  }
0x1d: {  	[tilespmem:s3], [sflag:$0xA] =	stream.linear.gather [hbm4b:s0+s3], $0x2800, $0x38;
	[tilespmem:$0x8D90] =	vst v63  }
0x1e: {  	_ =	swait.ge [sflag:s9], $0x2800  }
0x1f: {  	[sflag:s9] =	ssyncset.done $0x0  }
0x20: {  	s10 =	rddreg [dreg:$0xc];
	[sflag:s9] =	ssyncadd.s32 $0xFFFFD800  }
0x21: {  	[spmem:s4], [sflag:s1] =	dma.local [hbm:s10], $0x4E2  }
0x22: {  	_ =	swait.ge [sflag:s9], $0x4E2  }
0x23: {  	[sflag:s9] =	ssyncset.done $0x0  }
0x24: {  	[sflag:s9] =	ssyncadd.s32 $0xFFFFFB1E  }
0x25: {  	[bflag:$0x0] =	sbarrier.arrive $0xFFFF  }
0x26: {  	s4 =	rddreg [dreg:$0x3]  }
0x27: {  	s6 =	rddreg [dreg:$0xa];
	s0 =	sadd.s32 s5, s4  }
0x28: {  	[tilespmem:s12], [sflag:$0x1] =	stream.linear.gather [hbm4b:s0+s3], $0x7D0, $0x38;
	[tilespmem:$0x8D90] =	vst v63  }
0x29: {  	s7 =	rddreg [dreg:$0x9];
	s8 =	sadd.s32 s5, s6  }
0x2a: {  	[tilespmem:s13], [sflag:$0x2] =	stream.linear.gather [hbm4b:s8+s3], $0x7D0, $0x38;
	[tilespmem:$0x8D90] =	vst v63  }
0x2b: {  	s10 =	rddreg [dreg:$0x8];
	s6 =	sadd.s32 s5, s7  }
0x2c: {  	[tilespmem:s14], [sflag:$0x3] =	stream.linear.gather [hbm4b:s6+s3], $0x7D0, $0x38;
	[tilespmem:$0x8D90] =	vst v63  }
0x2d: {  	s7 =	rddreg [dreg:$0x7];
	s8 =	sadd.s32 s5, s10  }
0x2e: {  	[tilespmem:s15], [sflag:$0x4] =	stream.linear.gather [hbm4b:s8+s3], $0x7D0, $0x38;
	[tilespmem:$0x8D90] =	vst v63  }
0x2f: {  	s10 =	rddreg [dreg:$0x6];
	s6 =	sadd.s32 s5, s7  }
0x30: {  	[tilespmem:s16], [sflag:$0x5] =	stream.linear.gather [hbm4b:s6+s3], $0x7D0, $0x38;
	[tilespmem:$0x8D90] =	vst v63  }
0x31: {  	s7 =	rddreg [dreg:$0x5];
	s8 =	sadd.s32 s5, s10  }
0x32: {  	[tilespmem:s17], [sflag:$0x6] =	stream.linear.gather [hbm4b:s8+s3], $0x7D0, $0x38;
	[tilespmem:$0x8D90] =	vst v63  }
0x33: {  	s10 =	rddreg [dreg:$0x4];
	s6 =	sadd.s32 s5, s7  }
0x34: {  	[tilespmem:s18], [sflag:$0x7] =	stream.linear.gather [hbm4b:s6+s3], $0x7D0, $0x38;
	[tilespmem:$0x8D90] =	vst v63  }
0x35: {  	s7 =	sadd.s32 s5, s10  }
0x36: {  	[tilespmem:s19], [sflag:$0x8] =	stream.linear.gather [hbm4b:s7+s3], $0x7D0, $0x38;
	[tilespmem:$0x8D90] =	vst v63  }
0x37: {  	_ =	swait.ge [sflag:s20], $0x7D0  }
0x38: {  	[sflag:s20] =	ssyncset.done $0x0  }
0x39: {  	s8 =	simm.s32 $0x0;
	[sflag:s20] =	ssyncadd.s32 $0xFFFFF830  }
0x3a: {  	[spmem:s2] =	stream.indirect.scatter.add.f32 [tilespmem:s12], [sflag:$0x9], $0x10, s8, s21, $0xb8;
	[tilespmem:$0x8D90] =	vst v63  }
0x3b: {  	_ =	swait.ge [sflag:s22], $0x7D0  }
0x3c: {  	[sflag:s22] =	ssyncset.done $0x0  }
0x3d: {  	s10 =	simm.s32 $0x80;
	[sflag:s22] =	ssyncadd.s32 $0xFFFFF830  }
0x3e: {  	[spmem:s2] =	stream.indirect.scatter.add.f32 [tilespmem:s13], [sflag:$0x9], $0x10, s10, s21, $0xb8;
	[tilespmem:$0x8D90] =	vst v63  }
0x3f: {  	_ =	swait.ge [sflag:s23], $0x7D0  }
0x40: {  	[sflag:s23] =	ssyncset.done $0x0  }
0x41: {  	s11 =	smov.u32 s1;
	s1 =	simm.s32 $0x100;
	[sflag:s23] =	ssyncadd.s32 $0xFFFFF830  }
0x42: {  	[spmem:s2] =	stream.indirect.scatter.add.f32 [tilespmem:s14], [sflag:$0x9], $0x10, s1, s21, $0xb8;
	[tilespmem:$0x8D90] =	vst v63  }
0x43: {  	_ =	swait.ge [sflag:s24], $0x7D0  }
0x44: {  	[sflag:s24] =	ssyncset.done $0x0  }
0x45: {  	s4 =	simm.s32 $0x180;
	[sflag:s24] =	ssyncadd.s32 $0xFFFFF830  }
0x46: {  	[spmem:s2] =	stream.indirect.scatter.add.f32 [tilespmem:s15], [sflag:$0x9], $0x10, s4, s21, $0xb8;
	[tilespmem:$0x8D90] =	vst v63  }
0x47: {  	_ =	swait.ge [sflag:s25], $0x7D0  }
0x48: {  	[sflag:s25] =	ssyncset.done $0x0  }
0x49: {  	s6 =	simm.s32 $0x200;
	[sflag:s25] =	ssyncadd.s32 $0xFFFFF830  }
0x4a: {  	[spmem:s2] =	stream.indirect.scatter.add.f32 [tilespmem:s16], [sflag:$0x9], $0x10, s6, s21, $0xb8;
	[tilespmem:$0x8D90] =	vst v63  }
0x4b: {  	_ =	swait.ge [sflag:s26], $0x7D0  }
0x4c: {  	[sflag:s26] =	ssyncset.done $0x0  }
0x4d: {  	s7 =	simm.s32 $0x280;
	[sflag:s26] =	ssyncadd.s32 $0xFFFFF830  }
0x4e: {  	[spmem:s2] =	stream.indirect.scatter.add.f32 [tilespmem:s17], [sflag:$0x9], $0x10, s7, s21, $0xb8;
	[tilespmem:$0x8D90] =	vst v63  }
0x4f: {  	_ =	swait.ge [sflag:s28], $0x7D0  }
0x50: {  	[sflag:s28] =	ssyncset.done $0x0  }
0x51: {  	s8 =	simm.s32 $0x300;
	[sflag:s28] =	ssyncadd.s32 $0xFFFFF830  }
0x52: {  	[spmem:s2] =	stream.indirect.scatter.add.f32 [tilespmem:s18], [sflag:$0x9], $0x10, s8, s21, $0xb8;
	[tilespmem:$0x8D90] =	vst v63  }
0x53: {  	_ =	swait.ge [sflag:s29], $0x7D0  }
0x54: {  	[sflag:s29] =	ssyncset.done $0x0  }
0x55: {  	s10 =	simm.s32 $0x380;
	[sflag:s29] =	ssyncadd.s32 $0xFFFFF830  }
0x56: {  	[spmem:s2] =	stream.indirect.scatter.add.f32 [tilespmem:s19], [sflag:$0x9], $0x10, s10, s21, $0xb8;
	[tilespmem:$0x8D90] =	vst v63  }
0x57: {  	_ =	swait.ge [sflag:s30], $0x7D0  }
0x58: {  	[sflag:s30] =	ssyncset.done $0x0  }
0x59: {  	[sflag:s30] =	ssyncadd.s32 $0xFFFFF830  }
0x5a: {  	_ =	swait.ge [sflag:s30], $0x7D0  }
0x5b: {  	[sflag:s30] =	ssyncset.done $0x0  }
0x5c: {  	[sflag:s30] =	ssyncadd.s32 $0xFFFFF830  }
0x5d: {  	_ =	swait.ge [sflag:s30], $0x7D0  }
0x5e: {  	[sflag:s30] =	ssyncset.done $0x0  }
0x5f: {  	[sflag:s30] =	ssyncadd.s32 $0xFFFFF830  }
0x60: {  	_ =	swait.ge [sflag:s30], $0x7D0  }
0x61: {  	[sflag:s30] =	ssyncset.done $0x0  }
0x62: {  	[sflag:s30] =	ssyncadd.s32 $0xFFFFF830  }
0x63: {  	_ =	swait.ge [sflag:s30], $0x7D0  }
0x64: {  	[sflag:s30] =	ssyncset.done $0x0  }
0x65: {  	[sflag:s30] =	ssyncadd.s32 $0xFFFFF830  }
0x66: {  	_ =	swait.ge [sflag:s30], $0x7D0  }
0x67: {  	[sflag:s30] =	ssyncset.done $0x0  }
0x68: {  	[sflag:s30] =	ssyncadd.s32 $0xFFFFF830  }
0x69: {  	_ =	swait.ge [sflag:s30], $0x7D0  }
0x6a: {  	[sflag:s30] =	ssyncset.done $0x0  }
0x6b: {  	[sflag:s30] =	ssyncadd.s32 $0xFFFFF830  }
0x6c: {  	s0 =	simm.s32 $0x2000;
	s1 =	simm.s32 $0x1000;
	_ =	swait.ge [sflag:s30], $0x7D0  }
0x6d: {  	s4 =	smov.u32 s5;
	s6 =	rddreg [dreg:$0x3];
	[sflag:s30] =	ssyncset.done $0x0  }
.LBB2_2:
0x6e: {  	s4 =	sadd.s32 $0x7D0, s4  }
0x6f: {  	[sflag:s30] =	ssyncadd.s32 $0xFFFFF830;
	s7 =	rddreg [dreg:$0xa];
	s6 =	sadd.s32 s4, s6  }
0x70: {  	[tilespmem:s12], [sflag:$0x1] =	stream.linear.gather [hbm4b:s6+s3], $0x7D0, $0x38;
	[tilespmem:$0x8D90] =	vst v63  }
0x71: {  	s10 =	rddreg [dreg:$0x9];
	s6 =	sadd.s32 s4, s7  }
0x72: {  	[tilespmem:s13], [sflag:$0x2] =	stream.linear.gather [hbm4b:s6+s3], $0x7D0, $0x38;
	[tilespmem:$0x8D90] =	vst v63  }
0x73: {  	s7 =	rddreg [dreg:$0x8];
	s6 =	sadd.s32 s4, s10  }
0x74: {  	[tilespmem:s14], [sflag:$0x3] =	stream.linear.gather [hbm4b:s6+s3], $0x7D0, $0x38;
	[tilespmem:$0x8D90] =	vst v63  }
0x75: {  	s10 =	rddreg [dreg:$0x7];
	s6 =	sadd.s32 s4, s7  }
0x76: {  	[tilespmem:s15], [sflag:$0x4] =	stream.linear.gather [hbm4b:s6+s3], $0x7D0, $0x38;
	[tilespmem:$0x8D90] =	vst v63  }
0x77: {  	s7 =	rddreg [dreg:$0x6];
	s6 =	sadd.s32 s4, s10  }
0x78: {  	[tilespmem:s16], [sflag:$0x5] =	stream.linear.gather [hbm4b:s6+s3], $0x7D0, $0x38;
	[tilespmem:$0x8D90] =	vst v63  }
0x79: {  	s10 =	rddreg [dreg:$0x5];
	s6 =	sadd.s32 s4, s7  }
0x7a: {  	[tilespmem:s17], [sflag:$0x6] =	stream.linear.gather [hbm4b:s6+s3], $0x7D0, $0x38;
	[tilespmem:$0x8D90] =	vst v63  }
0x7b: {  	s10 =	sadd.s32 s4, s10;
	s7 =	rddreg [dreg:$0x4]  }
0x7c: {  	[tilespmem:s18], [sflag:$0x7] =	stream.linear.gather [hbm4b:s10+s3], $0x7D0, $0x38;
	[tilespmem:$0x8D90] =	vst v63  }
0x7d: {  	s7 =	sadd.s32 s4, s7  }
0x7e: {  	[tilespmem:s19], [sflag:$0x8] =	stream.linear.gather [hbm4b:s7+s3], $0x7D0, $0x38;
	[tilespmem:$0x8D90] =	vst v63  }
0x7f: {  	_ =	swait.ge [sflag:s20], $0x7D0  }
0x80: {  	[sflag:s20] =	ssyncset.done $0x0  }
0x81: {  	s6 =	sshra.s32 s1, $0x2;
	[sflag:s20] =	ssyncadd.s32 $0xFFFFF830  }
0x82: {  	[spmem:s2] =	stream.indirect.scatter.add.f32 [tilespmem:s12], [sflag:$0x9], $0x10, s6, s21, $0xb8;
	[tilespmem:$0x8D90] =	vst v63  }
0x83: {  	_ =	swait.ge [sflag:s22], $0x7D0  }
0x84: {  	s8 =	smov.u32 s0;
	[sflag:s22] =	ssyncset.done $0x0  }
0x85: {  	s1 =	smov.u32 s8;
	s8 =	sadd.s32 $0x80, s6;
	[sflag:s22] =	ssyncadd.s32 $0xFFFFF830  }
0x86: {  	[spmem:s2] =	stream.indirect.scatter.add.f32 [tilespmem:s13], [sflag:$0x9], $0x10, s8, s21, $0xb8;
	[tilespmem:$0x8D90] =	vst v63  }
0x87: {  	_ =	swait.ge [sflag:s23], $0x7D0  }
0x88: {  	[sflag:s23] =	ssyncset.done $0x0  }
0x89: {  	s10 =	sadd.s32 $0x100, s6;
	[sflag:s23] =	ssyncadd.s32 $0xFFFFF830  }
0x8a: {  	[spmem:s2] =	stream.indirect.scatter.add.f32 [tilespmem:s14], [sflag:$0x9], $0x10, s10, s21, $0xb8;
	[tilespmem:$0x8D90] =	vst v63  }
0x8b: {  	_ =	swait.ge [sflag:s24], $0x7D0  }
0x8c: {  	[sflag:s24] =	ssyncset.done $0x0  }
0x8d: {  	s8 =	sadd.s32 $0x180, s6;
	[sflag:s24] =	ssyncadd.s32 $0xFFFFF830  }
0x8e: {  	[spmem:s2] =	stream.indirect.scatter.add.f32 [tilespmem:s15], [sflag:$0x9], $0x10, s8, s21, $0xb8;
	[tilespmem:$0x8D90] =	vst v63  }
0x8f: {  	_ =	swait.ge [sflag:s25], $0x7D0  }
0x90: {  	[sflag:s25] =	ssyncset.done $0x0  }
0x91: {  	s10 =	sadd.s32 $0x200, s6;
	[sflag:s25] =	ssyncadd.s32 $0xFFFFF830  }
0x92: {  	[spmem:s2] =	stream.indirect.scatter.add.f32 [tilespmem:s16], [sflag:$0x9], $0x10, s10, s21, $0xb8;
	[tilespmem:$0x8D90] =	vst v63  }
0x93: {  	_ =	swait.ge [sflag:s26], $0x7D0  }
0x94: {  	[sflag:s26] =	ssyncset.done $0x0  }
0x95: {  	s8 =	sadd.s32 $0x280, s6;
	[sflag:s26] =	ssyncadd.s32 $0xFFFFF830  }
0x96: {  	[spmem:s2] =	stream.indirect.scatter.add.f32 [tilespmem:s17], [sflag:$0x9], $0x10, s8, s21, $0xb8;
	[tilespmem:$0x8D90] =	vst v63  }
0x97: {  	_ =	swait.ge [sflag:s28], $0x7D0  }
0x98: {  	[sflag:s28] =	ssyncset.done $0x0  }
0x99: {  	s10 =	sadd.s32 $0x300, s6;
	[sflag:s28] =	ssyncadd.s32 $0xFFFFF830  }
0x9a: {  	[spmem:s2] =	stream.indirect.scatter.add.f32 [tilespmem:s18], [sflag:$0x9], $0x10, s10, s21, $0xb8;
	[tilespmem:$0x8D90] =	vst v63  }
0x9b: {  	_ =	swait.ge [sflag:s29], $0x7D0  }
0x9c: {  	[sflag:s29] =	ssyncset.done $0x0  }
0x9d: {  	s6 =	sadd.s32 $0x380, s6;
	[sflag:s29] =	ssyncadd.s32 $0xFFFFF830  }
0x9e: {  	[spmem:s2] =	stream.indirect.scatter.add.f32 [tilespmem:s19], [sflag:$0x9], $0x10, s6, s21, $0xb8;
	[tilespmem:$0x8D90] =	vst v63  }
0x9f: {  	_ =	swait.ge [sflag:s30], $0x7D0  }
0xa0: {  	[sflag:s30] =	ssyncset.done $0x0  }
0xa1: {  	[sflag:s30] =	ssyncadd.s32 $0xFFFFF830  }
0xa2: {  	_ =	swait.ge [sflag:s30], $0x7D0  }
0xa3: {  	[sflag:s30] =	ssyncset.done $0x0  }
0xa4: {  	[sflag:s30] =	ssyncadd.s32 $0xFFFFF830  }
0xa5: {  	_ =	swait.ge [sflag:s30], $0x7D0  }
0xa6: {  	[sflag:s30] =	ssyncset.done $0x0  }
0xa7: {  	[sflag:s30] =	ssyncadd.s32 $0xFFFFF830  }
0xa8: {  	_ =	swait.ge [sflag:s30], $0x7D0  }
0xa9: {  	[sflag:s30] =	ssyncset.done $0x0  }
0xaa: {  	[sflag:s30] =	ssyncadd.s32 $0xFFFFF830  }
0xab: {  	_ =	swait.ge [sflag:s30], $0x7D0  }
0xac: {  	[sflag:s30] =	ssyncset.done $0x0  }
0xad: {  	[sflag:s30] =	ssyncadd.s32 $0xFFFFF830  }
0xae: {  	_ =	swait.ge [sflag:s30], $0x7D0  }
0xaf: {  	[sflag:s30] =	ssyncset.done $0x0  }
0xb0: {  	p0 =	sne.s32 s0, $0x9000;
	[sflag:s30] =	ssyncadd.s32 $0xFFFFF830  }
.Ltmp0:
0xb1: {  	_ =	swait.ge [sflag:s30], $0x7D0;
	(pc) =	sbr.rel @p0 .LBB2_2-.Ltmp0, $4  }
0xb2: {  	[sflag:s30] =	ssyncset.done $0x0  }
0xb3: {  	[sflag:s30] =	ssyncadd.s32 $0xFFFFF830  }
0xb4: {  	_ =	swait.ge [sflag:s30], $0x7D0  }
0xb5: {  	s0 =	sadd.s32 $0x1000, s0;
	s6 =	rddreg [dreg:$0x3];
	[sflag:s30] =	ssyncset.done $0x0  }
0xb6: {  	s0 =	sadd.s32 $0x7D0, s4  }
0xb7: {  	s8 =	rddreg [dreg:$0xa];
	[sflag:s30] =	ssyncadd.s32 $0xFFFFF830;
	s6 =	sadd.s32 s0, s6  }
0xb8: {  	[tilespmem:s12], [sflag:$0x1] =	stream.linear.gather [hbm4b:s6+s3], $0x7D0, $0x38;
	[tilespmem:$0x8D90] =	vst v63  }
0xb9: {  	s10 =	rddreg [dreg:$0x9];
	s4 =	sadd.s32 s0, s8  }
0xba: {  	[tilespmem:s13], [sflag:$0x2] =	stream.linear.gather [hbm4b:s4+s3], $0x7D0, $0x38;
	[tilespmem:$0x8D90] =	vst v63  }
0xbb: {  	s7 =	rddreg [dreg:$0x8];
	s6 =	sadd.s32 s0, s10  }
0xbc: {  	[tilespmem:s14], [sflag:$0x3] =	stream.linear.gather [hbm4b:s6+s3], $0x7D0, $0x38;
	[tilespmem:$0x8D90] =	vst v63  }
0xbd: {  	s8 =	rddreg [dreg:$0x7];
	s4 =	sadd.s32 s0, s7  }
0xbe: {  	[tilespmem:s15], [sflag:$0x4] =	stream.linear.gather [hbm4b:s4+s3], $0x7D0, $0x38;
	[tilespmem:$0x8D90] =	vst v63  }
0xbf: {  	s10 =	rddreg [dreg:$0x6];
	s6 =	sadd.s32 s0, s8  }
0xc0: {  	[tilespmem:s16], [sflag:$0x5] =	stream.linear.gather [hbm4b:s6+s3], $0x7D0, $0x38;
	[tilespmem:$0x8D90] =	vst v63  }
0xc1: {  	s7 =	rddreg [dreg:$0x5];
	s4 =	sadd.s32 s0, s10  }
0xc2: {  	[tilespmem:s17], [sflag:$0x6] =	stream.linear.gather [hbm4b:s4+s3], $0x7D0, $0x38;
	[tilespmem:$0x8D90] =	vst v63  }
0xc3: {  	s8 =	rddreg [dreg:$0x4];
	s6 =	sadd.s32 s0, s7  }
0xc4: {  	[tilespmem:s18], [sflag:$0x7] =	stream.linear.gather [hbm4b:s6+s3], $0x7D0, $0x38;
	[tilespmem:$0x8D90] =	vst v63  }
0xc5: {  	s0 =	sadd.s32 s0, s8  }
0xc6: {  	[tilespmem:s19], [sflag:$0x8] =	stream.linear.gather [hbm4b:s0+s3], $0x7D0, $0x38;
	[tilespmem:$0x8D90] =	vst v63  }
0xc7: {  	_ =	swait.ge [sflag:s20], $0x7D0  }
0xc8: {  	[sflag:s20] =	ssyncset.done $0x0  }
0xc9: {  	s0 =	sshra.s32 s1, $0x2;
	[sflag:s20] =	ssyncadd.s32 $0xFFFFF830  }
0xca: {  	[spmem:s2] =	stream.indirect.scatter.add.f32 [tilespmem:s12], [sflag:$0x9], $0x10, s0, s21, $0xb8;
	[tilespmem:$0x8D90] =	vst v63  }
0xcb: {  	_ =	swait.ge [sflag:s22], $0x7D0  }
0xcc: {  	[sflag:s22] =	ssyncset.done $0x0  }
0xcd: {  	s1 =	sadd.s32 $0x80, s0;
	[sflag:s22] =	ssyncadd.s32 $0xFFFFF830  }
0xce: {  	[spmem:s2] =	stream.indirect.scatter.add.f32 [tilespmem:s13], [sflag:$0x9], $0x10, s1, s21, $0xb8;
	[tilespmem:$0x8D90] =	vst v63  }
0xcf: {  	_ =	swait.ge [sflag:s23], $0x7D0  }
0xd0: {  	[sflag:s23] =	ssyncset.done $0x0  }
0xd1: {  	s10 =	sadd.s32 $0x100, s0;
	[sflag:s23] =	ssyncadd.s32 $0xFFFFF830  }
0xd2: {  	[spmem:s2] =	stream.indirect.scatter.add.f32 [tilespmem:s14], [sflag:$0x9], $0x10, s10, s21, $0xb8;
	[tilespmem:$0x8D90] =	vst v63  }
0xd3: {  	_ =	swait.ge [sflag:s24], $0x7D0  }
0xd4: {  	[sflag:s24] =	ssyncset.done $0x0  }
0xd5: {  	s4 =	sadd.s32 $0x180, s0;
	[sflag:s24] =	ssyncadd.s32 $0xFFFFF830  }
0xd6: {  	[spmem:s2] =	stream.indirect.scatter.add.f32 [tilespmem:s15], [sflag:$0x9], $0x10, s4, s21, $0xb8;
	[tilespmem:$0x8D90] =	vst v63  }
0xd7: {  	_ =	swait.ge [sflag:s25], $0x7D0  }
0xd8: {  	[sflag:s25] =	ssyncset.done $0x0  }
0xd9: {  	s6 =	sadd.s32 $0x200, s0;
	[sflag:s25] =	ssyncadd.s32 $0xFFFFF830  }
0xda: {  	[spmem:s2] =	stream.indirect.scatter.add.f32 [tilespmem:s16], [sflag:$0x9], $0x10, s6, s21, $0xb8;
	[tilespmem:$0x8D90] =	vst v63  }
0xdb: {  	_ =	swait.ge [sflag:s26], $0x7D0  }
0xdc: {  	[sflag:s26] =	ssyncset.done $0x0  }
0xdd: {  	s7 =	sadd.s32 $0x280, s0;
	[sflag:s26] =	ssyncadd.s32 $0xFFFFF830  }
0xde: {  	[spmem:s2] =	stream.indirect.scatter.add.f32 [tilespmem:s17], [sflag:$0x9], $0x10, s7, s21, $0xb8;
	[tilespmem:$0x8D90] =	vst v63  }
0xdf: {  	_ =	swait.ge [sflag:s28], $0x7D0  }
0xe0: {  	[sflag:s28] =	ssyncset.done $0x0  }
0xe1: {  	s8 =	sadd.s32 $0x300, s0;
	[sflag:s28] =	ssyncadd.s32 $0xFFFFF830  }
0xe2: {  	[spmem:s2] =	stream.indirect.scatter.add.f32 [tilespmem:s18], [sflag:$0x9], $0x10, s8, s21, $0xb8;
	[tilespmem:$0x8D90] =	vst v63  }
0xe3: {  	_ =	swait.ge [sflag:s29], $0x7D0  }
0xe4: {  	[sflag:s29] =	ssyncset.done $0x0  }
0xe5: {  	s0 =	sadd.s32 $0x380, s0;
	[sflag:s29] =	ssyncadd.s32 $0xFFFFF830  }
0xe6: {  	[spmem:s2] =	stream.indirect.scatter.add.f32 [tilespmem:s19], [sflag:$0x9], $0x10, s0, s21, $0xb8;
	[tilespmem:$0x8D90] =	vst v63  }
0xe7: {  	_ =	swait.ge [sflag:s30], $0x7D0  }
0xe8: {  	[sflag:s30] =	ssyncset.done $0x0  }
0xe9: {  	[sflag:s30] =	ssyncadd.s32 $0xFFFFF830  }
0xea: {  	_ =	swait.ge [sflag:s30], $0x7D0  }
0xeb: {  	[sflag:s30] =	ssyncset.done $0x0  }
0xec: {  	[sflag:s30] =	ssyncadd.s32 $0xFFFFF830  }
0xed: {  	_ =	swait.ge [sflag:s30], $0x7D0  }
0xee: {  	[sflag:s30] =	ssyncset.done $0x0  }
0xef: {  	[sflag:s30] =	ssyncadd.s32 $0xFFFFF830  }
0xf0: {  	_ =	swait.ge [sflag:s30], $0x7D0  }
0xf1: {  	[sflag:s30] =	ssyncset.done $0x0  }
0xf2: {  	[sflag:s30] =	ssyncadd.s32 $0xFFFFF830  }
0xf3: {  	_ =	swait.ge [sflag:s30], $0x7D0  }
0xf4: {  	[sflag:s30] =	ssyncset.done $0x0  }
0xf5: {  	[sflag:s30] =	ssyncadd.s32 $0xFFFFF830  }
0xf6: {  	_ =	swait.ge [sflag:s30], $0x7D0  }
0xf7: {  	[sflag:s30] =	ssyncset.done $0x0  }
0xf8: {  	[sflag:s30] =	ssyncadd.s32 $0xFFFFF830  }
0xf9: {  	_ =	swait.ge [sflag:s30], $0x7D0  }
0xfa: {  	[sflag:s30] =	ssyncset.done $0x0  }
0xfb: {  	[sflag:s30] =	ssyncadd.s32 $0xFFFFF830  }
0xfc: {  	_ =	swait.ge [sflag:s30], $0x7D0  }
0xfd: {  	[sflag:s30] =	ssyncset.done $0x0  }
0xfe: {  	[sflag:s30] =	ssyncadd.s32 $0xFFFFF830  }
0xff: {  	[bflag:$0x0] =	sbarrier.arrive $0xFFFF  }
0x100: {  	s10 =	rddreg [dreg:$0xd]  }
0x101: {  	s4 =	rddreg [dreg:$0xf]  }
0x102: {  	[hbm:s10], [sflag:s11] =	dma.local [spmem:s4], $0x4E2  }
0x103: {  	_ =	swait.ge [sflag:s9], $0x4E2  }
0x104: {  	s31 =	sadd.s32 $0x1, s31;
	s1 =	smov.u32 s11;
	s11 =	rddreg [dreg:$0xe]  }
0x105: {  	p0 =	sne.s32 s31, s11  }
.Ltmp1:
0x106: {  	_ = 	snop;
	(pc) =	sbr.rel @p0 .LBB2_1-.Ltmp1, $3  }
0x107: {  	_ =	sdelay $0x1  }
0x108: {  	[sflag:s9] =	ssyncset.done $0x0  }
0x109: {  	[sflag:s9] =	ssyncadd.s32 $0xFFFFFB1E  }
0x10a: {  	_ =	sfence.sel $0x180000  }
0x10b: {  	[bflag:$0x0] =	sbarrier.arrive $0xFFFF  }
0x10c: {  	_ =	strace $0x9000004A  }
0x10d: {  	s0 =	stileid.u32;
	[bflag:$0x2] =	sbarrier.arrive $0xFFFF  }
0x10e: {  	p0 =	sne.s32 s0, $0x0;
	s0 =	rddreg [dreg:$0x2]  }
0x10f: {  	s0 =	sadd.s32 @!p0 $0x100000, s0  }
0x110: {  	[sflag:s0] =	ssyncadd.tile.s32 @!p0 $0x1;
	_ =	shalt  }
.Lfunc_end2:
_tile_overlayer_lowered:
.L_overlay_start_2:
0x111: {  	(tag) =	ssettag $0x2  }
0x112: {  	s0 =	rddreg [dreg:$0x0];
	s2 =	stileid.u32  }
0x113: {  	s1 =	rddreg [dreg:$0x1];
	p0 =	sne.s32 s2, $0x0  }
0x114: {  	s3 =	rddreg [dreg:$0x2];
	[bflag:$0x3] =	sbarrier.arrive $0xFFFF;
	s2 =	simm.s32 @!p0 $0x1C0A  }
0x115: {  	[timem:s3], [sflag:s2] =	dma.local @!p0 [hbm:s0], s1  }
0x116: {  	s0 =	simm.s32 @!p0 $0xA  }
0x117: {  	_ =	swait.ge @!p0 [sflag:s0], s1  }
0x118: {  	s1 =	ssub.s32 @!p0 $0x0, s1;
	[sflag:s0] =	ssyncset.done @!p0 $0x0  }
0x119: {  	[sflag:s0] =	ssyncadd.s32 @!p0 s1  }
0x11a: {  	[bflag:$0x3] =	sbarrier.arrive $0xFFFF  }
0x11b: {  	_ =	shalt  }

// kernel: kernel.7.cloned.1.call-start
scs
__scs_entry_jumppad:
0x0: {  	(pc) =	sbr.rel $0x88, $3  }
0x1: {  	(tag) =	ssettag $0x0;
	lr =	simm.s32 $0x1  }
0x2: {  	[smem:$0x3F96] =	sst lr;
	_ =	strace $0xD0000000  }
0x3: {  	_ = 	snop  }
0x4: {  	_ = 	snop  }
0x5: {  	_ = 	snop  }
0x6: {  	_ = 	snop  }
0x7: {  	_ = 	snop  }
__scs_overlays_trampoline_lowered:
0x8: {  	[smem:$0x3FA5] =	sst s0  }
0x9: {  	[smem:$0x3FA6] =	sst s1  }
0xa: {  	[smem:$0x3FA7] =	sst s2  }
0xb: {  	[smem:$0x3FA8] =	sst s3  }
0xc: {  	[smem:$0x3FA9] =	sst s4  }
0xd: {  	[smem:$0x3FAA] =	sst s5  }
0xe: {  	[smem:$0x3FAB] =	sst s6  }
0xf: {  	[smem:$0x3FAC] =	sst s7  }
0x10: {  	[smem:$0x3FAD] =	sst s8  }
0x11: {  	[smem:$0x3FAE] =	sst s9;
	s0 =	simm.s32 @!p0 $0x0  }
0x12: {  	s1 =	sld [smem:$0x3F94];
	s0 =	simm.s32 @p0 $0x1  }
0x13: {  	[smem:$0x3FAF] =	sst s0;
	s0 =	simm.s32 @!p1 $0x0  }
0x14: {  	s2 =	sld [smem:$0x3F93];
	s0 =	simm.s32 @p1 $0x1  }
0x15: {  	[smem:$0x3FB0] =	sst s0;
	s0 =	simm.s32 @!p2 $0x0  }
0x16: {  	s3 =	sld [smem:$0x3FDB];
	s0 =	simm.s32 @p2 $0x1  }
0x17: {  	s4 =	simm.s32 $0x1BF5;
	[smem:$0x3FB2] =	sst s0  }
0x18: {  	s0 =	sld [smem:$0x3F95];
	_ =	swait.ge [sflag:s4], $0x0  }
0x19: {  	s7 =	sld [smem:$0x3F96]  }
0x1a: {  	s8 =	sadd.s32 $0xFFFFE003, lr  }
0x1b: {  	s9 =	sadd.s32 $0xFFFFFEF7, lr;
	s5 =	simm.s32 $0xFFFFFFFF;
	p2 =	slt.u32 s8, $0xFFFFF086  }
0x1c: {  	p1 =	slt.u32 s9, $0xF7A;
	s5 =	simm.s32 @!p2 $0x0  }
0x1d: {  	s5 =	simm.s32 @p1 $0x1;
	p0 =	seq.s32 s7, s2  }
0x1e: {  	s7 =	smul.u32 @!p0 $0xF7A, s2;
	p2 =	seq.s32 @!p0 s5, $0x0  }
0x1f: {  	s9 =	smul.u32 $0xF7A, s1;
	s8 =	simm.s32 @!p0 $0x1BF5;
	p2 =	por !p2, p0  }
0x20: {  	[sflag:s8] =	ssyncset.s32 @!p0 $0xFFFFF086;
	s6 =	sadd.s32 @!p0 s3, s7;
	s7 =	simm.s32 @!p0 $0x108  }
0x21: {  	s3 =	sadd.s32 s3, s9;
	s6 =	sadd.s32 @!p0 $0x88, s6;
	s7 =	simm.s32 @p2 $0x1082  }
0x22: {  	[simem:s7], [sflag:s8] =	dma.local @!p0 [hbm:s6], $0xF7A  }
0x23: {  	s9 =	sor.u32 $0xD0000000, s2;
	s6 =	simm.s32 $0x108;
	_ =	swait.ge @!p0 [sflag:s8], $0x0  }
0x24: {  	s3 =	sadd.s32 $0x88, s3;
	s6 =	simm.s32 @!p1 $0x1082;
	[sflag:s4] =	ssyncset.s32 $0xFFFFF086  }
0x25: {  	[simem:s6], [sflag:s4] =	dma.local [hbm:s3], $0xF7A  }
0x26: {  	[smem:$0x3F96] =	sst s1;
	(tag) =	ssettag s2;
	_ =	strace s9  }
0x27: {  	s1 =	sld [smem:$0x3FA6]  }
0x28: {  	s2 =	sld [smem:$0x3FA7]  }
0x29: {  	s4 =	sld [smem:$0x3FA9]  }
0x2a: {  	p0 =	seq.s32 s5, $0x0;
	s5 =	sld [smem:$0x3FAA]  }
0x2b: {  	s6 =	sld [smem:$0x3FAB]  }
0x2c: {  	s7 =	sld [smem:$0x3FAC]  }
0x2d: {  	s3 =	simm.s32 $0x108;
	s8 =	sld [smem:$0x3FAD]  }
0x2e: {  	s3 =	simm.s32 @!p0 $0x1082;
	s9 =	sld [smem:$0x3FAE]  }
0x2f: {  	lr =	sadd.s32 s0, s3;
	s0 =	sld [smem:$0x3FA5]  }
0x30: {  	s3 =	sld [smem:$0x3FA8]  }
0x31: {  	[smem:$0x3FB1] =	sst s10  }
0x32: {  	s10 =	sld [smem:$0x3FAF];
	_ =	sdelay $0x3  }
0x33: {  	p0 =	seq.s32 s10, $0x1;
	s10 =	sld [smem:$0x3FB1];
	_ =	sdelay $0x3  }
0x34: {  	[smem:$0x3FB1] =	sst s10  }
0x35: {  	s10 =	sld [smem:$0x3FB0];
	_ =	sdelay $0x3  }
0x36: {  	p1 =	seq.s32 s10, $0x1;
	s10 =	sld [smem:$0x3FB1];
	_ =	sdelay $0x3  }
0x37: {  	[smem:$0x3FB1] =	sst s10  }
0x38: {  	s10 =	sld [smem:$0x3FB2]  }
0x39: {  	_ = 	snop;
	(pc) =	sbr.ind lr, $3  }
0x3a: {  	_ = 	snop  }
0x3b: {  	_ = 	snop  }
0x3c: {  	p2 =	seq.s32 s10, $0x1;
	s10 =	sld [smem:$0x3FB1]  }
0x3d: {  	_ =	shalt  }
0x3e: {  	_ =	shalt  }
0x3f: {  	_ =	shalt  }
0x40: {  	_ =	shalt  }
0x41: {  	_ =	shalt  }
0x42: {  	_ =	shalt  }
0x43: {  	_ =	shalt  }
0x44: {  	_ =	shalt  }
0x45: {  	_ =	shalt  }
0x46: {  	_ =	shalt  }
0x47: {  	_ =	shalt  }
0x48: {  	_ =	shalt  }
0x49: {  	_ =	shalt  }
0x4a: {  	_ =	shalt  }
0x4b: {  	_ =	shalt  }
0x4c: {  	_ =	shalt  }
0x4d: {  	_ =	shalt  }
0x4e: {  	_ =	shalt  }
0x4f: {  	_ =	shalt  }
0x50: {  	_ =	shalt  }
0x51: {  	_ =	shalt  }
0x52: {  	_ =	shalt  }
0x53: {  	_ =	shalt  }
0x54: {  	_ =	shalt  }
0x55: {  	_ =	shalt  }
0x56: {  	_ =	shalt  }
0x57: {  	_ =	shalt  }
0x58: {  	_ =	shalt  }
0x59: {  	_ =	shalt  }
0x5a: {  	_ =	shalt  }
0x5b: {  	_ =	shalt  }
0x5c: {  	_ =	shalt  }
0x5d: {  	_ =	shalt  }
0x5e: {  	_ =	shalt  }
0x5f: {  	_ =	shalt  }
0x60: {  	_ =	shalt  }
0x61: {  	_ =	shalt  }
0x62: {  	_ =	shalt  }
0x63: {  	_ =	shalt  }
0x64: {  	_ =	shalt  }
0x65: {  	_ =	shalt  }
0x66: {  	_ =	shalt  }
0x67: {  	_ =	shalt  }
0x68: {  	_ =	shalt  }
0x69: {  	_ =	shalt  }
0x6a: {  	_ =	shalt  }
0x6b: {  	_ =	shalt  }
0x6c: {  	_ =	shalt  }
0x6d: {  	_ =	shalt  }
0x6e: {  	_ =	shalt  }
0x6f: {  	_ =	shalt  }
0x70: {  	_ =	shalt  }
0x71: {  	_ =	shalt  }
0x72: {  	_ =	shalt  }
0x73: {  	_ =	shalt  }
0x74: {  	_ =	shalt  }
0x75: {  	_ =	shalt  }
0x76: {  	_ =	shalt  }
0x77: {  	_ =	shalt  }
0x78: {  	_ =	shalt  }
0x79: {  	_ =	shalt  }
0x7a: {  	_ =	shalt  }
0x7b: {  	_ =	shalt  }
0x7c: {  	_ =	shalt  }
0x7d: {  	_ =	shalt  }
0x7e: {  	_ =	shalt  }
0x7f: {  	_ =	shalt  }
0x80: {  	_ =	shalt  }
0x81: {  	_ =	shalt  }
0x82: {  	_ =	shalt  }
0x83: {  	_ =	shalt  }
0x84: {  	_ =	shalt  }
0x85: {  	_ =	shalt  }
0x86: {  	_ =	shalt  }
0x87: {  	_ =	shalt  }
.Lfunc_end0:
.L_simem_size_0:
called_computation_lowered:
.L_overlay_start_0:
0x88: {  	s2 =	sld [smem:$0x3FD9]  }
0x89: {  	s3 =	sld [smem:$0x3FFE];
	_ =	sdelay $0x1  }
0x8a: {  	s1 =	srdreg.scid  }
0x8b: {  	s0 =	sand.u32 $0x1, s1  }
0x8c: {  	s16 =	sshll.u32 s0, $0xA;
	s2 =	sadd.s32 s3, s2  }
0x8d: {  	s2 =	sadd.s32 s2, s16  }
0x8e: {  	[smem:$0x3FBD] =	sst s2  }
0x8f: {  	_ = 	snop  }
0x90: {  	(tm) =	ssettm $0x1  }
0x91: {  	s17 =	sld [smem:$0x3FFB];
	_ =	sdelay $0x3  }
0x92: {  	_ =	strace s17  }
0x93: {  	s2 =	sld [smem:$0x3FFC];
	_ =	sdelay $0x3  }
0x94: {  	_ =	strace s2  }
0x95: {  	s2 =	sld [smem:$0x3FFD];
	_ =	sdelay $0x3  }
0x96: {  	_ =	strace s2  }
0x97: {  	_ =	strace $0x8FFFFFFF  }
0x98: {  	s18 =	sld [smem:$0x3FDB];
	_ =	sdelay $0x1  }
0x99: {  	s19 =	simm.s32 $_scs_section_size  }
0x9a: {  	s4 =	simm.s32 $_size__tile_overlayer_lowered;
	s5 =	simm.s32 $_tile_overlayer_lowered  }
0x9b: {  	s22 =	simm.s32 $0x1BFF;
	s21 =	sshll.u32 s5, $0x1;
	s2 =	sadd.s32 s19, s18  }
0x9c: {  	s6 =	simm.s32 $0x0;
	s20 =	sshll.u32 s4, $0x1;
	s4 =	sadd.s32 s21, s2  }
0x9d: {  	[timem:s6], [sflag:s22] =	dma.local [hbm:s4], s20  }
0x9e: {  	_ =	swait.ge [sflag:s22], s20  }
0x9f: {  	s3 =	ssub.s32 $0x0, s20;
	[sflag:s22] =	ssyncset.done $0x0  }
0xa0: {  	[sflag:s22] =	ssyncadd.s32 s3;
	_ =	sdelay $0x1  }
0xa1: {  	s23 =	simm.s32 $0x1B8B  }
0xa2: {  	_ =	swait.ge [sflag:s23], $0x1  }
0xa3: {  	[sflag:s23] =	ssyncset.done $0x0  }
0xa4: {  	s25 =	simm.s32 $0x1B8E;
	s24 =	sld [smem:$0x3FFE];
	[sflag:s23] =	ssyncadd.s32 $0xFFFFFFFF  }
0xa5: {  	s26 =	simm.s32 $execute0_lowered;
	[smem:$0x3FD2] =	sst s25  }
0xa6: {  	s4 =	sshll.u32 s26, $0x1;
	_ =	strace $0x80000046;
	[dreg:$0x1] =	wrdreg $0xFFFFFFFF  }
0xa7: {  	s28 =	simm.s32 $_size_execute0_lowered;
	s2 =	sadd.s32 s2, s4;
	[dreg:$0x0] =	wrdreg $0x0  }
0xa8: {  	s4 =	sshll.u32 s28, $0x1;
	[dreg:$0x2] =	wrdreg s2  }
0xa9: {  	[dreg:$0x3] =	wrdreg s4  }
0xaa: {  	[dreg:$0x4] =	wrdreg $0xC0  }
0xab: {  	_ =	task [dreg:s6], $0x5FFFF  }
0xac: {  	[dreg:$0x1] =	wrdreg $0xFFFFFFFF  }
0xad: {  	[dreg:$0x0] =	wrdreg $0x60  }
0xae: {  	[dreg:$0x2] =	wrdreg s24  }
0xaf: {  	[dreg:$0x3] =	wrdreg $0x9  }
0xb0: {  	_ =	task.clear_ibuf [dreg:s6], $0x4FFFF;
	_ =	strace $0x90000046  }
0xb1: {  	s29 =	simm.s32 $0x9;
	_ =	strace $0x80000048  }
0xb2: {  	_ =	swait.ge [sflag:s29], $0x1  }
0xb3: {  	[sflag:s29] =	ssyncadd.s32 $0xFFFFFFFF  }
0xb4: {  	_ =	strace $0x90000048  }
0xb5: {  	_ =	sfence  }
0xb6: {  	s30 =	sld [smem:$0x0];
	_ =	sdelay $0x2  }
0xb7: {  	s31 =	sshll.u32 s1, $0xD;
	s1 =	sshrl.u32 s1, $0x2  }
0xb8: {  	s3 =	sand.u32 $0x4000, s31;
	s1 =	sadd.s32 s1, s30  }
0xb9: {  	s0 =	sor.u32 s3, s0;
	s1 =	sshll.u32 s1, $0x11  }
0xba: {  	s0 =	sor.u32 s1, s0  }
0xbb: {  	s0 =	sadd.s32 $0x8F2B, s0  }
0xbc: {  	[sflag:s0] =	ssyncadd.remote.s32 $0x1  }
0xbd: {  	_ =	sfence.sel $0xFFFF  }
0xbe: {  	[dreg:$0x0] =	wrdreg $0xFFFFFFFF;
	(pc) =	sbr.abs _section_cstart, $3  }
0xbf: {  	[dreg:$0x1] =	wrdreg $0xFFFFFFFF  }
0xc0: {  	_ =	task.clear_ibuf [dreg:s6], $0x2FFFF;
	_ =	strace $0x9FFFFFFF  }
0xc1: {  	(tm) =	ssettm $0x7FFFFFFF  }
tec
execute0_lowered:
.L_overlay_start_1:
0x0: {  	(tag) =	ssettag $0x1  }
0x1: {  	s0 =	srdreg.scid  }
0x2: {  	s11 =	stileid.u32;
	s1 =	rddreg [dreg:$0x0]  }
0x3: {  	s2 =	simm.s32 $0x0;
	s28 =	simm.s32 $0x1;
	s7 =	smul.u32 $0x4E20, s11  }
0x4: {  	s0 =	sand.u32 $0x1, s0;
	s3 =	sshll.u32 s11, $0x1;
	s11 =	smul.u32 $0x9C40, s11  }
0x5: {  	s29 =	simm.s32 $0x2;
	s30 =	simm.s32 $0x3;
	s10 =	smul.u32 $0x2710, s0  }
0x6: {  	s4 =	sor.u32 s0, s3;
	s9 =	ssub.s32 $0x2, s0;
	s0 =	smul.u32 $0x4E20, s0  }
0x7: {  	[smem:$0x7FF] =	sst s2;
	s8 =	sadd.s32 $0x38000, s1;
	s5 =	smul.u32 $0x2710, s4  }
0x8: {  	_ =	strace $0x80000047;
	s3 =	sadd.s32 $0x1E00, s1;
	s6 =	smul.u32 $0x500, s4  }
0x9: {  	s4 =	smul.u32 $0x4E20, s4;
	s12 =	sadd.s32 s11, s8;
	s7 =	sadd.s32 s10, s7  }
0xa: {  	s0 =	sadd.s32 s0, s12;
	s5 =	sshrl.u32 s5, $0x3;
	s6 =	sadd.s32 s6, s1  }
0xb: {  	[dreg:$0x2] =	wrdreg s0;
	s5 =	sadd.s32 s5, s1;
	s6 =	sadd.s32 $0x2E000, s6  }
0xc: {  	s1 =	sadd.s32 s4, s1;
	[dreg:$0xa] =	wrdreg s6;
	s13 =	sadd.s32 $0x6E00, s5  }
0xd: {  	s7 =	sshll.u32 s7, $0x1;
	s15 =	sadd.s32 $0xD4400, s1;
	[dreg:$0xb] =	wrdreg s13  }
0xe: {  	s14 =	sadd.s32 s8, s7;
	s17 =	sadd.s32 $0x10A40, s5;
	[dreg:$0xc] =	wrdreg s15  }
0xf: {  	s31 =	simm.s32 $0x4;
	s16 =	sadd.s32 $0x6D6, s14;
	[dreg:$0xd] =	wrdreg s17  }
0x10: {  	s26 =	sshrl.u32 s9, $0x1;
	s19 =	sadd.s32 $0xD4401, s1;
	[dreg:$0x3] =	wrdreg s16  }
0x11: {  	s0 =	simm.s32 $0x6;
	s18 =	sadd.s32 $0x5DC, s14;
	[dreg:$0xe] =	wrdreg s19  }
0x12: {  	s4 =	ssub.s32 s9, s26;
	s21 =	sadd.s32 $0x1A680, s5;
	[dreg:$0x4] =	wrdreg s18  }
0x13: {  	s20 =	sadd.s32 $0x4E2, s14;
	s22 =	sadd.s32 $0x3E8, s14;
	[dreg:$0xf] =	wrdreg s21  }
0x14: {  	s23 =	sadd.s32 $0xD4402, s1;
	s24 =	sadd.s32 $0x2EE, s14;
	[dreg:$0x5] =	wrdreg s20  }
0x15: {  	s11 =	sadd.s32 $0x242C0, s5;
	s25 =	sadd.s32 $0x1F4, s14;
	[dreg:$0x10] =	wrdreg s23  }
0x16: {  	s12 =	sadd.s32 $0xD4403, s1;
	s26 =	sadd.s32 $0xFA, s14;
	[dreg:$0x6] =	wrdreg s22  }
0x17: {  	s14 =	simm.s32 $0xA;
	s1 =	simm.s32 $0x5;
	[dreg:$0x7] =	wrdreg s24  }
0x18: {  	s5 =	simm.s32 $0x9;
	s6 =	simm.s32 $0x0;
	[dreg:$0x8] =	wrdreg s25  }
0x19: {  	s13 =	smax.u32 s4, $0x1;
	[dreg:$0x9] =	wrdreg s26;
	s15 =	simm.s32 $0x6680  }
0x1a: {  	s16 =	simm.s32 $0x8;
	s17 =	simm.s32 $0x80;
	s18 =	simm.s32 $0x7D  }
0x1b: {  	s19 =	simm.s32 $0x2800;
	s20 =	simm.s32 $0x2FD0;
	s21 =	simm.s32 $0x37A0  }
0x1c: {  	s22 =	simm.s32 $0x3F70;
	s23 =	simm.s32 $0x4740;
	s24 =	simm.s32 $0x4F10  }
0x1d: {  	s25 =	simm.s32 $0x56E0;
	s26 =	simm.s32 $0x5EB0;
	s4 =	simm.s32 $0x7  }
.LBB2_1:
0x1e: {  	s7 =	rddreg [dreg:$0xa]  }
0x1f: {  	[tilespmem:s2], [sflag:$0xA] =	stream.linear.gather [hbm4b:s7+s2], $0x2800, $0x38;
	[tilespmem:$0x8D90] =	vst v63  }
0x20: {  	_ =	swait.ge [sflag:s14], $0x2800  }
0x21: {  	[sflag:s14] =	ssyncset.done $0x0  }
0x22: {  	s8 =	rddreg [dreg:$0xb];
	[sflag:s14] =	ssyncadd.s32 $0xFFFFD800  }
0x23: {  	[tilespmem:s15], [sflag:$0xA] =	stream.linear.gather [hbm4b:s8+s2], $0x2710, $0x38;
	[tilespmem:$0x8D90] =	vst v63  }
0x24: {  	_ =	swait.ge [sflag:s14], $0x2710  }
0x25: {  	[sflag:s14] =	ssyncset.done $0x0  }
0x26: {  	s9 =	rddreg [dreg:$0xc];
	[sflag:s14] =	ssyncadd.s32 $0xFFFFD8F0  }
0x27: {  	[hbm4b:s9+s16] =	stream.strided.scatter [tilespmem:s15], [sflag:$0xA], $0x2710, s17, s16, $0x38;
	[tilespmem:$0x8D90] =	vst v63  }
0x28: {  	_ =	swait.ge [sflag:s14], $0x2710  }
0x29: {  	[sflag:s14] =	ssyncset.done $0x0  }
0x2a: {  	s10 =	rddreg [dreg:$0xd];
	[sflag:s14] =	ssyncadd.s32 $0xFFFFD8F0  }
0x2b: {  	[tilespmem:s15], [sflag:$0xA] =	stream.linear.gather [hbm4b:s10+s2], $0x2710, $0x38;
	[tilespmem:$0x8D90] =	vst v63  }
0x2c: {  	_ =	swait.ge [sflag:s14], $0x2710  }
0x2d: {  	[sflag:s14] =	ssyncset.done $0x0  }
0x2e: {  	s8 =	rddreg [dreg:$0xe];
	[sflag:s14] =	ssyncadd.s32 $0xFFFFD8F0  }
0x2f: {  	[hbm4b:s8+s16] =	stream.strided.scatter [tilespmem:s15], [sflag:$0xA], $0x2710, s17, s16, $0x38;
	[tilespmem:$0x8D90] =	vst v63  }
0x30: {  	_ =	swait.ge [sflag:s14], $0x2710  }
0x31: {  	[sflag:s14] =	ssyncset.done $0x0  }
0x32: {  	s9 =	rddreg [dreg:$0xf];
	[sflag:s14] =	ssyncadd.s32 $0xFFFFD8F0  }
0x33: {  	[tilespmem:s15], [sflag:$0xA] =	stream.linear.gather [hbm4b:s9+s2], $0x2710, $0x38;
	[tilespmem:$0x8D90] =	vst v63  }
0x34: {  	_ =	swait.ge [sflag:s14], $0x2710  }
0x35: {  	[sflag:s14] =	ssyncset.done $0x0  }
0x36: {  	s10 =	rddreg [dreg:$0x10];
	[sflag:s14] =	ssyncadd.s32 $0xFFFFD8F0  }
0x37: {  	[hbm4b:s10+s16] =	stream.strided.scatter [tilespmem:s15], [sflag:$0xA], $0x2710, s17, s16, $0x38;
	[tilespmem:$0x8D90] =	vst v63  }
0x38: {  	_ =	swait.ge [sflag:s14], $0x2710  }
0x39: {  	[sflag:s14] =	ssyncset.done $0x0  }
0x3a: {  	[sflag:s14] =	ssyncadd.s32 $0xFFFFD8F0  }
0x3b: {  	[tilespmem:s15], [sflag:$0xA] =	stream.linear.gather [hbm4b:s11+s2], $0x2710, $0x38;
	[tilespmem:$0x8D90] =	vst v63  }
0x3c: {  	_ =	swait.ge [sflag:s14], $0x2710  }
0x3d: {  	[sflag:s14] =	ssyncset.done $0x0  }
0x3e: {  	[sflag:s14] =	ssyncadd.s32 $0xFFFFD8F0  }
0x3f: {  	[hbm4b:s12+s16] =	stream.strided.scatter [tilespmem:s15], [sflag:$0xA], $0x2710, s17, s16, $0x38;
	[tilespmem:$0x8D90] =	vst v63  }
0x40: {  	_ =	swait.ge [sflag:s14], $0x2710  }
0x41: {  	[sflag:s14] =	ssyncset.done $0x0  }
0x42: {  	[sflag:s14] =	ssyncadd.s32 $0xFFFFD8F0  }
0x43: {  	[tilespmem:s19], [sflag:$0x1] =	stream.indirect.gather [hbm4b:s3+s18], $0x10, s2, s18, $0xb8;
	[tilespmem:$0x8D90] =	vst v63  }
0x44: {  	s8 =	simm.s32 $0x80  }
0x45: {  	[tilespmem:s20], [sflag:$0x2] =	stream.indirect.gather [hbm4b:s3+s18], $0x10, s8, s18, $0xb8;
	[tilespmem:$0x8D90] =	vst v63  }
0x46: {  	s9 =	simm.s32 $0x100  }
0x47: {  	[tilespmem:s21], [sflag:$0x3] =	stream.indirect.gather [hbm4b:s3+s18], $0x10, s9, s18, $0xb8;
	[tilespmem:$0x8D90] =	vst v63  }
0x48: {  	s10 =	simm.s32 $0x180  }
0x49: {  	[tilespmem:s22], [sflag:$0x4] =	stream.indirect.gather [hbm4b:s3+s18], $0x10, s10, s18, $0xb8;
	[tilespmem:$0x8D90] =	vst v63  }
0x4a: {  	s8 =	simm.s32 $0x200  }
0x4b: {  	[tilespmem:s23], [sflag:$0x5] =	stream.indirect.gather [hbm4b:s3+s18], $0x10, s8, s18, $0xb8;
	[tilespmem:$0x8D90] =	vst v63  }
0x4c: {  	s9 =	simm.s32 $0x280  }
0x4d: {  	[tilespmem:s24], [sflag:$0x6] =	stream.indirect.gather [hbm4b:s3+s18], $0x10, s9, s18, $0xb8;
	[tilespmem:$0x8D90] =	vst v63  }
0x4e: {  	s10 =	simm.s32 $0x300  }
0x4f: {  	[tilespmem:s25], [sflag:$0x7] =	stream.indirect.gather [hbm4b:s3+s18], $0x10, s10, s18, $0xb8;
	[tilespmem:$0x8D90] =	vst v63  }
0x50: {  	s8 =	simm.s32 $0x380  }
0x51: {  	[tilespmem:s26], [sflag:$0x8] =	stream.indirect.gather [hbm4b:s3+s18], $0x10, s8, s18, $0xb8;
	[tilespmem:$0x8D90] =	vst v63  }
0x52: {  	_ =	swait.ge [sflag:s28], $0x7D0  }
0x53: {  	s9 =	rddreg [dreg:$0x2];
	[sflag:s28] =	ssyncset.done $0x0  }
0x54: {  	[sflag:s28] =	ssyncadd.s32 $0xFFFFF830;
	s7 =	sadd.s32 $0x0, s9  }
0x55: {  	[hbm4b:s7+s2] =	stream.linear.scatter [tilespmem:s19], [sflag:$0x9], $0x7D0, $0x38;
	[tilespmem:$0x8D90] =	vst v63  }
0x56: {  	_ =	swait.ge [sflag:s29], $0x7D0  }
0x57: {  	s10 =	rddreg [dreg:$0x9];
	[sflag:s29] =	ssyncset.done $0x0  }
0x58: {  	[sflag:s29] =	ssyncadd.s32 $0xFFFFF830;
	s7 =	sadd.s32 $0x0, s10  }
0x59: {  	[hbm4b:s7+s2] =	stream.linear.scatter [tilespmem:s20], [sflag:$0x9], $0x7D0, $0x38;
	[tilespmem:$0x8D90] =	vst v63  }
0x5a: {  	_ =	swait.ge [sflag:s30], $0x7D0  }
0x5b: {  	s8 =	rddreg [dreg:$0x8];
	[sflag:s30] =	ssyncset.done $0x0  }
0x5c: {  	[sflag:s30] =	ssyncadd.s32 $0xFFFFF830;
	s7 =	sadd.s32 $0x0, s8  }
0x5d: {  	[hbm4b:s7+s2] =	stream.linear.scatter [tilespmem:s21], [sflag:$0x9], $0x7D0, $0x38;
	[tilespmem:$0x8D90] =	vst v63  }
0x5e: {  	_ =	swait.ge [sflag:s31], $0x7D0  }
0x5f: {  	s9 =	rddreg [dreg:$0x7];
	[sflag:s31] =	ssyncset.done $0x0  }
0x60: {  	[sflag:s31] =	ssyncadd.s32 $0xFFFFF830;
	s7 =	sadd.s32 $0x0, s9  }
0x61: {  	[hbm4b:s7+s2] =	stream.linear.scatter [tilespmem:s22], [sflag:$0x9], $0x7D0, $0x38;
	[tilespmem:$0x8D90] =	vst v63  }
0x62: {  	_ =	swait.ge [sflag:s1], $0x7D0  }
0x63: {  	s10 =	rddreg [dreg:$0x6];
	[sflag:s1] =	ssyncset.done $0x0  }
0x64: {  	[sflag:s1] =	ssyncadd.s32 $0xFFFFF830;
	s7 =	sadd.s32 $0x0, s10  }
0x65: {  	[hbm4b:s7+s2] =	stream.linear.scatter [tilespmem:s23], [sflag:$0x9], $0x7D0, $0x38;
	[tilespmem:$0x8D90] =	vst v63  }
0x66: {  	_ =	swait.ge [sflag:s0], $0x7D0  }
0x67: {  	s8 =	rddreg [dreg:$0x5];
	[sflag:s0] =	ssyncset.done $0x0  }
0x68: {  	[sflag:s0] =	ssyncadd.s32 $0xFFFFF830;
	s7 =	sadd.s32 $0x0, s8  }
0x69: {  	[hbm4b:s7+s2] =	stream.linear.scatter [tilespmem:s24], [sflag:$0x9], $0x7D0, $0x38;
	[tilespmem:$0x8D90] =	vst v63  }
0x6a: {  	_ =	swait.ge [sflag:s4], $0x7D0  }
0x6b: {  	s9 =	rddreg [dreg:$0x4];
	[sflag:s4] =	ssyncset.done $0x0  }
0x6c: {  	[sflag:s4] =	ssyncadd.s32 $0xFFFFF830;
	s7 =	sadd.s32 $0x0, s9  }
0x6d: {  	[hbm4b:s7+s2] =	stream.linear.scatter [tilespmem:s25], [sflag:$0x9], $0x7D0, $0x38;
	[tilespmem:$0x8D90] =	vst v63  }
0x6e: {  	_ =	swait.ge [sflag:s16], $0x7D0  }
0x6f: {  	s10 =	rddreg [dreg:$0x3];
	[sflag:s16] =	ssyncset.done $0x0  }
0x70: {  	[sflag:s16] =	ssyncadd.s32 $0xFFFFF830;
	s7 =	sadd.s32 $0x0, s10  }
0x71: {  	[hbm4b:s7+s2] =	stream.linear.scatter [tilespmem:s26], [sflag:$0x9], $0x7D0, $0x38;
	[tilespmem:$0x8D90] =	vst v63  }
0x72: {  	_ =	swait.ge [sflag:s5], $0x7D0  }
0x73: {  	[sflag:s5] =	ssyncset.done $0x0  }
0x74: {  	[sflag:s5] =	ssyncadd.s32 $0xFFFFF830  }
0x75: {  	_ =	swait.ge [sflag:s5], $0x7D0  }
0x76: {  	[sflag:s5] =	ssyncset.done $0x0  }
0x77: {  	[sflag:s5] =	ssyncadd.s32 $0xFFFFF830  }
0x78: {  	_ =	swait.ge [sflag:s5], $0x7D0  }
0x79: {  	[sflag:s5] =	ssyncset.done $0x0  }
0x7a: {  	[sflag:s5] =	ssyncadd.s32 $0xFFFFF830  }
0x7b: {  	_ =	swait.ge [sflag:s5], $0x7D0  }
0x7c: {  	[sflag:s5] =	ssyncset.done $0x0  }
0x7d: {  	[sflag:s5] =	ssyncadd.s32 $0xFFFFF830  }
0x7e: {  	_ =	swait.ge [sflag:s5], $0x7D0  }
0x7f: {  	[sflag:s5] =	ssyncset.done $0x0  }
0x80: {  	[sflag:s5] =	ssyncadd.s32 $0xFFFFF830  }
0x81: {  	_ =	swait.ge [sflag:s5], $0x7D0  }
0x82: {  	[sflag:s5] =	ssyncset.done $0x0  }
0x83: {  	[sflag:s5] =	ssyncadd.s32 $0xFFFFF830  }
0x84: {  	_ =	swait.ge [sflag:s5], $0x7D0  }
0x85: {  	[sflag:s5] =	ssyncset.done $0x0  }
0x86: {  	[sflag:s5] =	ssyncadd.s32 $0xFFFFF830  }
0x87: {  	_ =	swait.ge [sflag:s5], $0x7D0  }
0x88: {  	s8 =	simm.s32 $0x0;
	s7 =	simm.s32 $0x7D0;
	[sflag:s5] =	ssyncset.done $0x0  }
.LBB2_2:
0x89: {  	[sflag:s5] =	ssyncadd.s32 $0xFFFFF830;
	s8 =	sadd.s32 $0x400, s8  }
0x8a: {  	[tilespmem:s19], [sflag:$0x1] =	stream.indirect.gather [hbm4b:s3+s18], $0x10, s8, s18, $0xb8;
	[tilespmem:$0x8D90] =	vst v63  }
0x8b: {  	s10 =	sadd.s32 $0x80, s8  }
0x8c: {  	[tilespmem:s20], [sflag:$0x2] =	stream.indirect.gather [hbm4b:s3+s18], $0x10, s10, s18, $0xb8;
	[tilespmem:$0x8D90] =	vst v63  }
0x8d: {  	s10 =	sadd.s32 $0x100, s8  }
0x8e: {  	[tilespmem:s21], [sflag:$0x3] =	stream.indirect.gather [hbm4b:s3+s18], $0x10, s10, s18, $0xb8;
	[tilespmem:$0x8D90] =	vst v63  }
0x8f: {  	s10 =	sadd.s32 $0x180, s8  }
0x90: {  	[tilespmem:s22], [sflag:$0x4] =	stream.indirect.gather [hbm4b:s3+s18], $0x10, s10, s18, $0xb8;
	[tilespmem:$0x8D90] =	vst v63  }
0x91: {  	s10 =	sadd.s32 $0x200, s8  }
0x92: {  	[tilespmem:s23], [sflag:$0x5] =	stream.indirect.gather [hbm4b:s3+s18], $0x10, s10, s18, $0xb8;
	[tilespmem:$0x8D90] =	vst v63  }
0x93: {  	s10 =	sadd.s32 $0x280, s8  }
0x94: {  	[tilespmem:s24], [sflag:$0x6] =	stream.indirect.gather [hbm4b:s3+s18], $0x10, s10, s18, $0xb8;
	[tilespmem:$0x8D90] =	vst v63  }
0x95: {  	s10 =	sadd.s32 $0x300, s8  }
0x96: {  	[tilespmem:s25], [sflag:$0x7] =	stream.indirect.gather [hbm4b:s3+s18], $0x10, s10, s18, $0xb8;
	[tilespmem:$0x8D90] =	vst v63  }
0x97: {  	s10 =	sadd.s32 $0x380, s8  }
0x98: {  	[tilespmem:s26], [sflag:$0x8] =	stream.indirect.gather [hbm4b:s3+s18], $0x10, s10, s18, $0xb8;
	[tilespmem:$0x8D90] =	vst v63  }
0x99: {  	_ =	swait.ge [sflag:s28], $0x7D0  }
0x9a: {  	s9 =	smov.u32 s7;
	s10 =	rddreg [dreg:$0x2];
	[sflag:s28] =	ssyncset.done $0x0  }
0x9b: {  	[sflag:s28] =	ssyncadd.s32 $0xFFFFF830;
	s10 =	sadd.s32 s9, s10  }
0x9c: {  	[hbm4b:s10+s2] =	stream.linear.scatter [tilespmem:s19], [sflag:$0x9], $0x7D0, $0x38;
	[tilespmem:$0x8D90] =	vst v63  }
0x9d: {  	_ =	swait.ge [sflag:s29], $0x7D0  }
0x9e: {  	s10 =	rddreg [dreg:$0x9];
	[sflag:s29] =	ssyncset.done $0x0  }
0x9f: {  	[sflag:s29] =	ssyncadd.s32 $0xFFFFF830;
	s10 =	sadd.s32 s9, s10  }
0xa0: {  	[hbm4b:s10+s2] =	stream.linear.scatter [tilespmem:s20], [sflag:$0x9], $0x7D0, $0x38;
	[tilespmem:$0x8D90] =	vst v63  }
0xa1: {  	_ =	swait.ge [sflag:s30], $0x7D0  }
0xa2: {  	s10 =	rddreg [dreg:$0x8];
	[sflag:s30] =	ssyncset.done $0x0  }
0xa3: {  	[sflag:s30] =	ssyncadd.s32 $0xFFFFF830;
	s10 =	sadd.s32 s9, s10  }
0xa4: {  	[hbm4b:s10+s2] =	stream.linear.scatter [tilespmem:s21], [sflag:$0x9], $0x7D0, $0x38;
	[tilespmem:$0x8D90] =	vst v63  }
0xa5: {  	_ =	swait.ge [sflag:s31], $0x7D0  }
0xa6: {  	s10 =	rddreg [dreg:$0x7];
	[sflag:s31] =	ssyncset.done $0x0  }
0xa7: {  	[sflag:s31] =	ssyncadd.s32 $0xFFFFF830;
	s10 =	sadd.s32 s9, s10  }
0xa8: {  	[hbm4b:s10+s2] =	stream.linear.scatter [tilespmem:s22], [sflag:$0x9], $0x7D0, $0x38;
	[tilespmem:$0x8D90] =	vst v63  }
0xa9: {  	_ =	swait.ge [sflag:s1], $0x7D0  }
0xaa: {  	s10 =	rddreg [dreg:$0x6];
	[sflag:s1] =	ssyncset.done $0x0  }
0xab: {  	[sflag:s1] =	ssyncadd.s32 $0xFFFFF830;
	s10 =	sadd.s32 s9, s10  }
0xac: {  	[hbm4b:s10+s2] =	stream.linear.scatter [tilespmem:s23], [sflag:$0x9], $0x7D0, $0x38;
	[tilespmem:$0x8D90] =	vst v63  }
0xad: {  	_ =	swait.ge [sflag:s0], $0x7D0  }
0xae: {  	s10 =	rddreg [dreg:$0x5];
	[sflag:s0] =	ssyncset.done $0x0  }
0xaf: {  	[sflag:s0] =	ssyncadd.s32 $0xFFFFF830;
	s10 =	sadd.s32 s9, s10  }
0xb0: {  	[hbm4b:s10+s2] =	stream.linear.scatter [tilespmem:s24], [sflag:$0x9], $0x7D0, $0x38;
	[tilespmem:$0x8D90] =	vst v63  }
0xb1: {  	_ =	swait.ge [sflag:s4], $0x7D0  }
0xb2: {  	s10 =	rddreg [dreg:$0x4];
	[sflag:s4] =	ssyncset.done $0x0  }
0xb3: {  	[sflag:s4] =	ssyncadd.s32 $0xFFFFF830;
	s10 =	sadd.s32 s9, s10  }
0xb4: {  	[hbm4b:s10+s2] =	stream.linear.scatter [tilespmem:s25], [sflag:$0x9], $0x7D0, $0x38;
	[tilespmem:$0x8D90] =	vst v63  }
0xb5: {  	_ =	swait.ge [sflag:s16], $0x7D0  }
0xb6: {  	s10 =	rddreg [dreg:$0x3];
	[sflag:s16] =	ssyncset.done $0x0  }
0xb7: {  	[sflag:s16] =	ssyncadd.s32 $0xFFFFF830;
	s9 =	sadd.s32 s9, s10  }
0xb8: {  	[hbm4b:s9+s2] =	stream.linear.scatter [tilespmem:s26], [sflag:$0x9], $0x7D0, $0x38;
	[tilespmem:$0x8D90] =	vst v63  }
0xb9: {  	_ =	swait.ge [sflag:s5], $0x7D0  }
0xba: {  	[sflag:s5] =	ssyncset.done $0x0  }
0xbb: {  	[sflag:s5] =	ssyncadd.s32 $0xFFFFF830  }
0xbc: {  	_ =	swait.ge [sflag:s5], $0x7D0  }
0xbd: {  	[sflag:s5] =	ssyncset.done $0x0  }
0xbe: {  	[sflag:s5] =	ssyncadd.s32 $0xFFFFF830  }
0xbf: {  	_ =	swait.ge [sflag:s5], $0x7D0  }
0xc0: {  	[sflag:s5] =	ssyncset.done $0x0  }
0xc1: {  	[sflag:s5] =	ssyncadd.s32 $0xFFFFF830  }
0xc2: {  	_ =	swait.ge [sflag:s5], $0x7D0  }
0xc3: {  	[sflag:s5] =	ssyncset.done $0x0  }
0xc4: {  	[sflag:s5] =	ssyncadd.s32 $0xFFFFF830  }
0xc5: {  	_ =	swait.ge [sflag:s5], $0x7D0  }
0xc6: {  	[sflag:s5] =	ssyncset.done $0x0  }
0xc7: {  	[sflag:s5] =	ssyncadd.s32 $0xFFFFF830  }
0xc8: {  	_ =	swait.ge [sflag:s5], $0x7D0  }
0xc9: {  	[sflag:s5] =	ssyncset.done $0x0  }
0xca: {  	p0 =	sne.s32 s7, $0x4650;
	[sflag:s5] =	ssyncadd.s32 $0xFFFFF830  }
.Ltmp0:
0xcb: {  	_ =	swait.ge [sflag:s5], $0x7D0;
	(pc) =	sbr.rel @p0 .LBB2_2-.Ltmp0, $4  }
0xcc: {  	[sflag:s5] =	ssyncset.done $0x0  }
0xcd: {  	[sflag:s5] =	ssyncadd.s32 $0xFFFFF830  }
0xce: {  	_ =	swait.ge [sflag:s5], $0x7D0  }
0xcf: {  	s7 =	sadd.s32 $0x7D0, s7;
	[sflag:s5] =	ssyncset.done $0x0  }
0xd0: {  	s6 =	sadd.s32 $0x1, s6  }
0xd1: {  	p0 =	sne.s32 s6, s13  }
.Ltmp1:
0xd2: {  	_ = 	snop;
	(pc) =	sbr.rel @p0 .LBB2_1-.Ltmp1, $2  }
0xd3: {  	_ =	sdelay $0x2  }
0xd4: {  	[sflag:s5] =	ssyncadd.s32 $0xFFFFF830  }
0xd5: {  	_ =	sfence.sel $0x180000  }
0xd6: {  	[bflag:$0x0] =	sbarrier.arrive $0xFFFF  }
0xd7: {  	_ =	strace $0x90000047  }
0xd8: {  	s0 =	stileid.u32;
	[bflag:$0x2] =	sbarrier.arrive $0xFFFF  }
0xd9: {  	p0 =	sne.s32 s0, $0x0;
	s0 =	rddreg [dreg:$0x1]  }
0xda: {  	s0 =	sadd.s32 @!p0 $0x100000, s0  }
0xdb: {  	[sflag:s0] =	ssyncadd.tile.s32 @!p0 $0x1;
	_ =	shalt  }
.Lfunc_end2:
_tile_overlayer_lowered:
.L_overlay_start_2:
0xdc: {  	(tag) =	ssettag $0x2  }
0xdd: {  	s0 =	rddreg [dreg:$0x0];
	s2 =	stileid.u32  }
0xde: {  	s1 =	rddreg [dreg:$0x1];
	p0 =	sne.s32 s2, $0x0  }
0xdf: {  	s3 =	rddreg [dreg:$0x2];
	[bflag:$0x3] =	sbarrier.arrive $0xFFFF;
	s2 =	simm.s32 @!p0 $0x1C0A  }
0xe0: {  	[timem:s3], [sflag:s2] =	dma.local @!p0 [hbm:s0], s1  }
0xe1: {  	s0 =	simm.s32 @!p0 $0xA  }
0xe2: {  	_ =	swait.ge @!p0 [sflag:s0], s1  }
0xe3: {  	s1 =	ssub.s32 @!p0 $0x0, s1;
	[sflag:s0] =	ssyncset.done @!p0 $0x0  }
0xe4: {  	[sflag:s0] =	ssyncadd.s32 @!p0 s1  }
0xe5: {  	[bflag:$0x3] =	sbarrier.arrive $0xFFFF  }
0xe6: {  	_ =	shalt  }

</sc_bundles>
